<compile_context>
chip_gen: v7x
topology: tpu7x:2x2x1
jax: 0.10.2.dev20260603
libtpu: 0.0.44.dev20260713+nightly
codegen_flags: <defaults>
</compile_context>

<pallas_src>
import jax
import jax.numpy as jnp
from jax import lax
from jax.experimental import pallas as pl
from jax.experimental.pallas import tpu as pltpu
from jax.experimental.pallas import tpu_sc as plsc

_BATCH = 4096
_DIM = 64
_BLK = 512
_NSTEP = _BATCH // _BLK
_EPS = 1e-12
_NUM_PAIRS = _BATCH * (_BATCH - 1) // 2

_NC = 2
_NS = 16
_NW = _NC * _NS
_BPW = _BATCH // _NW

_CH = 16


def _gather_body(id_ref, tab_ref, out_ref, out_v, idx_s, sem):
    wid = lax.axis_index("s") * _NC + lax.axis_index("c")
    base = wid * _BPW
    pltpu.sync_copy(id_ref.at[pl.ds(base, _BPW)], idx_s)

    def chunk(ch, carry):
        off = ch * _CH
        gv = idx_s[pl.ds(off, _CH)]
        for r in range(_CH):
            row = gv[r]
            pltpu.make_async_copy(tab_ref.at[pl.ds(row, 1)],
                                  out_v.at[pl.ds(off + r, 1)], sem).start()

        @pl.when(ch > 0)
        def _drain_prev():
            pltpu.make_async_copy(out_ref.at[pl.ds(base, _CH)],
                                  out_v.at[pl.ds(0, _CH)], sem).wait()

        return carry

    lax.fori_loop(0, _BPW // _CH, chunk, 0)
    pltpu.make_async_copy(out_ref.at[pl.ds(base, _CH)],
                          out_v.at[pl.ds(0, _CH)], sem).wait()
    pltpu.sync_copy(out_v, out_ref.at[pl.ds(base, _BPW)])


def _make_gather():
    return pl.kernel(
        _gather_body,
        mesh=plsc.VectorSubcoreMesh(core_axis_name="c", subcore_axis_name="s"),
        out_type=jax.ShapeDtypeStruct((_BATCH, _DIM), jnp.float32),
        scratch_types=[
            pltpu.VMEM((_BPW, _DIM), jnp.float32),
            pltpu.VMEM((_BPW,), jnp.int32),
            pltpu.SemaphoreType.DMA,
        ],
    )


def _block_to_vreg(v):
    acc = lax.slice(v, (0, 0), (8, 128))
    for r in range(v.shape[0] // 8):
        for c in range(v.shape[1] // 128):
            if r == 0 and c == 0:
                continue
            acc = acc + lax.slice(v, (r * 8, c * 128), (r * 8 + 8, c * 128 + 128))
    return acc


def _loss_body(u_ref, p_ref, out_ref, un_ref, pn_ref,
               au_all, au_diag, ap_all, ap_diag, acc_ref, dma_sem):
    i = pl.program_id(0)
    j = pl.program_id(1)

    @pl.when((i == 0) & (j == 0))
    def _init():
        cu = pltpu.make_async_copy(u_ref, un_ref, dma_sem)
        cu.start()
        cu.wait()
        cp_ = pltpu.make_async_copy(p_ref, pn_ref, dma_sem)
        cp_.start()
        cp_.wait()
        u = un_ref[...]
        p = pn_ref[...]
        un = u / jnp.maximum(jnp.sqrt(jnp.sum(u * u, axis=1, keepdims=True)), _EPS)
        pn = p / jnp.maximum(jnp.sqrt(jnp.sum(p * p, axis=1, keepdims=True)), _EPS)
        un_ref[...] = un
        pn_ref[...] = pn
        d = un - pn
        acc_ref[0] = jnp.sum(d * d)
        ru = jnp.sum(un * un, axis=1, keepdims=True)
        rp = jnp.sum(pn * pn, axis=1, keepdims=True)
        acc_ref[1] = jnp.sum(jnp.exp(4.0 * ru - 4.0))
        acc_ref[2] = jnp.sum(jnp.exp(4.0 * rp - 4.0))
        zero = jnp.zeros((8, 128), jnp.float32)
        au_all[...] = zero
        au_diag[...] = zero
        ap_all[...] = zero
        ap_diag[...] = zero

    @pl.when(j >= i)
    def _compute():
        a_u = un_ref[pl.ds(i * _BLK, _BLK), :]
        b_u = un_ref[pl.ds(j * _BLK, _BLK), :]
        g_u = lax.dot_general(a_u, b_u, (((1,), (1,)), ((), ())),
                              preferred_element_type=jnp.float32)
        bv_u = _block_to_vreg(jnp.exp(4.0 * g_u - 4.0))
        au_all[...] += bv_u
        a_p = pn_ref[pl.ds(i * _BLK, _BLK), :]
        b_p = pn_ref[pl.ds(j * _BLK, _BLK), :]
        g_p = lax.dot_general(a_p, b_p, (((1,), (1,)), ((), ())),
                              preferred_element_type=jnp.float32)
        bv_p = _block_to_vreg(jnp.exp(4.0 * g_p - 4.0))
        ap_all[...] += bv_p

        @pl.when(i == j)
        def _diag():
            au_diag[...] += bv_u
            ap_diag[...] += bv_p

    @pl.when((i == _NSTEP - 1) & (j == _NSTEP - 1))
    def _fin():
        s_u = 2.0 * jnp.sum(au_all[...]) - jnp.sum(au_diag[...])
        s_p = 2.0 * jnp.sum(ap_all[...]) - jnp.sum(ap_diag[...])
        align = acc_ref[0] / _BATCH
        mean_u = (s_u - acc_ref[1]) * (0.5 / _NUM_PAIRS)
        mean_p = (s_p - acc_ref[2]) * (0.5 / _NUM_PAIRS)
        lu = jnp.log(jnp.full((1, 128), mean_u, jnp.float32))
        lp = jnp.log(jnp.full((1, 128), mean_p, jnp.float32))
        out_ref[...] = align + 0.5 * (lu + lp)


def _loss(u_emb, p_emb):
    out = pl.pallas_call(
        _loss_body,
        grid=(_NSTEP, _NSTEP),
        in_specs=[pl.BlockSpec(memory_space=pl.ANY)] * 2,
        out_specs=pl.BlockSpec((1, 128), lambda i, j: (0, 0)),
        out_shape=jax.ShapeDtypeStruct((1, 128), jnp.float32),
        scratch_shapes=[
            pltpu.VMEM((_BATCH, _DIM), jnp.float32),
            pltpu.VMEM((_BATCH, _DIM), jnp.float32),
            pltpu.VMEM((8, 128), jnp.float32),
            pltpu.VMEM((8, 128), jnp.float32),
            pltpu.VMEM((8, 128), jnp.float32),
            pltpu.VMEM((8, 128), jnp.float32),
            pltpu.SMEM((8,), jnp.float32),
            pltpu.SemaphoreType.DMA,
        ],
    )(u_emb, p_emb)
    return out[0, 0]



def kernel(user_id, pos_id, neg_id, user_table, item_table):
    gather = _make_gather()
    u_emb = gather(user_id.astype(jnp.int32), user_table)
    p_emb = gather(pos_id.astype(jnp.int32), item_table)
    return _loss(u_emb, p_emb)

# --- scband reference (transcript-rebuilt; emitter-appended) ---
"""Pipeline reference for scband-direct-aumodel-4827543241263 (READ-ONLY COPY).

The authoritative reference and input builder live on the scoring server;
editing this copy changes nothing except your own understanding.
"""

import jax, jax.numpy as jnp
import numpy as np

NUM_USERS = 100000
NUM_ITEMS = 100000
DIM = 64
BATCH = 4096
GAMMA = 1.0


def _normalize(x, axis=-1, eps=1e-12):
    n = jnp.linalg.norm(x, axis=axis, keepdims=True)
    return x / jnp.maximum(n, eps)


def _alignment(x, y):
    xn = _normalize(x, axis=-1)
    yn = _normalize(y, axis=-1)
    return jnp.mean(jnp.sum((xn - yn) ** 2, axis=1))


def _uniformity(x):
    xn = _normalize(x, axis=-1)
    # pairwise squared euclidean distances via gram matrix (rows are unit norm)
    gram = xn @ xn.T
    sq = jnp.clip(2.0 - 2.0 * gram, 0.0, None)
    n = xn.shape[0]
    mask = jnp.triu(jnp.ones((n, n), dtype=bool), k=1)
    vals = jnp.exp(-2.0 * sq)
    num_pairs = n * (n - 1) // 2
    mean_val = jnp.sum(jnp.where(mask, vals, 0.0)) / num_pairs
    return jnp.log(mean_val)


def setup_inputs(seed: int = 0) -> dict:
    key = jax.random.key(seed)
    k1, k2, k3, k4, k5 = jax.random.split(key, 5)
    user_id = jax.random.randint(k1, (BATCH,), 0, NUM_USERS)
    pos_id = jax.random.randint(k2, (BATCH,), 0, NUM_ITEMS)
    neg_id = jax.random.randint(k3, (BATCH,), 0, NUM_ITEMS)
    user_table = jax.random.normal(k4, (NUM_USERS, DIM), dtype=jnp.float32) * 0.01
    item_table = jax.random.normal(k5, (NUM_ITEMS, DIM), dtype=jnp.float32) * 0.01
    return {
        "user_id": user_id,
        "pos_id": pos_id,
        "neg_id": neg_id,
        "user_table": user_table,
        "item_table": item_table,
    }


def reference(user_id, pos_id, neg_id, user_table, item_table):
    # embedding gathers (SparseCore-friendly)
    user_emb = jnp.take(user_table, user_id, axis=0)
    pos_emb = jnp.take(item_table, pos_id, axis=0)
    # neg_id is unused in the original forward (it only computes DirectAU loss)
    align = _alignment(user_emb, pos_emb)
    uniform = (_uniformity(user_emb) + _uniformity(pos_emb)) / 2.0
    loss = align + GAMMA * uniform
    return loss

if __name__ == "__main__":
    import jax
    _d = setup_inputs()
    print(jax.jit(kernel)(*tuple(_d.values())))

</pallas_src>

<mosaic_0001>
#map = affine_map<(d0, d1) -> (0)>
#map1 = affine_map<(d0, d1) -> (0, 0)>
module attributes {stable_mosaic.version = 14 : i64} {
  func.func @_gather_body(%arg0: i32, %arg1: i32, %arg2: memref<4096xi32, #tpu.memory_space<hbm>>, %arg3: memref<100000x64xf32, #tpu.memory_space<hbm>>, %arg4: memref<4096x64xf32, #tpu.memory_space<hbm>>, %arg5: memref<128x64xf32, #tpu.memory_space<vmem>>, %arg6: memref<128xi32, #tpu.memory_space<vmem>>, %arg7: memref<!tpu.dma_semaphore, #tpu.memory_space<semaphore_mem>>) attributes {dimension_semantics = [#tpu.dimension_semantics<core_parallel>, #tpu.dimension_semantics<subcore_parallel>], iteration_bounds = array<i64: 2, 16>, scalar_prefetch = 0 : i64, scratch_operands = 3 : i64, tpu.core_type = #tpu.core_type<sc_vector_subcore>, window_params = [{transform_indices = #map}, {transform_indices = #map1}, {transform_indices = #map1}]} {
    %mul3A = arith.constant 2 : i32
    %mul3A_0 = arith.muli %arg1, %mul3A : i32
    %add3A = arith.addi %mul3A_0, %arg0 : i32
    %mul3A_1 = arith.constant 128 : i32
    %mul3A_2 = arith.muli %add3A, %mul3A_1 : i32
    "tpu.region"() ({
      %run_scoped3A = tpu.sem_alloc : memref<!tpu.dma_semaphore, #tpu.memory_space<semaphore_mem>>
      %dma_start3A = tpu.memref_slice %arg2[%mul3A_2] : memref<4096xi32, #tpu.memory_space<hbm>> -> memref<128xi32, #tpu.memory_space<hbm>>
      %dma_start3A_17 = tpu.memref_slice %arg2[%mul3A_2] : memref<4096xi32, #tpu.memory_space<hbm>> -> memref<128xi32, #tpu.memory_space<hbm>>
      tpu.enqueue_dma source(%dma_start3A_17 : memref<128xi32, #tpu.memory_space<hbm>>) target(%arg6 : memref<128xi32, #tpu.memory_space<vmem>>) target_semaphore(%run_scoped3A : memref<!tpu.dma_semaphore, #tpu.memory_space<semaphore_mem>>)
      %dma_wait3A_18 = tpu.memref_slice %arg2[%mul3A_2] : memref<4096xi32, #tpu.memory_space<hbm>> -> memref<128xi32, #tpu.memory_space<hbm>>
      %dma_wait3A_19 = tpu.memref_slice %arg2[%mul3A_2] : memref<4096xi32, #tpu.memory_space<hbm>> -> memref<128xi32, #tpu.memory_space<hbm>>
      tpu.wait_dma2 semaphore(%run_scoped3A : memref<!tpu.dma_semaphore, #tpu.memory_space<semaphore_mem>>) src(%dma_wait3A_19 : memref<128xi32, #tpu.memory_space<hbm>>) dst(%arg6 : memref<128xi32, #tpu.memory_space<vmem>>)
      tpu.yield
    }) : () -> ()
    %scan3A = arith.constant 0 : i32
    %scan3A_3 = arith.constant 0 : i32
    %scan3A_4 = arith.constant 8 : i32
    %scan3A_5 = arith.addi %scan3A_3, %scan3A_4 : i32
    %scan3A_6 = arith.constant 1 : i32
    scf.for %scan3A_17 = %scan3A_3 to %scan3A_5 step %scan3A_6  : i32 {
      %mul3A_18 = arith.constant 16 : i32
      %mul3A_19 = arith.muli %scan3A_17, %mul3A_18 : i32
      %get3A = arith.index_cast %mul3A_19 : i32 to index
      %get3A_20 = tpu.vector_load %arg6[%get3A] {strides = array<i32>} : memref<128xi32, #tpu.memory_space<vmem>>, vector<16xi32>,
      %get3A_21 = vector.shape_cast %get3A_20 : vector<16xi32> to vector<16xi32>
      %slice3A = vector.extract_strided_slice %get3A_21 {offsets = [0], sizes = [1], strides = [1]} : vector<16xi32> to vector<1xi32>
      %squeeze3A = vector.extract %slice3A[0] : i32 from vector<1xi32>
      %add3A_22 = arith.constant 0 : i32
      %add3A_23 = arith.addi %mul3A_19, %add3A_22 : i32
      %dma_start3A = arith.constant 0 : i32
      %dma_start3A_24 = tpu.memref_slice %arg5[%add3A_23, %dma_start3A] : memref<128x64xf32, #tpu.memory_space<vmem>> -> memref<1x64xf32, #tpu.memory_space<vmem>>
      %dma_start3A_25 = arith.constant 0 : i32
      %dma_start3A_26 = tpu.memref_slice %arg3[%squeeze3A, %dma_start3A_25] : memref<100000x64xf32, #tpu.memory_space<hbm>> -> memref<1x64xf32, #tpu.memory_space<hbm>>
      %dma_start3A_27 = arith.constant 0 : i32
      %dma_start3A_28 = tpu.memref_slice %arg5[%add3A_23, %dma_start3A_27] : memref<128x64xf32, #tpu.memory_space<vmem>> -> memref<1x64xf32, #tpu.memory_space<vmem>>
      %dma_start3A_29 = arith.constant 0 : i32
      %dma_start3A_30 = tpu.memref_slice %arg3[%squeeze3A, %dma_start3A_29] : memref<100000x64xf32, #tpu.memory_space<hbm>> -> memref<1x64xf32, #tpu.memory_space<hbm>>
      tpu.enqueue_dma source(%dma_start3A_30 : memref<1x64xf32, #tpu.memory_space<hbm>>) target(%dma_start3A_28 : memref<1x64xf32, #tpu.memory_space<vmem>>) target_semaphore(%arg7 : memref<!tpu.dma_semaphore, #tpu.memory_space<semaphore_mem>>)
      %slice3A_31 = vector.extract_strided_slice %get3A_21 {offsets = [1], sizes = [1], strides = [1]} : vector<16xi32> to vector<1xi32>
      %squeeze3A_32 = vector.extract %slice3A_31[0] : i32 from vector<1xi32>
      %add3A_33 = arith.constant 1 : i32
      %add3A_34 = arith.addi %mul3A_19, %add3A_33 : i32
      %dma_start3A_35 = arith.constant 0 : i32
      %dma_start3A_36 = tpu.memref_slice %arg5[%add3A_34, %dma_start3A_35] : memref<128x64xf32, #tpu.memory_space<vmem>> -> memref<1x64xf32, #tpu.memory_space<vmem>>
      %dma_start3A_37 = arith.constant 0 : i32
      %dma_start3A_38 = tpu.memref_slice %arg3[%squeeze3A_32, %dma_start3A_37] : memref<100000x64xf32, #tpu.memory_space<hbm>> -> memref<1x64xf32, #tpu.memory_space<hbm>>
      %dma_start3A_39 = arith.constant 0 : i32
      %dma_start3A_40 = tpu.memref_slice %arg5[%add3A_34, %dma_start3A_39] : memref<128x64xf32, #tpu.memory_space<vmem>> -> memref<1x64xf32, #tpu.memory_space<vmem>>
      %dma_start3A_41 = arith.constant 0 : i32
      %dma_start3A_42 = tpu.memref_slice %arg3[%squeeze3A_32, %dma_start3A_41] : memref<100000x64xf32, #tpu.memory_space<hbm>> -> memref<1x64xf32, #tpu.memory_space<hbm>>
      tpu.enqueue_dma source(%dma_start3A_42 : memref<1x64xf32, #tpu.memory_space<hbm>>) target(%dma_start3A_40 : memref<1x64xf32, #tpu.memory_space<vmem>>) target_semaphore(%arg7 : memref<!tpu.dma_semaphore, #tpu.memory_space<semaphore_mem>>)
      %slice3A_43 = vector.extract_strided_slice %get3A_21 {offsets = [2], sizes = [1], strides = [1]} : vector<16xi32> to vector<1xi32>
      %squeeze3A_44 = vector.extract %slice3A_43[0] : i32 from vector<1xi32>
      %add3A_45 = arith.constant 2 : i32
      %add3A_46 = arith.addi %mul3A_19, %add3A_45 : i32
      %dma_start3A_47 = arith.constant 0 : i32
      %dma_start3A_48 = tpu.memref_slice %arg5[%add3A_46, %dma_start3A_47] : memref<128x64xf32, #tpu.memory_space<vmem>> -> memref<1x64xf32, #tpu.memory_space<vmem>>
      %dma_start3A_49 = arith.constant 0 : i32
      %dma_start3A_50 = tpu.memref_slice %arg3[%squeeze3A_44, %dma_start3A_49] : memref<100000x64xf32, #tpu.memory_space<hbm>> -> memref<1x64xf32, #tpu.memory_space<hbm>>
      %dma_start3A_51 = arith.constant 0 : i32
      %dma_start3A_52 = tpu.memref_slice %arg5[%add3A_46, %dma_start3A_51] : memref<128x64xf32, #tpu.memory_space<vmem>> -> memref<1x64xf32, #tpu.memory_space<vmem>>
      %dma_start3A_53 = arith.constant 0 : i32
      %dma_start3A_54 = tpu.memref_slice %arg3[%squeeze3A_44, %dma_start3A_53] : memref<100000x64xf32, #tpu.memory_space<hbm>> -> memref<1x64xf32, #tpu.memory_space<hbm>>
      tpu.enqueue_dma source(%dma_start3A_54 : memref<1x64xf32, #tpu.memory_space<hbm>>) target(%dma_start3A_52 : memref<1x64xf32, #tpu.memory_space<vmem>>) target_semaphore(%arg7 : memref<!tpu.dma_semaphore, #tpu.memory_space<semaphore_mem>>)
      %slice3A_55 = vector.extract_strided_slice %get3A_21 {offsets = [3], sizes = [1], strides = [1]} : vector<16xi32> to vector<1xi32>
      %squeeze3A_56 = vector.extract %slice3A_55[0] : i32 from vector<1xi32>
      %add3A_57 = arith.constant 3 : i32
      %add3A_58 = arith.addi %mul3A_19, %add3A_57 : i32
      %dma_start3A_59 = arith.constant 0 : i32
      %dma_start3A_60 = tpu.memref_slice %arg5[%add3A_58, %dma_start3A_59] : memref<128x64xf32, #tpu.memory_space<vmem>> -> memref<1x64xf32, #tpu.memory_space<vmem>>
      %dma_start3A_61 = arith.constant 0 : i32
      %dma_start3A_62 = tpu.memref_slice %arg3[%squeeze3A_56, %dma_start3A_61] : memref<100000x64xf32, #tpu.memory_space<hbm>> -> memref<1x64xf32, #tpu.memory_space<hbm>>
      %dma_start3A_63 = arith.constant 0 : i32
      %dma_start3A_64 = tpu.memref_slice %arg5[%add3A_58, %dma_start3A_63] : memref<128x64xf32, #tpu.memory_space<vmem>> -> memref<1x64xf32, #tpu.memory_space<vmem>>
      %dma_start3A_65 = arith.constant 0 : i32
      %dma_start3A_66 = tpu.memref_slice %arg3[%squeeze3A_56, %dma_start3A_65] : memref<100000x64xf32, #tpu.memory_space<hbm>> -> memref<1x64xf32, #tpu.memory_space<hbm>>
      tpu.enqueue_dma source(%dma_start3A_66 : memref<1x64xf32, #tpu.memory_space<hbm>>) target(%dma_start3A_64 : memref<1x64xf32, #tpu.memory_space<vmem>>) target_semaphore(%arg7 : memref<!tpu.dma_semaphore, #tpu.memory_space<semaphore_mem>>)
      %slice3A_67 = vector.extract_strided_slice %get3A_21 {offsets = [4], sizes = [1], strides = [1]} : vector<16xi32> to vector<1xi32>
      %squeeze3A_68 = vector.extract %slice3A_67[0] : i32 from vector<1xi32>
      %add3A_69 = arith.constant 4 : i32
      %add3A_70 = arith.addi %mul3A_19, %add3A_69 : i32
      %dma_start3A_71 = arith.constant 0 : i32
      %dma_start3A_72 = tpu.memref_slice %arg5[%add3A_70, %dma_start3A_71] : memref<128x64xf32, #tpu.memory_space<vmem>> -> memref<1x64xf32, #tpu.memory_space<vmem>>
      %dma_start3A_73 = arith.constant 0 : i32
      %dma_start3A_74 = tpu.memref_slice %arg3[%squeeze3A_68, %dma_start3A_73] : memref<100000x64xf32, #tpu.memory_space<hbm>> -> memref<1x64xf32, #tpu.memory_space<hbm>>
      %dma_start3A_75 = arith.constant 0 : i32
      %dma_start3A_76 = tpu.memref_slice %arg5[%add3A_70, %dma_start3A_75] : memref<128x64xf32, #tpu.memory_space<vmem>> -> memref<1x64xf32, #tpu.memory_space<vmem>>
      %dma_start3A_77 = arith.constant 0 : i32
      %dma_start3A_78 = tpu.memref_slice %arg3[%squeeze3A_68, %dma_start3A_77] : memref<100000x64xf32, #tpu.memory_space<hbm>> -> memref<1x64xf32, #tpu.memory_space<hbm>>
      tpu.enqueue_dma source(%dma_start3A_78 : memref<1x64xf32, #tpu.memory_space<hbm>>) target(%dma_start3A_76 : memref<1x64xf32, #tpu.memory_space<vmem>>) target_semaphore(%arg7 : memref<!tpu.dma_semaphore, #tpu.memory_space<semaphore_mem>>)
      %slice3A_79 = vector.extract_strided_slice %get3A_21 {offsets = [5], sizes = [1], strides = [1]} : vector<16xi32> to vector<1xi32>
      %squeeze3A_80 = vector.extract %slice3A_79[0] : i32 from vector<1xi32>
      %add3A_81 = arith.constant 5 : i32
      %add3A_82 = arith.addi %mul3A_19, %add3A_81 : i32
      %dma_start3A_83 = arith.constant 0 : i32
      %dma_start3A_84 = tpu.memref_slice %arg5[%add3A_82, %dma_start3A_83] : memref<128x64xf32, #tpu.memory_space<vmem>> -> memref<1x64xf32, #tpu.memory_space<vmem>>
      %dma_start3A_85 = arith.constant 0 : i32
      %dma_start3A_86 = tpu.memref_slice %arg3[%squeeze3A_80, %dma_start3A_85] : memref<100000x64xf32, #tpu.memory_space<hbm>> -> memref<1x64xf32, #tpu.memory_space<hbm>>
      %dma_start3A_87 = arith.constant 0 : i32
      %dma_start3A_88 = tpu.memref_slice %arg5[%add3A_82, %dma_start3A_87] : memref<128x64xf32, #tpu.memory_space<vmem>> -> memref<1x64xf32, #tpu.memory_space<vmem>>
      %dma_start3A_89 = arith.constant 0 : i32
      %dma_start3A_90 = tpu.memref_slice %arg3[%squeeze3A_80, %dma_start3A_89] : memref<100000x64xf32, #tpu.memory_space<hbm>> -> memref<1x64xf32, #tpu.memory_space<hbm>>
      tpu.enqueue_dma source(%dma_start3A_90 : memref<1x64xf32, #tpu.memory_space<hbm>>) target(%dma_start3A_88 : memref<1x64xf32, #tpu.memory_space<vmem>>) target_semaphore(%arg7 : memref<!tpu.dma_semaphore, #tpu.memory_space<semaphore_mem>>)
      %slice3A_91 = vector.extract_strided_slice %get3A_21 {offsets = [6], sizes = [1], strides = [1]} : vector<16xi32> to vector<1xi32>
      %squeeze3A_92 = vector.extract %slice3A_91[0] : i32 from vector<1xi32>
      %add3A_93 = arith.constant 6 : i32
      %add3A_94 = arith.addi %mul3A_19, %add3A_93 : i32
      %dma_start3A_95 = arith.constant 0 : i32
      %dma_start3A_96 = tpu.memref_slice %arg5[%add3A_94, %dma_start3A_95] : memref<128x64xf32, #tpu.memory_space<vmem>> -> memref<1x64xf32, #tpu.memory_space<vmem>>
      %dma_start3A_97 = arith.constant 0 : i32
      %dma_start3A_98 = tpu.memref_slice %arg3[%squeeze3A_92, %dma_start3A_97] : memref<100000x64xf32, #tpu.memory_space<hbm>> -> memref<1x64xf32, #tpu.memory_space<hbm>>
      %dma_start3A_99 = arith.constant 0 : i32
      %dma_start3A_100 = tpu.memref_slice %arg5[%add3A_94, %dma_start3A_99] : memref<128x64xf32, #tpu.memory_space<vmem>> -> memref<1x64xf32, #tpu.memory_space<vmem>>
      %dma_start3A_101 = arith.constant 0 : i32
      %dma_start3A_102 = tpu.memref_slice %arg3[%squeeze3A_92, %dma_start3A_101] : memref<100000x64xf32, #tpu.memory_space<hbm>> -> memref<1x64xf32, #tpu.memory_space<hbm>>
      tpu.enqueue_dma source(%dma_start3A_102 : memref<1x64xf32, #tpu.memory_space<hbm>>) target(%dma_start3A_100 : memref<1x64xf32, #tpu.memory_space<vmem>>) target_semaphore(%arg7 : memref<!tpu.dma_semaphore, #tpu.memory_space<semaphore_mem>>)
      %slice3A_103 = vector.extract_strided_slice %get3A_21 {offsets = [7], sizes = [1], strides = [1]} : vector<16xi32> to vector<1xi32>
      %squeeze3A_104 = vector.extract %slice3A_103[0] : i32 from vector<1xi32>
      %add3A_105 = arith.constant 7 : i32
      %add3A_106 = arith.addi %mul3A_19, %add3A_105 : i32
      %dma_start3A_107 = arith.constant 0 : i32
      %dma_start3A_108 = tpu.memref_slice %arg5[%add3A_106, %dma_start3A_107] : memref<128x64xf32, #tpu.memory_space<vmem>> -> memref<1x64xf32, #tpu.memory_space<vmem>>
      %dma_start3A_109 = arith.constant 0 : i32
      %dma_start3A_110 = tpu.memref_slice %arg3[%squeeze3A_104, %dma_start3A_109] : memref<100000x64xf32, #tpu.memory_space<hbm>> -> memref<1x64xf32, #tpu.memory_space<hbm>>
      %dma_start3A_111 = arith.constant 0 : i32
      %dma_start3A_112 = tpu.memref_slice %arg5[%add3A_106, %dma_start3A_111] : memref<128x64xf32, #tpu.memory_space<vmem>> -> memref<1x64xf32, #tpu.memory_space<vmem>>
      %dma_start3A_113 = arith.constant 0 : i32
      %dma_start3A_114 = tpu.memref_slice %arg3[%squeeze3A_104, %dma_start3A_113] : memref<100000x64xf32, #tpu.memory_space<hbm>> -> memref<1x64xf32, #tpu.memory_space<hbm>>
      tpu.enqueue_dma source(%dma_start3A_114 : memref<1x64xf32, #tpu.memory_space<hbm>>) target(%dma_start3A_112 : memref<1x64xf32, #tpu.memory_space<vmem>>) target_semaphore(%arg7 : memref<!tpu.dma_semaphore, #tpu.memory_space<semaphore_mem>>)
      %slice3A_115 = vector.extract_strided_slice %get3A_21 {offsets = [8], sizes = [1], strides = [1]} : vector<16xi32> to vector<1xi32>
      %squeeze3A_116 = vector.extract %slice3A_115[0] : i32 from vector<1xi32>
      %add3A_117 = arith.constant 8 : i32
      %add3A_118 = arith.addi %mul3A_19, %add3A_117 : i32
      %dma_start3A_119 = arith.constant 0 : i32
      %dma_start3A_120 = tpu.memref_slice %arg5[%add3A_118, %dma_start3A_119] : memref<128x64xf32, #tpu.memory_space<vmem>> -> memref<1x64xf32, #tpu.memory_space<vmem>>
      %dma_start3A_121 = arith.constant 0 : i32
      %dma_start3A_122 = tpu.memref_slice %arg3[%squeeze3A_116, %dma_start3A_121] : memref<100000x64xf32, #tpu.memory_space<hbm>> -> memref<1x64xf32, #tpu.memory_space<hbm>>
      %dma_start3A_123 = arith.constant 0 : i32
      %dma_start3A_124 = tpu.memref_slice %arg5[%add3A_118, %dma_start3A_123] : memref<128x64xf32, #tpu.memory_space<vmem>> -> memref<1x64xf32, #tpu.memory_space<vmem>>
      %dma_start3A_125 = arith.constant 0 : i32
      %dma_start3A_126 = tpu.memref_slice %arg3[%squeeze3A_116, %dma_start3A_125] : memref<100000x64xf32, #tpu.memory_space<hbm>> -> memref<1x64xf32, #tpu.memory_space<hbm>>
      tpu.enqueue_dma source(%dma_start3A_126 : memref<1x64xf32, #tpu.memory_space<hbm>>) target(%dma_start3A_124 : memref<1x64xf32, #tpu.memory_space<vmem>>) target_semaphore(%arg7 : memref<!tpu.dma_semaphore, #tpu.memory_space<semaphore_mem>>)
      %slice3A_127 = vector.extract_strided_slice %get3A_21 {offsets = [9], sizes = [1], strides = [1]} : vector<16xi32> to vector<1xi32>
      %squeeze3A_128 = vector.extract %slice3A_127[0] : i32 from vector<1xi32>
      %add3A_129 = arith.constant 9 : i32
      %add3A_130 = arith.addi %mul3A_19, %add3A_129 : i32
      %dma_start3A_131 = arith.constant 0 : i32
      %dma_start3A_132 = tpu.memref_slice %arg5[%add3A_130, %dma_start3A_131] : memref<128x64xf32, #tpu.memory_space<vmem>> -> memref<1x64xf32, #tpu.memory_space<vmem>>
      %dma_start3A_133 = arith.constant 0 : i32
      %dma_start3A_134 = tpu.memref_slice %arg3[%squeeze3A_128, %dma_start3A_133] : memref<100000x64xf32, #tpu.memory_space<hbm>> -> memref<1x64xf32, #tpu.memory_space<hbm>>
      %dma_start3A_135 = arith.constant 0 : i32
      %dma_start3A_136 = tpu.memref_slice %arg5[%add3A_130, %dma_start3A_135] : memref<128x64xf32, #tpu.memory_space<vmem>> -> memref<1x64xf32, #tpu.memory_space<vmem>>
      %dma_start3A_137 = arith.constant 0 : i32
      %dma_start3A_138 = tpu.memref_slice %arg3[%squeeze3A_128, %dma_start3A_137] : memref<100000x64xf32, #tpu.memory_space<hbm>> -> memref<1x64xf32, #tpu.memory_space<hbm>>
      tpu.enqueue_dma source(%dma_start3A_138 : memref<1x64xf32, #tpu.memory_space<hbm>>) target(%dma_start3A_136 : memref<1x64xf32, #tpu.memory_space<vmem>>) target_semaphore(%arg7 : memref<!tpu.dma_semaphore, #tpu.memory_space<semaphore_mem>>)
      %slice3A_139 = vector.extract_strided_slice %get3A_21 {offsets = [10], sizes = [1], strides = [1]} : vector<16xi32> to vector<1xi32>
      %squeeze3A_140 = vector.extract %slice3A_139[0] : i32 from vector<1xi32>
      %add3A_141 = arith.constant 10 : i32
      %add3A_142 = arith.addi %mul3A_19, %add3A_141 : i32
      %dma_start3A_143 = arith.constant 0 : i32
      %dma_start3A_144 = tpu.memref_slice %arg5[%add3A_142, %dma_start3A_143] : memref<128x64xf32, #tpu.memory_space<vmem>> -> memref<1x64xf32, #tpu.memory_space<vmem>>
      %dma_start3A_145 = arith.constant 0 : i32
      %dma_start3A_146 = tpu.memref_slice %arg3[%squeeze3A_140, %dma_start3A_145] : memref<100000x64xf32, #tpu.memory_space<hbm>> -> memref<1x64xf32, #tpu.memory_space<hbm>>
      %dma_start3A_147 = arith.constant 0 : i32
      %dma_start3A_148 = tpu.memref_slice %arg5[%add3A_142, %dma_start3A_147] : memref<128x64xf32, #tpu.memory_space<vmem>> -> memref<1x64xf32, #tpu.memory_space<vmem>>
      %dma_start3A_149 = arith.constant 0 : i32
      %dma_start3A_150 = tpu.memref_slice %arg3[%squeeze3A_140, %dma_start3A_149] : memref<100000x64xf32, #tpu.memory_space<hbm>> -> memref<1x64xf32, #tpu.memory_space<hbm>>
      tpu.enqueue_dma source(%dma_start3A_150 : memref<1x64xf32, #tpu.memory_space<hbm>>) target(%dma_start3A_148 : memref<1x64xf32, #tpu.memory_space<vmem>>) target_semaphore(%arg7 : memref<!tpu.dma_semaphore, #tpu.memory_space<semaphore_mem>>)
      %slice3A_151 = vector.extract_strided_slice %get3A_21 {offsets = [11], sizes = [1], strides = [1]} : vector<16xi32> to vector<1xi32>
      %squeeze3A_152 = vector.extract %slice3A_151[0] : i32 from vector<1xi32>
      %add3A_153 = arith.constant 11 : i32
      %add3A_154 = arith.addi %mul3A_19, %add3A_153 : i32
      %dma_start3A_155 = arith.constant 0 : i32
      %dma_start3A_156 = tpu.memref_slice %arg5[%add3A_154, %dma_start3A_155] : memref<128x64xf32, #tpu.memory_space<vmem>> -> memref<1x64xf32, #tpu.memory_space<vmem>>
      %dma_start3A_157 = arith.constant 0 : i32
      %dma_start3A_158 = tpu.memref_slice %arg3[%squeeze3A_152, %dma_start3A_157] : memref<100000x64xf32, #tpu.memory_space<hbm>> -> memref<1x64xf32, #tpu.memory_space<hbm>>
      %dma_start3A_159 = arith.constant 0 : i32
      %dma_start3A_160 = tpu.memref_slice %arg5[%add3A_154, %dma_start3A_159] : memref<128x64xf32, #tpu.memory_space<vmem>> -> memref<1x64xf32, #tpu.memory_space<vmem>>
      %dma_start3A_161 = arith.constant 0 : i32
      %dma_start3A_162 = tpu.memref_slice %arg3[%squeeze3A_152, %dma_start3A_161] : memref<100000x64xf32, #tpu.memory_space<hbm>> -> memref<1x64xf32, #tpu.memory_space<hbm>>
      tpu.enqueue_dma source(%dma_start3A_162 : memref<1x64xf32, #tpu.memory_space<hbm>>) target(%dma_start3A_160 : memref<1x64xf32, #tpu.memory_space<vmem>>) target_semaphore(%arg7 : memref<!tpu.dma_semaphore, #tpu.memory_space<semaphore_mem>>)
      %slice3A_163 = vector.extract_strided_slice %get3A_21 {offsets = [12], sizes = [1], strides = [1]} : vector<16xi32> to vector<1xi32>
      %squeeze3A_164 = vector.extract %slice3A_163[0] : i32 from vector<1xi32>
      %add3A_165 = arith.constant 12 : i32
      %add3A_166 = arith.addi %mul3A_19, %add3A_165 : i32
      %dma_start3A_167 = arith.constant 0 : i32
      %dma_start3A_168 = tpu.memref_slice %arg5[%add3A_166, %dma_start3A_167] : memref<128x64xf32, #tpu.memory_space<vmem>> -> memref<1x64xf32, #tpu.memory_space<vmem>>
      %dma_start3A_169 = arith.constant 0 : i32
      %dma_start3A_170 = tpu.memref_slice %arg3[%squeeze3A_164, %dma_start3A_169] : memref<100000x64xf32, #tpu.memory_space<hbm>> -> memref<1x64xf32, #tpu.memory_space<hbm>>
      %dma_start3A_171 = arith.constant 0 : i32
      %dma_start3A_172 = tpu.memref_slice %arg5[%add3A_166, %dma_start3A_171] : memref<128x64xf32, #tpu.memory_space<vmem>> -> memref<1x64xf32, #tpu.memory_space<vmem>>
      %dma_start3A_173 = arith.constant 0 : i32
      %dma_start3A_174 = tpu.memref_slice %arg3[%squeeze3A_164, %dma_start3A_173] : memref<100000x64xf32, #tpu.memory_space<hbm>> -> memref<1x64xf32, #tpu.memory_space<hbm>>
      tpu.enqueue_dma source(%dma_start3A_174 : memref<1x64xf32, #tpu.memory_space<hbm>>) target(%dma_start3A_172 : memref<1x64xf32, #tpu.memory_space<vmem>>) target_semaphore(%arg7 : memref<!tpu.dma_semaphore, #tpu.memory_space<semaphore_mem>>)
      %slice3A_175 = vector.extract_strided_slice %get3A_21 {offsets = [13], sizes = [1], strides = [1]} : vector<16xi32> to vector<1xi32>
      %squeeze3A_176 = vector.extract %slice3A_175[0] : i32 from vector<1xi32>
      %add3A_177 = arith.constant 13 : i32
      %add3A_178 = arith.addi %mul3A_19, %add3A_177 : i32
      %dma_start3A_179 = arith.constant 0 : i32
      %dma_start3A_180 = tpu.memref_slice %arg5[%add3A_178, %dma_start3A_179] : memref<128x64xf32, #tpu.memory_space<vmem>> -> memref<1x64xf32, #tpu.memory_space<vmem>>
      %dma_start3A_181 = arith.constant 0 : i32
      %dma_start3A_182 = tpu.memref_slice %arg3[%squeeze3A_176, %dma_start3A_181] : memref<100000x64xf32, #tpu.memory_space<hbm>> -> memref<1x64xf32, #tpu.memory_space<hbm>>
      %dma_start3A_183 = arith.constant 0 : i32
      %dma_start3A_184 = tpu.memref_slice %arg5[%add3A_178, %dma_start3A_183] : memref<128x64xf32, #tpu.memory_space<vmem>> -> memref<1x64xf32, #tpu.memory_space<vmem>>
      %dma_start3A_185 = arith.constant 0 : i32
      %dma_start3A_186 = tpu.memref_slice %arg3[%squeeze3A_176, %dma_start3A_185] : memref<100000x64xf32, #tpu.memory_space<hbm>> -> memref<1x64xf32, #tpu.memory_space<hbm>>
      tpu.enqueue_dma source(%dma_start3A_186 : memref<1x64xf32, #tpu.memory_space<hbm>>) target(%dma_start3A_184 : memref<1x64xf32, #tpu.memory_space<vmem>>) target_semaphore(%arg7 : memref<!tpu.dma_semaphore, #tpu.memory_space<semaphore_mem>>)
      %slice3A_187 = vector.extract_strided_slice %get3A_21 {offsets = [14], sizes = [1], strides = [1]} : vector<16xi32> to vector<1xi32>
      %squeeze3A_188 = vector.extract %slice3A_187[0] : i32 from vector<1xi32>
      %add3A_189 = arith.constant 14 : i32
      %add3A_190 = arith.addi %mul3A_19, %add3A_189 : i32
      %dma_start3A_191 = arith.constant 0 : i32
      %dma_start3A_192 = tpu.memref_slice %arg5[%add3A_190, %dma_start3A_191] : memref<128x64xf32, #tpu.memory_space<vmem>> -> memref<1x64xf32, #tpu.memory_space<vmem>>
      %dma_start3A_193 = arith.constant 0 : i32
      %dma_start3A_194 = tpu.memref_slice %arg3[%squeeze3A_188, %dma_start3A_193] : memref<100000x64xf32, #tpu.memory_space<hbm>> -> memref<1x64xf32, #tpu.memory_space<hbm>>
      %dma_start3A_195 = arith.constant 0 : i32
      %dma_start3A_196 = tpu.memref_slice %arg5[%add3A_190, %dma_start3A_195] : memref<128x64xf32, #tpu.memory_space<vmem>> -> memref<1x64xf32, #tpu.memory_space<vmem>>
      %dma_start3A_197 = arith.constant 0 : i32
      %dma_start3A_198 = tpu.memref_slice %arg3[%squeeze3A_188, %dma_start3A_197] : memref<100000x64xf32, #tpu.memory_space<hbm>> -> memref<1x64xf32, #tpu.memory_space<hbm>>
      tpu.enqueue_dma source(%dma_start3A_198 : memref<1x64xf32, #tpu.memory_space<hbm>>) target(%dma_start3A_196 : memref<1x64xf32, #tpu.memory_space<vmem>>) target_semaphore(%arg7 : memref<!tpu.dma_semaphore, #tpu.memory_space<semaphore_mem>>)
      %slice3A_199 = vector.extract_strided_slice %get3A_21 {offsets = [15], sizes = [1], strides = [1]} : vector<16xi32> to vector<1xi32>
      %squeeze3A_200 = vector.extract %slice3A_199[0] : i32 from vector<1xi32>
      %add3A_201 = arith.constant 15 : i32
      %add3A_202 = arith.addi %mul3A_19, %add3A_201 : i32
      %dma_start3A_203 = arith.constant 0 : i32
      %dma_start3A_204 = tpu.memref_slice %arg5[%add3A_202, %dma_start3A_203] : memref<128x64xf32, #tpu.memory_space<vmem>> -> memref<1x64xf32, #tpu.memory_space<vmem>>
      %dma_start3A_205 = arith.constant 0 : i32
      %dma_start3A_206 = tpu.memref_slice %arg3[%squeeze3A_200, %dma_start3A_205] : memref<100000x64xf32, #tpu.memory_space<hbm>> -> memref<1x64xf32, #tpu.memory_space<hbm>>
      %dma_start3A_207 = arith.constant 0 : i32
      %dma_start3A_208 = tpu.memref_slice %arg5[%add3A_202, %dma_start3A_207] : memref<128x64xf32, #tpu.memory_space<vmem>> -> memref<1x64xf32, #tpu.memory_space<vmem>>
      %dma_start3A_209 = arith.constant 0 : i32
      %dma_start3A_210 = tpu.memref_slice %arg3[%squeeze3A_200, %dma_start3A_209] : memref<100000x64xf32, #tpu.memory_space<hbm>> -> memref<1x64xf32, #tpu.memory_space<hbm>>
      tpu.enqueue_dma source(%dma_start3A_210 : memref<1x64xf32, #tpu.memory_space<hbm>>) target(%dma_start3A_208 : memref<1x64xf32, #tpu.memory_space<vmem>>) target_semaphore(%arg7 : memref<!tpu.dma_semaphore, #tpu.memory_space<semaphore_mem>>)
      %gt3A = arith.constant 0 : i32
      %gt3A_211 = arith.cmpi sgt, %scan3A_17, %gt3A : i32
      %convert_element_type3A = arith.extui %gt3A_211 : i1 to i32
      %cond3A = arith.constant 0 : i32
      %cond3A_212 = arith.cmpi ne, %convert_element_type3A, %cond3A : i32
      scf.if %cond3A_212 {
        %dma_wait3A_213 = arith.constant 0 : i32
        %dma_wait3A_214 = arith.constant 0 : i32
        %dma_wait3A_215 = tpu.memref_slice %arg5[%dma_wait3A_213, %dma_wait3A_214] : memref<128x64xf32, #tpu.memory_space<vmem>> -> memref<16x64xf32, #tpu.memory_space<vmem>>
        %dma_wait3A_216 = arith.constant 0 : i32
        %dma_wait3A_217 = tpu.memref_slice %arg4[%mul3A_2, %dma_wait3A_216] : memref<4096x64xf32, #tpu.memory_space<hbm>> -> memref<16x64xf32, #tpu.memory_space<hbm>>
        %dma_wait3A_218 = arith.constant 0 : i32
        %dma_wait3A_219 = arith.constant 0 : i32
        %dma_wait3A_220 = tpu.memref_slice %arg5[%dma_wait3A_218, %dma_wait3A_219] : memref<128x64xf32, #tpu.memory_space<vmem>> -> memref<16x64xf32, #tpu.memory_space<vmem>>
        %dma_wait3A_221 = arith.constant 0 : i32
        %dma_wait3A_222 = tpu.memref_slice %arg4[%mul3A_2, %dma_wait3A_221] : memref<4096x64xf32, #tpu.memory_space<hbm>> -> memref<16x64xf32, #tpu.memory_space<hbm>>
        tpu.wait_dma2 semaphore(%arg7 : memref<!tpu.dma_semaphore, #tpu.memory_space<semaphore_mem>>) src(%dma_wait3A_222 : memref<16x64xf32, #tpu.memory_space<hbm>>) dst(%dma_wait3A_220 : memref<16x64xf32, #tpu.memory_space<vmem>>)
      } else {
      }
    }
    %scan3A_7 = arith.constant 8 : i32
    %dma_wait3A = arith.constant 0 : i32
    %dma_wait3A_8 = arith.constant 0 : i32
    %dma_wait3A_9 = tpu.memref_slice %arg5[%dma_wait3A, %dma_wait3A_8] : memref<128x64xf32, #tpu.memory_space<vmem>> -> memref<16x64xf32, #tpu.memory_space<vmem>>
    %dma_wait3A_10 = arith.constant 0 : i32
    %dma_wait3A_11 = tpu.memref_slice %arg4[%mul3A_2, %dma_wait3A_10] : memref<4096x64xf32, #tpu.memory_space<hbm>> -> memref<16x64xf32, #tpu.memory_space<hbm>>
    %dma_wait3A_12 = arith.constant 0 : i32
    %dma_wait3A_13 = arith.constant 0 : i32
    %dma_wait3A_14 = tpu.memref_slice %arg5[%dma_wait3A_12, %dma_wait3A_13] : memref<128x64xf32, #tpu.memory_space<vmem>> -> memref<16x64xf32, #tpu.memory_space<vmem>>
    %dma_wait3A_15 = arith.constant 0 : i32
    %dma_wait3A_16 = tpu.memref_slice %arg4[%mul3A_2, %dma_wait3A_15] : memref<4096x64xf32, #tpu.memory_space<hbm>> -> memref<16x64xf32, #tpu.memory_space<hbm>>
    tpu.wait_dma2 semaphore(%arg7 : memref<!tpu.dma_semaphore, #tpu.memory_space<semaphore_mem>>) src(%dma_wait3A_16 : memref<16x64xf32, #tpu.memory_space<hbm>>) dst(%dma_wait3A_14 : memref<16x64xf32, #tpu.memory_space<vmem>>)
    "tpu.region"() ({
      %run_scoped3A = tpu.sem_alloc : memref<!tpu.dma_semaphore, #tpu.memory_space<semaphore_mem>>
      %dma_start3A = arith.constant 0 : i32
      %dma_start3A_17 = tpu.memref_slice %arg4[%mul3A_2, %dma_start3A] : memref<4096x64xf32, #tpu.memory_space<hbm>> -> memref<128x64xf32, #tpu.memory_space<hbm>>
      %dma_start3A_18 = arith.constant 0 : i32
      %dma_start3A_19 = tpu.memref_slice %arg4[%mul3A_2, %dma_start3A_18] : memref<4096x64xf32, #tpu.memory_space<hbm>> -> memref<128x64xf32, #tpu.memory_space<hbm>>
      tpu.enqueue_dma source(%arg5 : memref<128x64xf32, #tpu.memory_space<vmem>>) target(%dma_start3A_19 : memref<128x64xf32, #tpu.memory_space<hbm>>) target_semaphore(%run_scoped3A : memref<!tpu.dma_semaphore, #tpu.memory_space<semaphore_mem>>)
      %dma_wait3A_20 = arith.constant 0 : i32
      %dma_wait3A_21 = tpu.memref_slice %arg4[%mul3A_2, %dma_wait3A_20] : memref<4096x64xf32, #tpu.memory_space<hbm>> -> memref<128x64xf32, #tpu.memory_space<hbm>>
      %dma_wait3A_22 = arith.constant 0 : i32
      %dma_wait3A_23 = tpu.memref_slice %arg4[%mul3A_2, %dma_wait3A_22] : memref<4096x64xf32, #tpu.memory_space<hbm>> -> memref<128x64xf32, #tpu.memory_space<hbm>>
      tpu.wait_dma2 semaphore(%run_scoped3A : memref<!tpu.dma_semaphore, #tpu.memory_space<semaphore_mem>>) src(%arg5 : memref<128x64xf32, #tpu.memory_space<vmem>>) dst(%dma_wait3A_23 : memref<128x64xf32, #tpu.memory_space<hbm>>)
      tpu.yield
    }) : () -> ()
    return
  }
}

#map = affine_map<(d0, d1) -> (0)>
#map1 = affine_map<(d0, d1) -> (0, 0)>
module attributes {stable_mosaic.version = 14 : i64} {
  func.func @_gather_body(%arg0: i32, %arg1: i32, %arg2: memref<4096xi32, #tpu.memory_space<hbm>>, %arg3: memref<100000x64xf32, #tpu.memory_space<hbm>>, %arg4: memref<4096x64xf32, #tpu.memory_space<hbm>>, %arg5: memref<128x64xf32, #tpu.memory_space<vmem>>, %arg6: memref<128xi32, #tpu.memory_space<vmem>>, %arg7: memref<!tpu.dma_semaphore, #tpu.memory_space<semaphore_mem>>) attributes {dimension_semantics = [#tpu.dimension_semantics<core_parallel>, #tpu.dimension_semantics<subcore_parallel>], iteration_bounds = array<i64: 2, 16>, scalar_prefetch = 0 : i64, scratch_operands = 3 : i64, tpu.core_type = #tpu.core_type<sc_vector_subcore>, window_params = [{transform_indices = #map}, {transform_indices = #map1}, {transform_indices = #map1}]} {
    %mul3A = arith.constant 2 : i32
    %mul3A_0 = arith.muli %arg1, %mul3A : i32
    %add3A = arith.addi %mul3A_0, %arg0 : i32
    %mul3A_1 = arith.constant 128 : i32
    %mul3A_2 = arith.muli %add3A, %mul3A_1 : i32
    "tpu.region"() ({
      %run_scoped3A = tpu.sem_alloc : memref<!tpu.dma_semaphore, #tpu.memory_space<semaphore_mem>>
      %dma_start3A = tpu.memref_slice %arg2[%mul3A_2] : memref<4096xi32, #tpu.memory_space<hbm>> -> memref<128xi32, #tpu.memory_space<hbm>>
      %dma_start3A_17 = tpu.memref_slice %arg2[%mul3A_2] : memref<4096xi32, #tpu.memory_space<hbm>> -> memref<128xi32, #tpu.memory_space<hbm>>
      tpu.enqueue_dma source(%dma_start3A_17 : memref<128xi32, #tpu.memory_space<hbm>>) target(%arg6 : memref<128xi32, #tpu.memory_space<vmem>>) target_semaphore(%run_scoped3A : memref<!tpu.dma_semaphore, #tpu.memory_space<semaphore_mem>>)
      %dma_wait3A_18 = tpu.memref_slice %arg2[%mul3A_2] : memref<4096xi32, #tpu.memory_space<hbm>> -> memref<128xi32, #tpu.memory_space<hbm>>
      %dma_wait3A_19 = tpu.memref_slice %arg2[%mul3A_2] : memref<4096xi32, #tpu.memory_space<hbm>> -> memref<128xi32, #tpu.memory_space<hbm>>
      tpu.wait_dma2 semaphore(%run_scoped3A : memref<!tpu.dma_semaphore, #tpu.memory_space<semaphore_mem>>) src(%dma_wait3A_19 : memref<128xi32, #tpu.memory_space<hbm>>) dst(%arg6 : memref<128xi32, #tpu.memory_space<vmem>>)
      tpu.yield
    }) : () -> ()
    %scan3A = arith.constant 0 : i32
    %scan3A_3 = arith.constant 0 : i32
    %scan3A_4 = arith.constant 8 : i32
    %scan3A_5 = arith.addi %scan3A_3, %scan3A_4 : i32
    %scan3A_6 = arith.constant 1 : i32
    scf.for %scan3A_17 = %scan3A_3 to %scan3A_5 step %scan3A_6  : i32 {
      %mul3A_18 = arith.constant 16 : i32
      %mul3A_19 = arith.muli %scan3A_17, %mul3A_18 : i32
      %get3A = arith.index_cast %mul3A_19 : i32 to index
      %get3A_20 = tpu.vector_load %arg6[%get3A] {strides = array<i32>} : memref<128xi32, #tpu.memory_space<vmem>>, vector<16xi32>,
      %get3A_21 = vector.shape_cast %get3A_20 : vector<16xi32> to vector<16xi32>
      %slice3A = vector.extract_strided_slice %get3A_21 {offsets = [0], sizes = [1], strides = [1]} : vector<16xi32> to vector<1xi32>
      %squeeze3A = vector.extract %slice3A[0] : i32 from vector<1xi32>
      %add3A_22 = arith.constant 0 : i32
      %add3A_23 = arith.addi %mul3A_19, %add3A_22 : i32
      %dma_start3A = arith.constant 0 : i32
      %dma_start3A_24 = tpu.memref_slice %arg5[%add3A_23, %dma_start3A] : memref<128x64xf32, #tpu.memory_space<vmem>> -> memref<1x64xf32, #tpu.memory_space<vmem>>
      %dma_start3A_25 = arith.constant 0 : i32
      %dma_start3A_26 = tpu.memref_slice %arg3[%squeeze3A, %dma_start3A_25] : memref<100000x64xf32, #tpu.memory_space<hbm>> -> memref<1x64xf32, #tpu.memory_space<hbm>>
      %dma_start3A_27 = arith.constant 0 : i32
      %dma_start3A_28 = tpu.memref_slice %arg5[%add3A_23, %dma_start3A_27] : memref<128x64xf32, #tpu.memory_space<vmem>> -> memref<1x64xf32, #tpu.memory_space<vmem>>
      %dma_start3A_29 = arith.constant 0 : i32
      %dma_start3A_30 = tpu.memref_slice %arg3[%squeeze3A, %dma_start3A_29] : memref<100000x64xf32, #tpu.memory_space<hbm>> -> memref<1x64xf32, #tpu.memory_space<hbm>>
      tpu.enqueue_dma source(%dma_start3A_30 : memref<1x64xf32, #tpu.memory_space<hbm>>) target(%dma_start3A_28 : memref<1x64xf32, #tpu.memory_space<vmem>>) target_semaphore(%arg7 : memref<!tpu.dma_semaphore, #tpu.memory_space<semaphore_mem>>)
      %slice3A_31 = vector.extract_strided_slice %get3A_21 {offsets = [1], sizes = [1], strides = [1]} : vector<16xi32> to vector<1xi32>
      %squeeze3A_32 = vector.extract %slice3A_31[0] : i32 from vector<1xi32>
      %add3A_33 = arith.constant 1 : i32
      %add3A_34 = arith.addi %mul3A_19, %add3A_33 : i32
      %dma_start3A_35 = arith.constant 0 : i32
      %dma_start3A_36 = tpu.memref_slice %arg5[%add3A_34, %dma_start3A_35] : memref<128x64xf32, #tpu.memory_space<vmem>> -> memref<1x64xf32, #tpu.memory_space<vmem>>
      %dma_start3A_37 = arith.constant 0 : i32
      %dma_start3A_38 = tpu.memref_slice %arg3[%squeeze3A_32, %dma_start3A_37] : memref<100000x64xf32, #tpu.memory_space<hbm>> -> memref<1x64xf32, #tpu.memory_space<hbm>>
      %dma_start3A_39 = arith.constant 0 : i32
      %dma_start3A_40 = tpu.memref_slice %arg5[%add3A_34, %dma_start3A_39] : memref<128x64xf32, #tpu.memory_space<vmem>> -> memref<1x64xf32, #tpu.memory_space<vmem>>
      %dma_start3A_41 = arith.constant 0 : i32
      %dma_start3A_42 = tpu.memref_slice %arg3[%squeeze3A_32, %dma_start3A_41] : memref<100000x64xf32, #tpu.memory_space<hbm>> -> memref<1x64xf32, #tpu.memory_space<hbm>>
      tpu.enqueue_dma source(%dma_start3A_42 : memref<1x64xf32, #tpu.memory_space<hbm>>) target(%dma_start3A_40 : memref<1x64xf32, #tpu.memory_space<vmem>>) target_semaphore(%arg7 : memref<!tpu.dma_semaphore, #tpu.memory_space<semaphore_mem>>)
      %slice3A_43 = vector.extract_strided_slice %get3A_21 {offsets = [2], sizes = [1], strides = [1]} : vector<16xi32> to vector<1xi32>
      %squeeze3A_44 = vector.extract %slice3A_43[0] : i32 from vector<1xi32>
      %add3A_45 = arith.constant 2 : i32
      %add3A_46 = arith.addi %mul3A_19, %add3A_45 : i32
      %dma_start3A_47 = arith.constant 0 : i32
      %dma_start3A_48 = tpu.memref_slice %arg5[%add3A_46, %dma_start3A_47] : memref<128x64xf32, #tpu.memory_space<vmem>> -> memref<1x64xf32, #tpu.memory_space<vmem>>
      %dma_start3A_49 = arith.constant 0 : i32
      %dma_start3A_50 = tpu.memref_slice %arg3[%squeeze3A_44, %dma_start3A_49] : memref<100000x64xf32, #tpu.memory_space<hbm>> -> memref<1x64xf32, #tpu.memory_space<hbm>>
      %dma_start3A_51 = arith.constant 0 : i32
      %dma_start3A_52 = tpu.memref_slice %arg5[%add3A_46, %dma_start3A_51] : memref<128x64xf32, #tpu.memory_space<vmem>> -> memref<1x64xf32, #tpu.memory_space<vmem>>
      %dma_start3A_53 = arith.constant 0 : i32
      %dma_start3A_54 = tpu.memref_slice %arg3[%squeeze3A_44, %dma_start3A_53] : memref<100000x64xf32, #tpu.memory_space<hbm>> -> memref<1x64xf32, #tpu.memory_space<hbm>>
      tpu.enqueue_dma source(%dma_start3A_54 : memref<1x64xf32, #tpu.memory_space<hbm>>) target(%dma_start3A_52 : memref<1x64xf32, #tpu.memory_space<vmem>>) target_semaphore(%arg7 : memref<!tpu.dma_semaphore, #tpu.memory_space<semaphore_mem>>)
      %slice3A_55 = vector.extract_strided_slice %get3A_21 {offsets = [3], sizes = [1], strides = [1]} : vector<16xi32> to vector<1xi32>
      %squeeze3A_56 = vector.extract %slice3A_55[0] : i32 from vector<1xi32>
      %add3A_57 = arith.constant 3 : i32
      %add3A_58 = arith.addi %mul3A_19, %add3A_57 : i32
      %dma_start3A_59 = arith.constant 0 : i32
      %dma_start3A_60 = tpu.memref_slice %arg5[%add3A_58, %dma_start3A_59] : memref<128x64xf32, #tpu.memory_space<vmem>> -> memref<1x64xf32, #tpu.memory_space<vmem>>
      %dma_start3A_61 = arith.constant 0 : i32
      %dma_start3A_62 = tpu.memref_slice %arg3[%squeeze3A_56, %dma_start3A_61] : memref<100000x64xf32, #tpu.memory_space<hbm>> -> memref<1x64xf32, #tpu.memory_space<hbm>>
      %dma_start3A_63 = arith.constant 0 : i32
      %dma_start3A_64 = tpu.memref_slice %arg5[%add3A_58, %dma_start3A_63] : memref<128x64xf32, #tpu.memory_space<vmem>> -> memref<1x64xf32, #tpu.memory_space<vmem>>
      %dma_start3A_65 = arith.constant 0 : i32
      %dma_start3A_66 = tpu.memref_slice %arg3[%squeeze3A_56, %dma_start3A_65] : memref<100000x64xf32, #tpu.memory_space<hbm>> -> memref<1x64xf32, #tpu.memory_space<hbm>>
      tpu.enqueue_dma source(%dma_start3A_66 : memref<1x64xf32, #tpu.memory_space<hbm>>) target(%dma_start3A_64 : memref<1x64xf32, #tpu.memory_space<vmem>>) target_semaphore(%arg7 : memref<!tpu.dma_semaphore, #tpu.memory_space<semaphore_mem>>)
      %slice3A_67 = vector.extract_strided_slice %get3A_21 {offsets = [4], sizes = [1], strides = [1]} : vector<16xi32> to vector<1xi32>
      %squeeze3A_68 = vector.extract %slice3A_67[0] : i32 from vector<1xi32>
      %add3A_69 = arith.constant 4 : i32
      %add3A_70 = arith.addi %mul3A_19, %add3A_69 : i32
      %dma_start3A_71 = arith.constant 0 : i32
      %dma_start3A_72 = tpu.memref_slice %arg5[%add3A_70, %dma_start3A_71] : memref<128x64xf32, #tpu.memory_space<vmem>> -> memref<1x64xf32, #tpu.memory_space<vmem>>
      %dma_start3A_73 = arith.constant 0 : i32
      %dma_start3A_74 = tpu.memref_slice %arg3[%squeeze3A_68, %dma_start3A_73] : memref<100000x64xf32, #tpu.memory_space<hbm>> -> memref<1x64xf32, #tpu.memory_space<hbm>>
      %dma_start3A_75 = arith.constant 0 : i32
      %dma_start3A_76 = tpu.memref_slice %arg5[%add3A_70, %dma_start3A_75] : memref<128x64xf32, #tpu.memory_space<vmem>> -> memref<1x64xf32, #tpu.memory_space<vmem>>
      %dma_start3A_77 = arith.constant 0 : i32
      %dma_start3A_78 = tpu.memref_slice %arg3[%squeeze3A_68, %dma_start3A_77] : memref<100000x64xf32, #tpu.memory_space<hbm>> -> memref<1x64xf32, #tpu.memory_space<hbm>>
      tpu.enqueue_dma source(%dma_start3A_78 : memref<1x64xf32, #tpu.memory_space<hbm>>) target(%dma_start3A_76 : memref<1x64xf32, #tpu.memory_space<vmem>>) target_semaphore(%arg7 : memref<!tpu.dma_semaphore, #tpu.memory_space<semaphore_mem>>)
      %slice3A_79 = vector.extract_strided_slice %get3A_21 {offsets = [5], sizes = [1], strides = [1]} : vector<16xi32> to vector<1xi32>
      %squeeze3A_80 = vector.extract %slice3A_79[0] : i32 from vector<1xi32>
      %add3A_81 = arith.constant 5 : i32
      %add3A_82 = arith.addi %mul3A_19, %add3A_81 : i32
      %dma_start3A_83 = arith.constant 0 : i32
      %dma_start3A_84 = tpu.memref_slice %arg5[%add3A_82, %dma_start3A_83] : memref<128x64xf32, #tpu.memory_space<vmem>> -> memref<1x64xf32, #tpu.memory_space<vmem>>
      %dma_start3A_85 = arith.constant 0 : i32
      %dma_start3A_86 = tpu.memref_slice %arg3[%squeeze3A_80, %dma_start3A_85] : memref<100000x64xf32, #tpu.memory_space<hbm>> -> memref<1x64xf32, #tpu.memory_space<hbm>>
      %dma_start3A_87 = arith.constant 0 : i32
      %dma_start3A_88 = tpu.memref_slice %arg5[%add3A_82, %dma_start3A_87] : memref<128x64xf32, #tpu.memory_space<vmem>> -> memref<1x64xf32, #tpu.memory_space<vmem>>
      %dma_start3A_89 = arith.constant 0 : i32
      %dma_start3A_90 = tpu.memref_slice %arg3[%squeeze3A_80, %dma_start3A_89] : memref<100000x64xf32, #tpu.memory_space<hbm>> -> memref<1x64xf32, #tpu.memory_space<hbm>>
      tpu.enqueue_dma source(%dma_start3A_90 : memref<1x64xf32, #tpu.memory_space<hbm>>) target(%dma_start3A_88 : memref<1x64xf32, #tpu.memory_space<vmem>>) target_semaphore(%arg7 : memref<!tpu.dma_semaphore, #tpu.memory_space<semaphore_mem>>)
      %slice3A_91 = vector.extract_strided_slice %get3A_21 {offsets = [6], sizes = [1], strides = [1]} : vector<16xi32> to vector<1xi32>
      %squeeze3A_92 = vector.extract %slice3A_91[0] : i32 from vector<1xi32>
      %add3A_93 = arith.constant 6 : i32
      %add3A_94 = arith.addi %mul3A_19, %add3A_93 : i32
      %dma_start3A_95 = arith.constant 0 : i32
      %dma_start3A_96 = tpu.memref_slice %arg5[%add3A_94, %dma_start3A_95] : memref<128x64xf32, #tpu.memory_space<vmem>> -> memref<1x64xf32, #tpu.memory_space<vmem>>
      %dma_start3A_97 = arith.constant 0 : i32
      %dma_start3A_98 = tpu.memref_slice %arg3[%squeeze3A_92, %dma_start3A_97] : memref<100000x64xf32, #tpu.memory_space<hbm>> -> memref<1x64xf32, #tpu.memory_space<hbm>>
      %dma_start3A_99 = arith.constant 0 : i32
      %dma_start3A_100 = tpu.memref_slice %arg5[%add3A_94, %dma_start3A_99] : memref<128x64xf32, #tpu.memory_space<vmem>> -> memref<1x64xf32, #tpu.memory_space<vmem>>
      %dma_start3A_101 = arith.constant 0 : i32
      %dma_start3A_102 = tpu.memref_slice %arg3[%squeeze3A_92, %dma_start3A_101] : memref<100000x64xf32, #tpu.memory_space<hbm>> -> memref<1x64xf32, #tpu.memory_space<hbm>>
      tpu.enqueue_dma source(%dma_start3A_102 : memref<1x64xf32, #tpu.memory_space<hbm>>) target(%dma_start3A_100 : memref<1x64xf32, #tpu.memory_space<vmem>>) target_semaphore(%arg7 : memref<!tpu.dma_semaphore, #tpu.memory_space<semaphore_mem>>)
      %slice3A_103 = vector.extract_strided_slice %get3A_21 {offsets = [7], sizes = [1], strides = [1]} : vector<16xi32> to vector<1xi32>
      %squeeze3A_104 = vector.extract %slice3A_103[0] : i32 from vector<1xi32>
      %add3A_105 = arith.constant 7 : i32
      %add3A_106 = arith.addi %mul3A_19, %add3A_105 : i32
      %dma_start3A_107 = arith.constant 0 : i32
      %dma_start3A_108 = tpu.memref_slice %arg5[%add3A_106, %dma_start3A_107] : memref<128x64xf32, #tpu.memory_space<vmem>> -> memref<1x64xf32, #tpu.memory_space<vmem>>
      %dma_start3A_109 = arith.constant 0 : i32
      %dma_start3A_110 = tpu.memref_slice %arg3[%squeeze3A_104, %dma_start3A_109] : memref<100000x64xf32, #tpu.memory_space<hbm>> -> memref<1x64xf32, #tpu.memory_space<hbm>>
      %dma_start3A_111 = arith.constant 0 : i32
      %dma_start3A_112 = tpu.memref_slice %arg5[%add3A_106, %dma_start3A_111] : memref<128x64xf32, #tpu.memory_space<vmem>> -> memref<1x64xf32, #tpu.memory_space<vmem>>
      %dma_start3A_113 = arith.constant 0 : i32
      %dma_start3A_114 = tpu.memref_slice %arg3[%squeeze3A_104, %dma_start3A_113] : memref<100000x64xf32, #tpu.memory_space<hbm>> -> memref<1x64xf32, #tpu.memory_space<hbm>>
      tpu.enqueue_dma source(%dma_start3A_114 : memref<1x64xf32, #tpu.memory_space<hbm>>) target(%dma_start3A_112 : memref<1x64xf32, #tpu.memory_space<vmem>>) target_semaphore(%arg7 : memref<!tpu.dma_semaphore, #tpu.memory_space<semaphore_mem>>)
      %slice3A_115 = vector.extract_strided_slice %get3A_21 {offsets = [8], sizes = [1], strides = [1]} : vector<16xi32> to vector<1xi32>
      %squeeze3A_116 = vector.extract %slice3A_115[0] : i32 from vector<1xi32>
      %add3A_117 = arith.constant 8 : i32
      %add3A_118 = arith.addi %mul3A_19, %add3A_117 : i32
      %dma_start3A_119 = arith.constant 0 : i32
      %dma_start3A_120 = tpu.memref_slice %arg5[%add3A_118, %dma_start3A_119] : memref<128x64xf32, #tpu.memory_space<vmem>> -> memref<1x64xf32, #tpu.memory_space<vmem>>
      %dma_start3A_121 = arith.constant 0 : i32
      %dma_start3A_122 = tpu.memref_slice %arg3[%squeeze3A_116, %dma_start3A_121] : memref<100000x64xf32, #tpu.memory_space<hbm>> -> memref<1x64xf32, #tpu.memory_space<hbm>>
      %dma_start3A_123 = arith.constant 0 : i32
      %dma_start3A_124 = tpu.memref_slice %arg5[%add3A_118, %dma_start3A_123] : memref<128x64xf32, #tpu.memory_space<vmem>> -> memref<1x64xf32, #tpu.memory_space<vmem>>
      %dma_start3A_125 = arith.constant 0 : i32
      %dma_start3A_126 = tpu.memref_slice %arg3[%squeeze3A_116, %dma_start3A_125] : memref<100000x64xf32, #tpu.memory_space<hbm>> -> memref<1x64xf32, #tpu.memory_space<hbm>>
      tpu.enqueue_dma source(%dma_start3A_126 : memref<1x64xf32, #tpu.memory_space<hbm>>) target(%dma_start3A_124 : memref<1x64xf32, #tpu.memory_space<vmem>>) target_semaphore(%arg7 : memref<!tpu.dma_semaphore, #tpu.memory_space<semaphore_mem>>)
      %slice3A_127 = vector.extract_strided_slice %get3A_21 {offsets = [9], sizes = [1], strides = [1]} : vector<16xi32> to vector<1xi32>
      %squeeze3A_128 = vector.extract %slice3A_127[0] : i32 from vector<1xi32>
      %add3A_129 = arith.constant 9 : i32
      %add3A_130 = arith.addi %mul3A_19, %add3A_129 : i32
      %dma_start3A_131 = arith.constant 0 : i32
      %dma_start3A_132 = tpu.memref_slice %arg5[%add3A_130, %dma_start3A_131] : memref<128x64xf32, #tpu.memory_space<vmem>> -> memref<1x64xf32, #tpu.memory_space<vmem>>
      %dma_start3A_133 = arith.constant 0 : i32
      %dma_start3A_134 = tpu.memref_slice %arg3[%squeeze3A_128, %dma_start3A_133] : memref<100000x64xf32, #tpu.memory_space<hbm>> -> memref<1x64xf32, #tpu.memory_space<hbm>>
      %dma_start3A_135 = arith.constant 0 : i32
      %dma_start3A_136 = tpu.memref_slice %arg5[%add3A_130, %dma_start3A_135] : memref<128x64xf32, #tpu.memory_space<vmem>> -> memref<1x64xf32, #tpu.memory_space<vmem>>
      %dma_start3A_137 = arith.constant 0 : i32
      %dma_start3A_138 = tpu.memref_slice %arg3[%squeeze3A_128, %dma_start3A_137] : memref<100000x64xf32, #tpu.memory_space<hbm>> -> memref<1x64xf32, #tpu.memory_space<hbm>>
      tpu.enqueue_dma source(%dma_start3A_138 : memref<1x64xf32, #tpu.memory_space<hbm>>) target(%dma_start3A_136 : memref<1x64xf32, #tpu.memory_space<vmem>>) target_semaphore(%arg7 : memref<!tpu.dma_semaphore, #tpu.memory_space<semaphore_mem>>)
      %slice3A_139 = vector.extract_strided_slice %get3A_21 {offsets = [10], sizes = [1], strides = [1]} : vector<16xi32> to vector<1xi32>
      %squeeze3A_140 = vector.extract %slice3A_139[0] : i32 from vector<1xi32>
      %add3A_141 = arith.constant 10 : i32
      %add3A_142 = arith.addi %mul3A_19, %add3A_141 : i32
      %dma_start3A_143 = arith.constant 0 : i32
      %dma_start3A_144 = tpu.memref_slice %arg5[%add3A_142, %dma_start3A_143] : memref<128x64xf32, #tpu.memory_space<vmem>> -> memref<1x64xf32, #tpu.memory_space<vmem>>
      %dma_start3A_145 = arith.constant 0 : i32
      %dma_start3A_146 = tpu.memref_slice %arg3[%squeeze3A_140, %dma_start3A_145] : memref<100000x64xf32, #tpu.memory_space<hbm>> -> memref<1x64xf32, #tpu.memory_space<hbm>>
      %dma_start3A_147 = arith.constant 0 : i32
      %dma_start3A_148 = tpu.memref_slice %arg5[%add3A_142, %dma_start3A_147] : memref<128x64xf32, #tpu.memory_space<vmem>> -> memref<1x64xf32, #tpu.memory_space<vmem>>
      %dma_start3A_149 = arith.constant 0 : i32
      %dma_start3A_150 = tpu.memref_slice %arg3[%squeeze3A_140, %dma_start3A_149] : memref<100000x64xf32, #tpu.memory_space<hbm>> -> memref<1x64xf32, #tpu.memory_space<hbm>>
      tpu.enqueue_dma source(%dma_start3A_150 : memref<1x64xf32, #tpu.memory_space<hbm>>) target(%dma_start3A_148 : memref<1x64xf32, #tpu.memory_space<vmem>>) target_semaphore(%arg7 : memref<!tpu.dma_semaphore, #tpu.memory_space<semaphore_mem>>)
      %slice3A_151 = vector.extract_strided_slice %get3A_21 {offsets = [11], sizes = [1], strides = [1]} : vector<16xi32> to vector<1xi32>
      %squeeze3A_152 = vector.extract %slice3A_151[0] : i32 from vector<1xi32>
      %add3A_153 = arith.constant 11 : i32
      %add3A_154 = arith.addi %mul3A_19, %add3A_153 : i32
      %dma_start3A_155 = arith.constant 0 : i32
      %dma_start3A_156 = tpu.memref_slice %arg5[%add3A_154, %dma_start3A_155] : memref<128x64xf32, #tpu.memory_space<vmem>> -> memref<1x64xf32, #tpu.memory_space<vmem>>
      %dma_start3A_157 = arith.constant 0 : i32
      %dma_start3A_158 = tpu.memref_slice %arg3[%squeeze3A_152, %dma_start3A_157] : memref<100000x64xf32, #tpu.memory_space<hbm>> -> memref<1x64xf32, #tpu.memory_space<hbm>>
      %dma_start3A_159 = arith.constant 0 : i32
      %dma_start3A_160 = tpu.memref_slice %arg5[%add3A_154, %dma_start3A_159] : memref<128x64xf32, #tpu.memory_space<vmem>> -> memref<1x64xf32, #tpu.memory_space<vmem>>
      %dma_start3A_161 = arith.constant 0 : i32
      %dma_start3A_162 = tpu.memref_slice %arg3[%squeeze3A_152, %dma_start3A_161] : memref<100000x64xf32, #tpu.memory_space<hbm>> -> memref<1x64xf32, #tpu.memory_space<hbm>>
      tpu.enqueue_dma source(%dma_start3A_162 : memref<1x64xf32, #tpu.memory_space<hbm>>) target(%dma_start3A_160 : memref<1x64xf32, #tpu.memory_space<vmem>>) target_semaphore(%arg7 : memref<!tpu.dma_semaphore, #tpu.memory_space<semaphore_mem>>)
      %slice3A_163 = vector.extract_strided_slice %get3A_21 {offsets = [12], sizes = [1], strides = [1]} : vector<16xi32> to vector<1xi32>
      %squeeze3A_164 = vector.extract %slice3A_163[0] : i32 from vector<1xi32>
      %add3A_165 = arith.constant 12 : i32
      %add3A_166 = arith.addi %mul3A_19, %add3A_165 : i32
      %dma_start3A_167 = arith.constant 0 : i32
      %dma_start3A_168 = tpu.memref_slice %arg5[%add3A_166, %dma_start3A_167] : memref<128x64xf32, #tpu.memory_space<vmem>> -> memref<1x64xf32, #tpu.memory_space<vmem>>
      %dma_start3A_169 = arith.constant 0 : i32
      %dma_start3A_170 = tpu.memref_slice %arg3[%squeeze3A_164, %dma_start3A_169] : memref<100000x64xf32, #tpu.memory_space<hbm>> -> memref<1x64xf32, #tpu.memory_space<hbm>>
      %dma_start3A_171 = arith.constant 0 : i32
      %dma_start3A_172 = tpu.memref_slice %arg5[%add3A_166, %dma_start3A_171] : memref<128x64xf32, #tpu.memory_space<vmem>> -> memref<1x64xf32, #tpu.memory_space<vmem>>
      %dma_start3A_173 = arith.constant 0 : i32
      %dma_start3A_174 = tpu.memref_slice %arg3[%squeeze3A_164, %dma_start3A_173] : memref<100000x64xf32, #tpu.memory_space<hbm>> -> memref<1x64xf32, #tpu.memory_space<hbm>>
      tpu.enqueue_dma source(%dma_start3A_174 : memref<1x64xf32, #tpu.memory_space<hbm>>) target(%dma_start3A_172 : memref<1x64xf32, #tpu.memory_space<vmem>>) target_semaphore(%arg7 : memref<!tpu.dma_semaphore, #tpu.memory_space<semaphore_mem>>)
      %slice3A_175 = vector.extract_strided_slice %get3A_21 {offsets = [13], sizes = [1], strides = [1]} : vector<16xi32> to vector<1xi32>
      %squeeze3A_176 = vector.extract %slice3A_175[0] : i32 from vector<1xi32>
      %add3A_177 = arith.constant 13 : i32
      %add3A_178 = arith.addi %mul3A_19, %add3A_177 : i32
      %dma_start3A_179 = arith.constant 0 : i32
      %dma_start3A_180 = tpu.memref_slice %arg5[%add3A_178, %dma_start3A_179] : memref<128x64xf32, #tpu.memory_space<vmem>> -> memref<1x64xf32, #tpu.memory_space<vmem>>
      %dma_start3A_181 = arith.constant 0 : i32
      %dma_start3A_182 = tpu.memref_slice %arg3[%squeeze3A_176, %dma_start3A_181] : memref<100000x64xf32, #tpu.memory_space<hbm>> -> memref<1x64xf32, #tpu.memory_space<hbm>>
      %dma_start3A_183 = arith.constant 0 : i32
      %dma_start3A_184 = tpu.memref_slice %arg5[%add3A_178, %dma_start3A_183] : memref<128x64xf32, #tpu.memory_space<vmem>> -> memref<1x64xf32, #tpu.memory_space<vmem>>
      %dma_start3A_185 = arith.constant 0 : i32
      %dma_start3A_186 = tpu.memref_slice %arg3[%squeeze3A_176, %dma_start3A_185] : memref<100000x64xf32, #tpu.memory_space<hbm>> -> memref<1x64xf32, #tpu.memory_space<hbm>>
      tpu.enqueue_dma source(%dma_start3A_186 : memref<1x64xf32, #tpu.memory_space<hbm>>) target(%dma_start3A_184 : memref<1x64xf32, #tpu.memory_space<vmem>>) target_semaphore(%arg7 : memref<!tpu.dma_semaphore, #tpu.memory_space<semaphore_mem>>)
      %slice3A_187 = vector.extract_strided_slice %get3A_21 {offsets = [14], sizes = [1], strides = [1]} : vector<16xi32> to vector<1xi32>
      %squeeze3A_188 = vector.extract %slice3A_187[0] : i32 from vector<1xi32>
      %add3A_189 = arith.constant 14 : i32
      %add3A_190 = arith.addi %mul3A_19, %add3A_189 : i32
      %dma_start3A_191 = arith.constant 0 : i32
      %dma_start3A_192 = tpu.memref_slice %arg5[%add3A_190, %dma_start3A_191] : memref<128x64xf32, #tpu.memory_space<vmem>> -> memref<1x64xf32, #tpu.memory_space<vmem>>
      %dma_start3A_193 = arith.constant 0 : i32
      %dma_start3A_194 = tpu.memref_slice %arg3[%squeeze3A_188, %dma_start3A_193] : memref<100000x64xf32, #tpu.memory_space<hbm>> -> memref<1x64xf32, #tpu.memory_space<hbm>>
      %dma_start3A_195 = arith.constant 0 : i32
      %dma_start3A_196 = tpu.memref_slice %arg5[%add3A_190, %dma_start3A_195] : memref<128x64xf32, #tpu.memory_space<vmem>> -> memref<1x64xf32, #tpu.memory_space<vmem>>
      %dma_start3A_197 = arith.constant 0 : i32
      %dma_start3A_198 = tpu.memref_slice %arg3[%squeeze3A_188, %dma_start3A_197] : memref<100000x64xf32, #tpu.memory_space<hbm>> -> memref<1x64xf32, #tpu.memory_space<hbm>>
      tpu.enqueue_dma source(%dma_start3A_198 : memref<1x64xf32, #tpu.memory_space<hbm>>) target(%dma_start3A_196 : memref<1x64xf32, #tpu.memory_space<vmem>>) target_semaphore(%arg7 : memref<!tpu.dma_semaphore, #tpu.memory_space<semaphore_mem>>)
      %slice3A_199 = vector.extract_strided_slice %get3A_21 {offsets = [15], sizes = [1], strides = [1]} : vector<16xi32> to vector<1xi32>
      %squeeze3A_200 = vector.extract %slice3A_199[0] : i32 from vector<1xi32>
      %add3A_201 = arith.constant 15 : i32
      %add3A_202 = arith.addi %mul3A_19, %add3A_201 : i32
      %dma_start3A_203 = arith.constant 0 : i32
      %dma_start3A_204 = tpu.memref_slice %arg5[%add3A_202, %dma_start3A_203] : memref<128x64xf32, #tpu.memory_space<vmem>> -> memref<1x64xf32, #tpu.memory_space<vmem>>
      %dma_start3A_205 = arith.constant 0 : i32
      %dma_start3A_206 = tpu.memref_slice %arg3[%squeeze3A_200, %dma_start3A_205] : memref<100000x64xf32, #tpu.memory_space<hbm>> -> memref<1x64xf32, #tpu.memory_space<hbm>>
      %dma_start3A_207 = arith.constant 0 : i32
      %dma_start3A_208 = tpu.memref_slice %arg5[%add3A_202, %dma_start3A_207] : memref<128x64xf32, #tpu.memory_space<vmem>> -> memref<1x64xf32, #tpu.memory_space<vmem>>
      %dma_start3A_209 = arith.constant 0 : i32
      %dma_start3A_210 = tpu.memref_slice %arg3[%squeeze3A_200, %dma_start3A_209] : memref<100000x64xf32, #tpu.memory_space<hbm>> -> memref<1x64xf32, #tpu.memory_space<hbm>>
      tpu.enqueue_dma source(%dma_start3A_210 : memref<1x64xf32, #tpu.memory_space<hbm>>) target(%dma_start3A_208 : memref<1x64xf32, #tpu.memory_space<vmem>>) target_semaphore(%arg7 : memref<!tpu.dma_semaphore, #tpu.memory_space<semaphore_mem>>)
      %gt3A = arith.constant 0 : i32
      %gt3A_211 = arith.cmpi sgt, %scan3A_17, %gt3A : i32
      %convert_element_type3A = arith.extui %gt3A_211 : i1 to i32
      %cond3A = arith.constant 0 : i32
      %cond3A_212 = arith.cmpi ne, %convert_element_type3A, %cond3A : i32
      scf.if %cond3A_212 {
        %dma_wait3A_213 = arith.constant 0 : i32
        %dma_wait3A_214 = arith.constant 0 : i32
        %dma_wait3A_215 = tpu.memref_slice %arg5[%dma_wait3A_213, %dma_wait3A_214] : memref<128x64xf32, #tpu.memory_space<vmem>> -> memref<16x64xf32, #tpu.memory_space<vmem>>
        %dma_wait3A_216 = arith.constant 0 : i32
        %dma_wait3A_217 = tpu.memref_slice %arg4[%mul3A_2, %dma_wait3A_216] : memref<4096x64xf32, #tpu.memory_space<hbm>> -> memref<16x64xf32, #tpu.memory_space<hbm>>
        %dma_wait3A_218 = arith.constant 0 : i32
        %dma_wait3A_219 = arith.constant 0 : i32
        %dma_wait3A_220 = tpu.memref_slice %arg5[%dma_wait3A_218, %dma_wait3A_219] : memref<128x64xf32, #tpu.memory_space<vmem>> -> memref<16x64xf32, #tpu.memory_space<vmem>>
        %dma_wait3A_221 = arith.constant 0 : i32
        %dma_wait3A_222 = tpu.memref_slice %arg4[%mul3A_2, %dma_wait3A_221] : memref<4096x64xf32, #tpu.memory_space<hbm>> -> memref<16x64xf32, #tpu.memory_space<hbm>>
        tpu.wait_dma2 semaphore(%arg7 : memref<!tpu.dma_semaphore, #tpu.memory_space<semaphore_mem>>) src(%dma_wait3A_222 : memref<16x64xf32, #tpu.memory_space<hbm>>) dst(%dma_wait3A_220 : memref<16x64xf32, #tpu.memory_space<vmem>>)
      } else {
      }
    }
    %scan3A_7 = arith.constant 8 : i32
    %dma_wait3A = arith.constant 0 : i32
    %dma_wait3A_8 = arith.constant 0 : i32
    %dma_wait3A_9 = tpu.memref_slice %arg5[%dma_wait3A, %dma_wait3A_8] : memref<128x64xf32, #tpu.memory_space<vmem>> -> memref<16x64xf32, #tpu.memory_space<vmem>>
    %dma_wait3A_10 = arith.constant 0 : i32
    %dma_wait3A_11 = tpu.memref_slice %arg4[%mul3A_2, %dma_wait3A_10] : memref<4096x64xf32, #tpu.memory_space<hbm>> -> memref<16x64xf32, #tpu.memory_space<hbm>>
    %dma_wait3A_12 = arith.constant 0 : i32
    %dma_wait3A_13 = arith.constant 0 : i32
    %dma_wait3A_14 = tpu.memref_slice %arg5[%dma_wait3A_12, %dma_wait3A_13] : memref<128x64xf32, #tpu.memory_space<vmem>> -> memref<16x64xf32, #tpu.memory_space<vmem>>
    %dma_wait3A_15 = arith.constant 0 : i32
    %dma_wait3A_16 = tpu.memref_slice %arg4[%mul3A_2, %dma_wait3A_15] : memref<4096x64xf32, #tpu.memory_space<hbm>> -> memref<16x64xf32, #tpu.memory_space<hbm>>
    tpu.wait_dma2 semaphore(%arg7 : memref<!tpu.dma_semaphore, #tpu.memory_space<semaphore_mem>>) src(%dma_wait3A_16 : memref<16x64xf32, #tpu.memory_space<hbm>>) dst(%dma_wait3A_14 : memref<16x64xf32, #tpu.memory_space<vmem>>)
    "tpu.region"() ({
      %run_scoped3A = tpu.sem_alloc : memref<!tpu.dma_semaphore, #tpu.memory_space<semaphore_mem>>
      %dma_start3A = arith.constant 0 : i32
      %dma_start3A_17 = tpu.memref_slice %arg4[%mul3A_2, %dma_start3A] : memref<4096x64xf32, #tpu.memory_space<hbm>> -> memref<128x64xf32, #tpu.memory_space<hbm>>
      %dma_start3A_18 = arith.constant 0 : i32
      %dma_start3A_19 = tpu.memref_slice %arg4[%mul3A_2, %dma_start3A_18] : memref<4096x64xf32, #tpu.memory_space<hbm>> -> memref<128x64xf32, #tpu.memory_space<hbm>>
      tpu.enqueue_dma source(%arg5 : memref<128x64xf32, #tpu.memory_space<vmem>>) target(%dma_start3A_19 : memref<128x64xf32, #tpu.memory_space<hbm>>) target_semaphore(%run_scoped3A : memref<!tpu.dma_semaphore, #tpu.memory_space<semaphore_mem>>)
      %dma_wait3A_20 = arith.constant 0 : i32
      %dma_wait3A_21 = tpu.memref_slice %arg4[%mul3A_2, %dma_wait3A_20] : memref<4096x64xf32, #tpu.memory_space<hbm>> -> memref<128x64xf32, #tpu.memory_space<hbm>>
      %dma_wait3A_22 = arith.constant 0 : i32
      %dma_wait3A_23 = tpu.memref_slice %arg4[%mul3A_2, %dma_wait3A_22] : memref<4096x64xf32, #tpu.memory_space<hbm>> -> memref<128x64xf32, #tpu.memory_space<hbm>>
      tpu.wait_dma2 semaphore(%run_scoped3A : memref<!tpu.dma_semaphore, #tpu.memory_space<semaphore_mem>>) src(%arg5 : memref<128x64xf32, #tpu.memory_space<vmem>>) dst(%dma_wait3A_23 : memref<128x64xf32, #tpu.memory_space<hbm>>)
      tpu.yield
    }) : () -> ()
    return
  }
}

module attributes {stable_mosaic.version = 14 : i64} {
  func.func @_loss_body(%arg0: i32, %arg1: i32, %arg2: memref<4096x64xf32, #tpu.memory_space<any>>, %arg3: memref<4096x64xf32, #tpu.memory_space<any>>, %arg4: memref<1x128xf32, #tpu.memory_space<vmem>>, %arg5: memref<4096x64xf32, #tpu.memory_space<vmem>>, %arg6: memref<4096x64xf32, #tpu.memory_space<vmem>>, %arg7: memref<8x128xf32, #tpu.memory_space<vmem>>, %arg8: memref<8x128xf32, #tpu.memory_space<vmem>>, %arg9: memref<8x128xf32, #tpu.memory_space<vmem>>, %arg10: memref<8x128xf32, #tpu.memory_space<vmem>>, %arg11: memref<8xf32, #tpu.memory_space<smem>>, %arg12: memref<!tpu.dma_semaphore, #tpu.memory_space<semaphore_mem>>) attributes {dimension_semantics = [#tpu.dimension_semantics<arbitrary>, #tpu.dimension_semantics<arbitrary>], iteration_bounds = array<i64: 8, 8>, scalar_prefetch = 0 : i64, scratch_operands = 8 : i64, tpu.core_type = #tpu.core_type<tc>, window_params = [{}, {}, {pipeline_mode = #tpu.pipeline_mode<synchronous>, transform_indices = @transform_2, window_bounds = array<i64: 1, 128>}]} {
    %eq3A = arith.constant 0 : i32
    %eq3A_0 = arith.cmpi eq, %arg0, %eq3A : i32
    %eq3A_1 = arith.constant 0 : i32
    %eq3A_2 = arith.cmpi eq, %arg1, %eq3A_1 : i32
    %and3A = arith.andi %eq3A_0, %eq3A_2 : i1
    %convert_element_type3A = arith.extui %and3A : i1 to i32
    %cond3A = arith.constant 0 : i32
    %cond3A_3 = arith.cmpi ne, %convert_element_type3A, %cond3A : i32
    scf.if %cond3A_3 {
      tpu.enqueue_dma source(%arg2 : memref<4096x64xf32, #tpu.memory_space<any>>) target(%arg5 : memref<4096x64xf32, #tpu.memory_space<vmem>>) target_semaphore(%arg12 : memref<!tpu.dma_semaphore, #tpu.memory_space<semaphore_mem>>)
      tpu.wait_dma2 semaphore(%arg12 : memref<!tpu.dma_semaphore, #tpu.memory_space<semaphore_mem>>) src(%arg2 : memref<4096x64xf32, #tpu.memory_space<any>>) dst(%arg5 : memref<4096x64xf32, #tpu.memory_space<vmem>>)
      tpu.enqueue_dma source(%arg3 : memref<4096x64xf32, #tpu.memory_space<any>>) target(%arg6 : memref<4096x64xf32, #tpu.memory_space<vmem>>) target_semaphore(%arg12 : memref<!tpu.dma_semaphore, #tpu.memory_space<semaphore_mem>>)
      tpu.wait_dma2 semaphore(%arg12 : memref<!tpu.dma_semaphore, #tpu.memory_space<semaphore_mem>>) src(%arg3 : memref<4096x64xf32, #tpu.memory_space<any>>) dst(%arg6 : memref<4096x64xf32, #tpu.memory_space<vmem>>)
      %get3A = arith.constant 0 : index
      %get3A_15 = arith.constant 0 : index
      %get3A_16 = vector.load %arg5[%get3A, %get3A_15] : memref<4096x64xf32, #tpu.memory_space<vmem>>, vector<4096x64xf32>
      %get3A_17 = arith.constant 0 : index
      %get3A_18 = arith.constant 0 : index
      %get3A_19 = vector.load %arg6[%get3A_17, %get3A_18] : memref<4096x64xf32, #tpu.memory_space<vmem>>, vector<4096x64xf32>
      %mul3A = arith.mulf %get3A_16, %get3A_16 : vector<4096x64xf32>
      %reduce_sum3A = arith.constant dense<0.000000e+00> : vector<4096xf32>
      %reduce_sum3A_20 = vector.multi_reduction <add>, %mul3A, %reduce_sum3A [1] : vector<4096x64xf32> to vector<4096xf32>
      %broadcast_in_dim3A = vector.shape_cast %reduce_sum3A_20 : vector<4096xf32> to vector<4096x1xf32>
      %sqrt3A = math.sqrt %broadcast_in_dim3A : vector<4096x1xf32>
      %max3A = arith.constant 9.99999996E-13 : f32
      %max3A_21 = vector.broadcast %max3A : f32 to vector<4096x1xf32>
      %max3A_22 = arith.maximumf %sqrt3A, %max3A_21 : vector<4096x1xf32>
      %div3A = vector.broadcast %max3A_22 : vector<4096x1xf32> to vector<4096x64xf32>
      %div3A_23 = arith.divf %get3A_16, %div3A : vector<4096x64xf32>
      %mul3A_24 = arith.mulf %get3A_19, %get3A_19 : vector<4096x64xf32>
      %reduce_sum3A_25 = arith.constant dense<0.000000e+00> : vector<4096xf32>
      %reduce_sum3A_26 = vector.multi_reduction <add>, %mul3A_24, %reduce_sum3A_25 [1] : vector<4096x64xf32> to vector<4096xf32>
      %broadcast_in_dim3A_27 = vector.shape_cast %reduce_sum3A_26 : vector<4096xf32> to vector<4096x1xf32>
      %sqrt3A_28 = math.sqrt %broadcast_in_dim3A_27 : vector<4096x1xf32>
      %max3A_29 = arith.constant 9.99999996E-13 : f32
      %max3A_30 = vector.broadcast %max3A_29 : f32 to vector<4096x1xf32>
      %max3A_31 = arith.maximumf %sqrt3A_28, %max3A_30 : vector<4096x1xf32>
      %div3A_32 = vector.broadcast %max3A_31 : vector<4096x1xf32> to vector<4096x64xf32>
      %div3A_33 = arith.divf %get3A_19, %div3A_32 : vector<4096x64xf32>
      %swap3A = arith.constant 0 : index
      %swap3A_34 = arith.constant 0 : index
      %swap3A_35 = vector.load %arg5[%swap3A, %swap3A_34] : memref<4096x64xf32, #tpu.memory_space<vmem>>, vector<4096x64xf32>
      tpu.vector_store %arg5[%swap3A, %swap3A_34], %div3A_23 {strides = array<i32>} : memref<4096x64xf32, #tpu.memory_space<vmem>>, vector<4096x64xf32>,
      %swap3A_36 = arith.constant 0 : index
      %swap3A_37 = arith.constant 0 : index
      %swap3A_38 = vector.load %arg6[%swap3A_36, %swap3A_37] : memref<4096x64xf32, #tpu.memory_space<vmem>>, vector<4096x64xf32>
      tpu.vector_store %arg6[%swap3A_36, %swap3A_37], %div3A_33 {strides = array<i32>} : memref<4096x64xf32, #tpu.memory_space<vmem>>, vector<4096x64xf32>,
      %sub3A = arith.subf %div3A_23, %div3A_33 : vector<4096x64xf32>
      %mul3A_39 = arith.mulf %sub3A, %sub3A : vector<4096x64xf32>
      %reduce_sum3A_40 = vector.shape_cast %mul3A_39 : vector<4096x64xf32> to vector<1x4096x64xf32>
      %reduce_sum3A_41 = arith.constant dense<0.000000e+00> : vector<1xf32>
      %reduce_sum3A_42 = vector.multi_reduction <add>, %reduce_sum3A_40, %reduce_sum3A_41 [1, 2] : vector<1x4096x64xf32> to vector<1xf32>
      %reduce_sum3A_43 = vector.shape_cast %reduce_sum3A_42 : vector<1xf32> to vector<1x1x1xf32>
      %reduce_sum3A_44 = vector.extract %reduce_sum3A_43[0, 0, 0] : f32 from vector<1x1x1xf32>
      %swap3A_45 = arith.constant 0 : index
      %swap3A_46 = memref.load %arg11[%swap3A_45] : memref<8xf32, #tpu.memory_space<smem>>
      memref.store %reduce_sum3A_44, %arg11[%swap3A_45] : memref<8xf32, #tpu.memory_space<smem>>
      %mul3A_47 = arith.mulf %div3A_23, %div3A_23 : vector<4096x64xf32>
      %reduce_sum3A_48 = arith.constant dense<0.000000e+00> : vector<4096xf32>
      %reduce_sum3A_49 = vector.multi_reduction <add>, %mul3A_47, %reduce_sum3A_48 [1] : vector<4096x64xf32> to vector<4096xf32>
      %broadcast_in_dim3A_50 = vector.shape_cast %reduce_sum3A_49 : vector<4096xf32> to vector<4096x1xf32>
      %mul3A_51 = arith.mulf %div3A_33, %div3A_33 : vector<4096x64xf32>
      %reduce_sum3A_52 = arith.constant dense<0.000000e+00> : vector<4096xf32>
      %reduce_sum3A_53 = vector.multi_reduction <add>, %mul3A_51, %reduce_sum3A_52 [1] : vector<4096x64xf32> to vector<4096xf32>
      %broadcast_in_dim3A_54 = vector.shape_cast %reduce_sum3A_53 : vector<4096xf32> to vector<4096x1xf32>
      %mul3A_55 = arith.constant 4.000000e+00 : f32
      %mul3A_56 = vector.broadcast %mul3A_55 : f32 to vector<4096x1xf32>
      %mul3A_57 = arith.mulf %mul3A_56, %broadcast_in_dim3A_50 : vector<4096x1xf32>
      %sub3A_58 = arith.constant 4.000000e+00 : f32
      %sub3A_59 = vector.broadcast %sub3A_58 : f32 to vector<4096x1xf32>
      %sub3A_60 = arith.subf %mul3A_57, %sub3A_59 : vector<4096x1xf32>
      %exp3A = math.exp %sub3A_60 : vector<4096x1xf32>
      %reduce_sum3A_61 = vector.shape_cast %exp3A : vector<4096x1xf32> to vector<1x4096x1xf32>
      %reduce_sum3A_62 = arith.constant dense<0.000000e+00> : vector<1xf32>
      %reduce_sum3A_63 = vector.multi_reduction <add>, %reduce_sum3A_61, %reduce_sum3A_62 [1, 2] : vector<1x4096x1xf32> to vector<1xf32>
      %reduce_sum3A_64 = vector.shape_cast %reduce_sum3A_63 : vector<1xf32> to vector<1x1x1xf32>
      %reduce_sum3A_65 = vector.extract %reduce_sum3A_64[0, 0, 0] : f32 from vector<1x1x1xf32>
      %swap3A_66 = arith.constant 1 : index
      %swap3A_67 = memref.load %arg11[%swap3A_66] : memref<8xf32, #tpu.memory_space<smem>>
      memref.store %reduce_sum3A_65, %arg11[%swap3A_66] : memref<8xf32, #tpu.memory_space<smem>>
      %mul3A_68 = arith.constant 4.000000e+00 : f32
      %mul3A_69 = vector.broadcast %mul3A_68 : f32 to vector<4096x1xf32>
      %mul3A_70 = arith.mulf %mul3A_69, %broadcast_in_dim3A_54 : vector<4096x1xf32>
      %sub3A_71 = arith.constant 4.000000e+00 : f32
      %sub3A_72 = vector.broadcast %sub3A_71 : f32 to vector<4096x1xf32>
      %sub3A_73 = arith.subf %mul3A_70, %sub3A_72 : vector<4096x1xf32>
      %exp3A_74 = math.exp %sub3A_73 : vector<4096x1xf32>
      %reduce_sum3A_75 = vector.shape_cast %exp3A_74 : vector<4096x1xf32> to vector<1x4096x1xf32>
      %reduce_sum3A_76 = arith.constant dense<0.000000e+00> : vector<1xf32>
      %reduce_sum3A_77 = vector.multi_reduction <add>, %reduce_sum3A_75, %reduce_sum3A_76 [1, 2] : vector<1x4096x1xf32> to vector<1xf32>
      %reduce_sum3A_78 = vector.shape_cast %reduce_sum3A_77 : vector<1xf32> to vector<1x1x1xf32>
      %reduce_sum3A_79 = vector.extract %reduce_sum3A_78[0, 0, 0] : f32 from vector<1x1x1xf32>
      %swap3A_80 = arith.constant 2 : index
      %swap3A_81 = memref.load %arg11[%swap3A_80] : memref<8xf32, #tpu.memory_space<smem>>
      memref.store %reduce_sum3A_79, %arg11[%swap3A_80] : memref<8xf32, #tpu.memory_space<smem>>
      %broadcast_in_dim3A_82 = arith.constant 0.000000e+00 : f32
      %broadcast_in_dim3A_83 = vector.broadcast %broadcast_in_dim3A_82 : f32 to vector<8x128xf32>
      %swap3A_84 = arith.constant 0 : index
      %swap3A_85 = arith.constant 0 : index
      %swap3A_86 = vector.load %arg7[%swap3A_84, %swap3A_85] : memref<8x128xf32, #tpu.memory_space<vmem>>, vector<8x128xf32>
      tpu.vector_store %arg7[%swap3A_84, %swap3A_85], %broadcast_in_dim3A_83 {strides = array<i32>} : memref<8x128xf32, #tpu.memory_space<vmem>>, vector<8x128xf32>,
      %swap3A_87 = arith.constant 0 : index
      %swap3A_88 = arith.constant 0 : index
      %swap3A_89 = vector.load %arg8[%swap3A_87, %swap3A_88] : memref<8x128xf32, #tpu.memory_space<vmem>>, vector<8x128xf32>
      tpu.vector_store %arg8[%swap3A_87, %swap3A_88], %broadcast_in_dim3A_83 {strides = array<i32>} : memref<8x128xf32, #tpu.memory_space<vmem>>, vector<8x128xf32>,
      %swap3A_90 = arith.constant 0 : index
      %swap3A_91 = arith.constant 0 : index
      %swap3A_92 = vector.load %arg9[%swap3A_90, %swap3A_91] : memref<8x128xf32, #tpu.memory_space<vmem>>, vector<8x128xf32>
      tpu.vector_store %arg9[%swap3A_90, %swap3A_91], %broadcast_in_dim3A_83 {strides = array<i32>} : memref<8x128xf32, #tpu.memory_space<vmem>>, vector<8x128xf32>,
      %swap3A_93 = arith.constant 0 : index
      %swap3A_94 = arith.constant 0 : index
      %swap3A_95 = vector.load %arg10[%swap3A_93, %swap3A_94] : memref<8x128xf32, #tpu.memory_space<vmem>>, vector<8x128xf32>
      tpu.vector_store %arg10[%swap3A_93, %swap3A_94], %broadcast_in_dim3A_83 {strides = array<i32>} : memref<8x128xf32, #tpu.memory_space<vmem>>, vector<8x128xf32>,
    } else {
    }
    %ge3A = arith.cmpi sge, %arg1, %arg0 : i32
    %convert_element_type3A_4 = arith.extui %ge3A : i1 to i32
    %cond3A_5 = arith.constant 0 : i32
    %cond3A_6 = arith.cmpi ne, %convert_element_type3A_4, %cond3A_5 : i32
    scf.if %cond3A_6 {
      %mul3A = arith.constant 512 : i32
      %mul3A_15 = arith.muli %arg0, %mul3A : i32
      %get3A = arith.index_cast %mul3A_15 : i32 to index
      %get3A_16 = arith.constant 0 : index
      %get3A_17 = vector.load %arg5[%get3A, %get3A_16] : memref<4096x64xf32, #tpu.memory_space<vmem>>, vector<512x64xf32>
      %mul3A_18 = arith.constant 512 : i32
      %mul3A_19 = arith.muli %arg1, %mul3A_18 : i32
      %get3A_20 = arith.index_cast %mul3A_19 : i32 to index
      %get3A_21 = arith.constant 0 : index
      %get3A_22 = vector.load %arg5[%get3A_20, %get3A_21] : memref<4096x64xf32, #tpu.memory_space<vmem>>, vector<512x64xf32>
      %dot_general3A = arith.constant dense<0.000000e+00> : vector<512x512xf32>
      %dot_general3A_23 = tpu.matmul %get3A_17, %get3A_22, %dot_general3A {dimension_numbers = #tpu.dot_dimension_numbers<[1], [1], [0], [0], [0, 0, 1, 0], [], []>, transpose_lhs_hint = false} : vector<512x64xf32>, vector<512x64xf32>, vector<512x512xf32> -> vector<512x512xf32>
      %mul3A_24 = arith.constant 4.000000e+00 : f32
      %mul3A_25 = vector.broadcast %mul3A_24 : f32 to vector<512x512xf32>
      %mul3A_26 = arith.mulf %mul3A_25, %dot_general3A_23 : vector<512x512xf32>
      %sub3A = arith.constant 4.000000e+00 : f32
      %sub3A_27 = vector.broadcast %sub3A : f32 to vector<512x512xf32>
      %sub3A_28 = arith.subf %mul3A_26, %sub3A_27 : vector<512x512xf32>
      %exp3A = math.exp %sub3A_28 : vector<512x512xf32>
      %slice3A = vector.extract_strided_slice %exp3A {offsets = [0, 0], sizes = [8, 128], strides = [1, 1]} : vector<512x512xf32> to vector<8x128xf32>
      %slice3A_29 = vector.extract_strided_slice %exp3A {offsets = [0, 128], sizes = [8, 128], strides = [1, 1]} : vector<512x512xf32> to vector<8x128xf32>
      %add3A = arith.addf %slice3A, %slice3A_29 : vector<8x128xf32>
      %slice3A_30 = vector.extract_strided_slice %exp3A {offsets = [0, 256], sizes = [8, 128], strides = [1, 1]} : vector<512x512xf32> to vector<8x128xf32>
      %add3A_31 = arith.addf %add3A, %slice3A_30 : vector<8x128xf32>
      %slice3A_32 = vector.extract_strided_slice %exp3A {offsets = [0, 384], sizes = [8, 128], strides = [1, 1]} : vector<512x512xf32> to vector<8x128xf32>
      %add3A_33 = arith.addf %add3A_31, %slice3A_32 : vector<8x128xf32>
      %slice3A_34 = vector.extract_strided_slice %exp3A {offsets = [8, 0], sizes = [8, 128], strides = [1, 1]} : vector<512x512xf32> to vector<8x128xf32>
      %add3A_35 = arith.addf %add3A_33, %slice3A_34 : vector<8x128xf32>
      %slice3A_36 = vector.extract_strided_slice %exp3A {offsets = [8, 128], sizes = [8, 128], strides = [1, 1]} : vector<512x512xf32> to vector<8x128xf32>
      %add3A_37 = arith.addf %add3A_35, %slice3A_36 : vector<8x128xf32>
      %slice3A_38 = vector.extract_strided_slice %exp3A {offsets = [8, 256], sizes = [8, 128], strides = [1, 1]} : vector<512x512xf32> to vector<8x128xf32>
      %add3A_39 = arith.addf %add3A_37, %slice3A_38 : vector<8x128xf32>
      %slice3A_40 = vector.extract_strided_slice %exp3A {offsets = [8, 384], sizes = [8, 128], strides = [1, 1]} : vector<512x512xf32> to vector<8x128xf32>
      %add3A_41 = arith.addf %add3A_39, %slice3A_40 : vector<8x128xf32>
      %slice3A_42 = vector.extract_strided_slice %exp3A {offsets = [16, 0], sizes = [8, 128], strides = [1, 1]} : vector<512x512xf32> to vector<8x128xf32>
      %add3A_43 = arith.addf %add3A_41, %slice3A_42 : vector<8x128xf32>
      %slice3A_44 = vector.extract_strided_slice %exp3A {offsets = [16, 128], sizes = [8, 128], strides = [1, 1]} : vector<512x512xf32> to vector<8x128xf32>
      %add3A_45 = arith.addf %add3A_43, %slice3A_44 : vector<8x128xf32>
      %slice3A_46 = vector.extract_strided_slice %exp3A {offsets = [16, 256], sizes = [8, 128], strides = [1, 1]} : vector<512x512xf32> to vector<8x128xf32>
      %add3A_47 = arith.addf %add3A_45, %slice3A_46 : vector<8x128xf32>
      %slice3A_48 = vector.extract_strided_slice %exp3A {offsets = [16, 384], sizes = [8, 128], strides = [1, 1]} : vector<512x512xf32> to vector<8x128xf32>
      %add3A_49 = arith.addf %add3A_47, %slice3A_48 : vector<8x128xf32>
      %slice3A_50 = vector.extract_strided_slice %exp3A {offsets = [24, 0], sizes = [8, 128], strides = [1, 1]} : vector<512x512xf32> to vector<8x128xf32>
      %add3A_51 = arith.addf %add3A_49, %slice3A_50 : vector<8x128xf32>
      %slice3A_52 = vector.extract_strided_slice %exp3A {offsets = [24, 128], sizes = [8, 128], strides = [1, 1]} : vector<512x512xf32> to vector<8x128xf32>
      %add3A_53 = arith.addf %add3A_51, %slice3A_52 : vector<8x128xf32>
      %slice3A_54 = vector.extract_strided_slice %exp3A {offsets = [24, 256], sizes = [8, 128], strides = [1, 1]} : vector<512x512xf32> to vector<8x128xf32>
      %add3A_55 = arith.addf %add3A_53, %slice3A_54 : vector<8x128xf32>
      %slice3A_56 = vector.extract_strided_slice %exp3A {offsets = [24, 384], sizes = [8, 128], strides = [1, 1]} : vector<512x512xf32> to vector<8x128xf32>
      %add3A_57 = arith.addf %add3A_55, %slice3A_56 : vector<8x128xf32>
      %slice3A_58 = vector.extract_strided_slice %exp3A {offsets = [32, 0], sizes = [8, 128], strides = [1, 1]} : vector<512x512xf32> to vector<8x128xf32>
      %add3A_59 = arith.addf %add3A_57, %slice3A_58 : vector<8x128xf32>
      %slice3A_60 = vector.extract_strided_slice %exp3A {offsets = [32, 128], sizes = [8, 128], strides = [1, 1]} : vector<512x512xf32> to vector<8x128xf32>
      %add3A_61 = arith.addf %add3A_59, %slice3A_60 : vector<8x128xf32>
      %slice3A_62 = vector.extract_strided_slice %exp3A {offsets = [32, 256], sizes = [8, 128], strides = [1, 1]} : vector<512x512xf32> to vector<8x128xf32>
      %add3A_63 = arith.addf %add3A_61, %slice3A_62 : vector<8x128xf32>
      %slice3A_64 = vector.extract_strided_slice %exp3A {offsets = [32, 384], sizes = [8, 128], strides = [1, 1]} : vector<512x512xf32> to vector<8x128xf32>
      %add3A_65 = arith.addf %add3A_63, %slice3A_64 : vector<8x128xf32>
      %slice3A_66 = vector.extract_strided_slice %exp3A {offsets = [40, 0], sizes = [8, 128], strides = [1, 1]} : vector<512x512xf32> to vector<8x128xf32>
      %add3A_67 = arith.addf %add3A_65, %slice3A_66 : vector<8x128xf32>
      %slice3A_68 = vector.extract_strided_slice %exp3A {offsets = [40, 128], sizes = [8, 128], strides = [1, 1]} : vector<512x512xf32> to vector<8x128xf32>
      %add3A_69 = arith.addf %add3A_67, %slice3A_68 : vector<8x128xf32>
      %slice3A_70 = vector.extract_strided_slice %exp3A {offsets = [40, 256], sizes = [8, 128], strides = [1, 1]} : vector<512x512xf32> to vector<8x128xf32>
      %add3A_71 = arith.addf %add3A_69, %slice3A_70 : vector<8x128xf32>
      %slice3A_72 = vector.extract_strided_slice %exp3A {offsets = [40, 384], sizes = [8, 128], strides = [1, 1]} : vector<512x512xf32> to vector<8x128xf32>
      %add3A_73 = arith.addf %add3A_71, %slice3A_72 : vector<8x128xf32>
      %slice3A_74 = vector.extract_strided_slice %exp3A {offsets = [48, 0], sizes = [8, 128], strides = [1, 1]} : vector<512x512xf32> to vector<8x128xf32>
      %add3A_75 = arith.addf %add3A_73, %slice3A_74 : vector<8x128xf32>
      %slice3A_76 = vector.extract_strided_slice %exp3A {offsets = [48, 128], sizes = [8, 128], strides = [1, 1]} : vector<512x512xf32> to vector<8x128xf32>
      %add3A_77 = arith.addf %add3A_75, %slice3A_76 : vector<8x128xf32>
      %slice3A_78 = vector.extract_strided_slice %exp3A {offsets = [48, 256], sizes = [8, 128], strides = [1, 1]} : vector<512x512xf32> to vector<8x128xf32>
      %add3A_79 = arith.addf %add3A_77, %slice3A_78 : vector<8x128xf32>
      %slice3A_80 = vector.extract_strided_slice %exp3A {offsets = [48, 384], sizes = [8, 128], strides = [1, 1]} : vector<512x512xf32> to vector<8x128xf32>
      %add3A_81 = arith.addf %add3A_79, %slice3A_80 : vector<8x128xf32>
      %slice3A_82 = vector.extract_strided_slice %exp3A {offsets = [56, 0], sizes = [8, 128], strides = [1, 1]} : vector<512x512xf32> to vector<8x128xf32>
      %add3A_83 = arith.addf %add3A_81, %slice3A_82 : vector<8x128xf32>
      %slice3A_84 = vector.extract_strided_slice %exp3A {offsets = [56, 128], sizes = [8, 128], strides = [1, 1]} : vector<512x512xf32> to vector<8x128xf32>
      %add3A_85 = arith.addf %add3A_83, %slice3A_84 : vector<8x128xf32>
      %slice3A_86 = vector.extract_strided_slice %exp3A {offsets = [56, 256], sizes = [8, 128], strides = [1, 1]} : vector<512x512xf32> to vector<8x128xf32>
      %add3A_87 = arith.addf %add3A_85, %slice3A_86 : vector<8x128xf32>
      %slice3A_88 = vector.extract_strided_slice %exp3A {offsets = [56, 384], sizes = [8, 128], strides = [1, 1]} : vector<512x512xf32> to vector<8x128xf32>
      %add3A_89 = arith.addf %add3A_87, %slice3A_88 : vector<8x128xf32>
      %slice3A_90 = vector.extract_strided_slice %exp3A {offsets = [64, 0], sizes = [8, 128], strides = [1, 1]} : vector<512x512xf32> to vector<8x128xf32>
      %add3A_91 = arith.addf %add3A_89, %slice3A_90 : vector<8x128xf32>
      %slice3A_92 = vector.extract_strided_slice %exp3A {offsets = [64, 128], sizes = [8, 128], strides = [1, 1]} : vector<512x512xf32> to vector<8x128xf32>
      %add3A_93 = arith.addf %add3A_91, %slice3A_92 : vector<8x128xf32>
      %slice3A_94 = vector.extract_strided_slice %exp3A {offsets = [64, 256], sizes = [8, 128], strides = [1, 1]} : vector<512x512xf32> to vector<8x128xf32>
      %add3A_95 = arith.addf %add3A_93, %slice3A_94 : vector<8x128xf32>
      %slice3A_96 = vector.extract_strided_slice %exp3A {offsets = [64, 384], sizes = [8, 128], strides = [1, 1]} : vector<512x512xf32> to vector<8x128xf32>
      %add3A_97 = arith.addf %add3A_95, %slice3A_96 : vector<8x128xf32>
      %slice3A_98 = vector.extract_strided_slice %exp3A {offsets = [72, 0], sizes = [8, 128], strides = [1, 1]} : vector<512x512xf32> to vector<8x128xf32>
      %add3A_99 = arith.addf %add3A_97, %slice3A_98 : vector<8x128xf32>
      %slice3A_100 = vector.extract_strided_slice %exp3A {offsets = [72, 128], sizes = [8, 128], strides = [1, 1]} : vector<512x512xf32> to vector<8x128xf32>
      %add3A_101 = arith.addf %add3A_99, %slice3A_100 : vector<8x128xf32>
      %slice3A_102 = vector.extract_strided_slice %exp3A {offsets = [72, 256], sizes = [8, 128], strides = [1, 1]} : vector<512x512xf32> to vector<8x128xf32>
      %add3A_103 = arith.addf %add3A_101, %slice3A_102 : vector<8x128xf32>
      %slice3A_104 = vector.extract_strided_slice %exp3A {offsets = [72, 384], sizes = [8, 128], strides = [1, 1]} : vector<512x512xf32> to vector<8x128xf32>
      %add3A_105 = arith.addf %add3A_103, %slice3A_104 : vector<8x128xf32>
      %slice3A_106 = vector.extract_strided_slice %exp3A {offsets = [80, 0], sizes = [8, 128], strides = [1, 1]} : vector<512x512xf32> to vector<8x128xf32>
      %add3A_107 = arith.addf %add3A_105, %slice3A_106 : vector<8x128xf32>
      %slice3A_108 = vector.extract_strided_slice %exp3A {offsets = [80, 128], sizes = [8, 128], strides = [1, 1]} : vector<512x512xf32> to vector<8x128xf32>
      %add3A_109 = arith.addf %add3A_107, %slice3A_108 : vector<8x128xf32>
      %slice3A_110 = vector.extract_strided_slice %exp3A {offsets = [80, 256], sizes = [8, 128], strides = [1, 1]} : vector<512x512xf32> to vector<8x128xf32>
      %add3A_111 = arith.addf %add3A_109, %slice3A_110 : vector<8x128xf32>
      %slice3A_112 = vector.extract_strided_slice %exp3A {offsets = [80, 384], sizes = [8, 128], strides = [1, 1]} : vector<512x512xf32> to vector<8x128xf32>
      %add3A_113 = arith.addf %add3A_111, %slice3A_112 : vector<8x128xf32>
      %slice3A_114 = vector.extract_strided_slice %exp3A {offsets = [88, 0], sizes = [8, 128], strides = [1, 1]} : vector<512x512xf32> to vector<8x128xf32>
      %add3A_115 = arith.addf %add3A_113, %slice3A_114 : vector<8x128xf32>
      %slice3A_116 = vector.extract_strided_slice %exp3A {offsets = [88, 128], sizes = [8, 128], strides = [1, 1]} : vector<512x512xf32> to vector<8x128xf32>
      %add3A_117 = arith.addf %add3A_115, %slice3A_116 : vector<8x128xf32>
      %slice3A_118 = vector.extract_strided_slice %exp3A {offsets = [88, 256], sizes = [8, 128], strides = [1, 1]} : vector<512x512xf32> to vector<8x128xf32>
      %add3A_119 = arith.addf %add3A_117, %slice3A_118 : vector<8x128xf32>
      %slice3A_120 = vector.extract_strided_slice %exp3A {offsets = [88, 384], sizes = [8, 128], strides = [1, 1]} : vector<512x512xf32> to vector<8x128xf32>
      %add3A_121 = arith.addf %add3A_119, %slice3A_120 : vector<8x128xf32>
      %slice3A_122 = vector.extract_strided_slice %exp3A {offsets = [96, 0], sizes = [8, 128], strides = [1, 1]} : vector<512x512xf32> to vector<8x128xf32>
      %add3A_123 = arith.addf %add3A_121, %slice3A_122 : vector<8x128xf32>
      %slice3A_124 = vector.extract_strided_slice %exp3A {offsets = [96, 128], sizes = [8, 128], strides = [1, 1]} : vector<512x512xf32> to vector<8x128xf32>
      %add3A_125 = arith.addf %add3A_123, %slice3A_124 : vector<8x128xf32>
      %slice3A_126 = vector.extract_strided_slice %exp3A {offsets = [96, 256], sizes = [8, 128], strides = [1, 1]} : vector<512x512xf32> to vector<8x128xf32>
      %add3A_127 = arith.addf %add3A_125, %slice3A_126 : vector<8x128xf32>
      %slice3A_128 = vector.extract_strided_slice %exp3A {offsets = [96, 384], sizes = [8, 128], strides = [1, 1]} : vector<512x512xf32> to vector<8x128xf32>
      %add3A_129 = arith.addf %add3A_127, %slice3A_128 : vector<8x128xf32>
      %slice3A_130 = vector.extract_strided_slice %exp3A {offsets = [104, 0], sizes = [8, 128], strides = [1, 1]} : vector<512x512xf32> to vector<8x128xf32>
      %add3A_131 = arith.addf %add3A_129, %slice3A_130 : vector<8x128xf32>
      %slice3A_132 = vector.extract_strided_slice %exp3A {offsets = [104, 128], sizes = [8, 128], strides = [1, 1]} : vector<512x512xf32> to vector<8x128xf32>
      %add3A_133 = arith.addf %add3A_131, %slice3A_132 : vector<8x128xf32>
      %slice3A_134 = vector.extract_strided_slice %exp3A {offsets = [104, 256], sizes = [8, 128], strides = [1, 1]} : vector<512x512xf32> to vector<8x128xf32>
      %add3A_135 = arith.addf %add3A_133, %slice3A_134 : vector<8x128xf32>
      %slice3A_136 = vector.extract_strided_slice %exp3A {offsets = [104, 384], sizes = [8, 128], strides = [1, 1]} : vector<512x512xf32> to vector<8x128xf32>
      %add3A_137 = arith.addf %add3A_135, %slice3A_136 : vector<8x128xf32>
      %slice3A_138 = vector.extract_strided_slice %exp3A {offsets = [112, 0], sizes = [8, 128], strides = [1, 1]} : vector<512x512xf32> to vector<8x128xf32>
      %add3A_139 = arith.addf %add3A_137, %slice3A_138 : vector<8x128xf32>
      %slice3A_140 = vector.extract_strided_slice %exp3A {offsets = [112, 128], sizes = [8, 128], strides = [1, 1]} : vector<512x512xf32> to vector<8x128xf32>
      %add3A_141 = arith.addf %add3A_139, %slice3A_140 : vector<8x128xf32>
      %slice3A_142 = vector.extract_strided_slice %exp3A {offsets = [112, 256], sizes = [8, 128], strides = [1, 1]} : vector<512x512xf32> to vector<8x128xf32>
      %add3A_143 = arith.addf %add3A_141, %slice3A_142 : vector<8x128xf32>
      %slice3A_144 = vector.extract_strided_slice %exp3A {offsets = [112, 384], sizes = [8, 128], strides = [1, 1]} : vector<512x512xf32> to vector<8x128xf32>
      %add3A_145 = arith.addf %add3A_143, %slice3A_144 : vector<8x128xf32>
      %slice3A_146 = vector.extract_strided_slice %exp3A {offsets = [120, 0], sizes = [8, 128], strides = [1, 1]} : vector<512x512xf32> to vector<8x128xf32>
      %add3A_147 = arith.addf %add3A_145, %slice3A_146 : vector<8x128xf32>
      %slice3A_148 = vector.extract_strided_slice %exp3A {offsets = [120, 128], sizes = [8, 128], strides = [1, 1]} : vector<512x512xf32> to vector<8x128xf32>
      %add3A_149 = arith.addf %add3A_147, %slice3A_148 : vector<8x128xf32>
      %slice3A_150 = vector.extract_strided_slice %exp3A {offsets = [120, 256], sizes = [8, 128], strides = [1, 1]} : vector<512x512xf32> to vector<8x128xf32>
      %add3A_151 = arith.addf %add3A_149, %slice3A_150 : vector<8x128xf32>
      %slice3A_152 = vector.extract_strided_slice %exp3A {offsets = [120, 384], sizes = [8, 128], strides = [1, 1]} : vector<512x512xf32> to vector<8x128xf32>
      %add3A_153 = arith.addf %add3A_151, %slice3A_152 : vector<8x128xf32>
      %slice3A_154 = vector.extract_strided_slice %exp3A {offsets = [128, 0], sizes = [8, 128], strides = [1, 1]} : vector<512x512xf32> to vector<8x128xf32>
      %add3A_155 = arith.addf %add3A_153, %slice3A_154 : vector<8x128xf32>
      %slice3A_156 = vector.extract_strided_slice %exp3A {offsets = [128, 128], sizes = [8, 128], strides = [1, 1]} : vector<512x512xf32> to vector<8x128xf32>
      %add3A_157 = arith.addf %add3A_155, %slice3A_156 : vector<8x128xf32>
      %slice3A_158 = vector.extract_strided_slice %exp3A {offsets = [128, 256], sizes = [8, 128], strides = [1, 1]} : vector<512x512xf32> to vector<8x128xf32>
      %add3A_159 = arith.addf %add3A_157, %slice3A_158 : vector<8x128xf32>
      %slice3A_160 = vector.extract_strided_slice %exp3A {offsets = [128, 384], sizes = [8, 128], strides = [1, 1]} : vector<512x512xf32> to vector<8x128xf32>
      %add3A_161 = arith.addf %add3A_159, %slice3A_160 : vector<8x128xf32>
      %slice3A_162 = vector.extract_strided_slice %exp3A {offsets = [136, 0], sizes = [8, 128], strides = [1, 1]} : vector<512x512xf32> to vector<8x128xf32>
      %add3A_163 = arith.addf %add3A_161, %slice3A_162 : vector<8x128xf32>
      %slice3A_164 = vector.extract_strided_slice %exp3A {offsets = [136, 128], sizes = [8, 128], strides = [1, 1]} : vector<512x512xf32> to vector<8x128xf32>
      %add3A_165 = arith.addf %add3A_163, %slice3A_164 : vector<8x128xf32>
      %slice3A_166 = vector.extract_strided_slice %exp3A {offsets = [136, 256], sizes = [8, 128], strides = [1, 1]} : vector<512x512xf32> to vector<8x128xf32>
      %add3A_167 = arith.addf %add3A_165, %slice3A_166 : vector<8x128xf32>
      %slice3A_168 = vector.extract_strided_slice %exp3A {offsets = [136, 384], sizes = [8, 128], strides = [1, 1]} : vector<512x512xf32> to vector<8x128xf32>
      %add3A_169 = arith.addf %add3A_167, %slice3A_168 : vector<8x128xf32>
      %slice3A_170 = vector.extract_strided_slice %exp3A {offsets = [144, 0], sizes = [8, 128], strides = [1, 1]} : vector<512x512xf32> to vector<8x128xf32>
      %add3A_171 = arith.addf %add3A_169, %slice3A_170 : vector<8x128xf32>
      %slice3A_172 = vector.extract_strided_slice %exp3A {offsets = [144, 128], sizes = [8, 128], strides = [1, 1]} : vector<512x512xf32> to vector<8x128xf32>
      %add3A_173 = arith.addf %add3A_171, %slice3A_172 : vector<8x128xf32>
      %slice3A_174 = vector.extract_strided_slice %exp3A {offsets = [144, 256], sizes = [8, 128], strides = [1, 1]} : vector<512x512xf32> to vector<8x128xf32>
      %add3A_175 = arith.addf %add3A_173, %slice3A_174 : vector<8x128xf32>
      %slice3A_176 = vector.extract_strided_slice %exp3A {offsets = [144, 384], sizes = [8, 128], strides = [1, 1]} : vector<512x512xf32> to vector<8x128xf32>
      %add3A_177 = arith.addf %add3A_175, %slice3A_176 : vector<8x128xf32>
      %slice3A_178 = vector.extract_strided_slice %exp3A {offsets = [152, 0], sizes = [8, 128], strides = [1, 1]} : vector<512x512xf32> to vector<8x128xf32>
      %add3A_179 = arith.addf %add3A_177, %slice3A_178 : vector<8x128xf32>
      %slice3A_180 = vector.extract_strided_slice %exp3A {offsets = [152, 128], sizes = [8, 128], strides = [1, 1]} : vector<512x512xf32> to vector<8x128xf32>
      %add3A_181 = arith.addf %add3A_179, %slice3A_180 : vector<8x128xf32>
      %slice3A_182 = vector.extract_strided_slice %exp3A {offsets = [152, 256], sizes = [8, 128], strides = [1, 1]} : vector<512x512xf32> to vector<8x128xf32>
      %add3A_183 = arith.addf %add3A_181, %slice3A_182 : vector<8x128xf32>
      %slice3A_184 = vector.extract_strided_slice %exp3A {offsets = [152, 384], sizes = [8, 128], strides = [1, 1]} : vector<512x512xf32> to vector<8x128xf32>
      %add3A_185 = arith.addf %add3A_183, %slice3A_184 : vector<8x128xf32>
      %slice3A_186 = vector.extract_strided_slice %exp3A {offsets = [160, 0], sizes = [8, 128], strides = [1, 1]} : vector<512x512xf32> to vector<8x128xf32>
      %add3A_187 = arith.addf %add3A_185, %slice3A_186 : vector<8x128xf32>
      %slice3A_188 = vector.extract_strided_slice %exp3A {offsets = [160, 128], sizes = [8, 128], strides = [1, 1]} : vector<512x512xf32> to vector<8x128xf32>
      %add3A_189 = arith.addf %add3A_187, %slice3A_188 : vector<8x128xf32>
      %slice3A_190 = vector.extract_strided_slice %exp3A {offsets = [160, 256], sizes = [8, 128], strides = [1, 1]} : vector<512x512xf32> to vector<8x128xf32>
      %add3A_191 = arith.addf %add3A_189, %slice3A_190 : vector<8x128xf32>
      %slice3A_192 = vector.extract_strided_slice %exp3A {offsets = [160, 384], sizes = [8, 128], strides = [1, 1]} : vector<512x512xf32> to vector<8x128xf32>
      %add3A_193 = arith.addf %add3A_191, %slice3A_192 : vector<8x128xf32>
      %slice3A_194 = vector.extract_strided_slice %exp3A {offsets = [168, 0], sizes = [8, 128], strides = [1, 1]} : vector<512x512xf32> to vector<8x128xf32>
      %add3A_195 = arith.addf %add3A_193, %slice3A_194 : vector<8x128xf32>
      %slice3A_196 = vector.extract_strided_slice %exp3A {offsets = [168, 128], sizes = [8, 128], strides = [1, 1]} : vector<512x512xf32> to vector<8x128xf32>
      %add3A_197 = arith.addf %add3A_195, %slice3A_196 : vector<8x128xf32>
      %slice3A_198 = vector.extract_strided_slice %exp3A {offsets = [168, 256], sizes = [8, 128], strides = [1, 1]} : vector<512x512xf32> to vector<8x128xf32>
      %add3A_199 = arith.addf %add3A_197, %slice3A_198 : vector<8x128xf32>
      %slice3A_200 = vector.extract_strided_slice %exp3A {offsets = [168, 384], sizes = [8, 128], strides = [1, 1]} : vector<512x512xf32> to vector<8x128xf32>
      %add3A_201 = arith.addf %add3A_199, %slice3A_200 : vector<8x128xf32>
      %slice3A_202 = vector.extract_strided_slice %exp3A {offsets = [176, 0], sizes = [8, 128], strides = [1, 1]} : vector<512x512xf32> to vector<8x128xf32>
      %add3A_203 = arith.addf %add3A_201, %slice3A_202 : vector<8x128xf32>
      %slice3A_204 = vector.extract_strided_slice %exp3A {offsets = [176, 128], sizes = [8, 128], strides = [1, 1]} : vector<512x512xf32> to vector<8x128xf32>
      %add3A_205 = arith.addf %add3A_203, %slice3A_204 : vector<8x128xf32>
      %slice3A_206 = vector.extract_strided_slice %exp3A {offsets = [176, 256], sizes = [8, 128], strides = [1, 1]} : vector<512x512xf32> to vector<8x128xf32>
      %add3A_207 = arith.addf %add3A_205, %slice3A_206 : vector<8x128xf32>
      %slice3A_208 = vector.extract_strided_slice %exp3A {offsets = [176, 384], sizes = [8, 128], strides = [1, 1]} : vector<512x512xf32> to vector<8x128xf32>
      %add3A_209 = arith.addf %add3A_207, %slice3A_208 : vector<8x128xf32>
      %slice3A_210 = vector.extract_strided_slice %exp3A {offsets = [184, 0], sizes = [8, 128], strides = [1, 1]} : vector<512x512xf32> to vector<8x128xf32>
      %add3A_211 = arith.addf %add3A_209, %slice3A_210 : vector<8x128xf32>
      %slice3A_212 = vector.extract_strided_slice %exp3A {offsets = [184, 128], sizes = [8, 128], strides = [1, 1]} : vector<512x512xf32> to vector<8x128xf32>
      %add3A_213 = arith.addf %add3A_211, %slice3A_212 : vector<8x128xf32>
      %slice3A_214 = vector.extract_strided_slice %exp3A {offsets = [184, 256], sizes = [8, 128], strides = [1, 1]} : vector<512x512xf32> to vector<8x128xf32>
      %add3A_215 = arith.addf %add3A_213, %slice3A_214 : vector<8x128xf32>
      %slice3A_216 = vector.extract_strided_slice %exp3A {offsets = [184, 384], sizes = [8, 128], strides = [1, 1]} : vector<512x512xf32> to vector<8x128xf32>
      %add3A_217 = arith.addf %add3A_215, %slice3A_216 : vector<8x128xf32>
      %slice3A_218 = vector.extract_strided_slice %exp3A {offsets = [192, 0], sizes = [8, 128], strides = [1, 1]} : vector<512x512xf32> to vector<8x128xf32>
      %add3A_219 = arith.addf %add3A_217, %slice3A_218 : vector<8x128xf32>
      %slice3A_220 = vector.extract_strided_slice %exp3A {offsets = [192, 128], sizes = [8, 128], strides = [1, 1]} : vector<512x512xf32> to vector<8x128xf32>
      %add3A_221 = arith.addf %add3A_219, %slice3A_220 : vector<8x128xf32>
      %slice3A_222 = vector.extract_strided_slice %exp3A {offsets = [192, 256], sizes = [8, 128], strides = [1, 1]} : vector<512x512xf32> to vector<8x128xf32>
      %add3A_223 = arith.addf %add3A_221, %slice3A_222 : vector<8x128xf32>
      %slice3A_224 = vector.extract_strided_slice %exp3A {offsets = [192, 384], sizes = [8, 128], strides = [1, 1]} : vector<512x512xf32> to vector<8x128xf32>
      %add3A_225 = arith.addf %add3A_223, %slice3A_224 : vector<8x128xf32>
      %slice3A_226 = vector.extract_strided_slice %exp3A {offsets = [200, 0], sizes = [8, 128], strides = [1, 1]} : vector<512x512xf32> to vector<8x128xf32>
      %add3A_227 = arith.addf %add3A_225, %slice3A_226 : vector<8x128xf32>
      %slice3A_228 = vector.extract_strided_slice %exp3A {offsets = [200, 128], sizes = [8, 128], strides = [1, 1]} : vector<512x512xf32> to vector<8x128xf32>
      %add3A_229 = arith.addf %add3A_227, %slice3A_228 : vector<8x128xf32>
      %slice3A_230 = vector.extract_strided_slice %exp3A {offsets = [200, 256], sizes = [8, 128], strides = [1, 1]} : vector<512x512xf32> to vector<8x128xf32>
      %add3A_231 = arith.addf %add3A_229, %slice3A_230 : vector<8x128xf32>
      %slice3A_232 = vector.extract_strided_slice %exp3A {offsets = [200, 384], sizes = [8, 128], strides = [1, 1]} : vector<512x512xf32> to vector<8x128xf32>
      %add3A_233 = arith.addf %add3A_231, %slice3A_232 : vector<8x128xf32>
      %slice3A_234 = vector.extract_strided_slice %exp3A {offsets = [208, 0], sizes = [8, 128], strides = [1, 1]} : vector<512x512xf32> to vector<8x128xf32>
      %add3A_235 = arith.addf %add3A_233, %slice3A_234 : vector<8x128xf32>
      %slice3A_236 = vector.extract_strided_slice %exp3A {offsets = [208, 128], sizes = [8, 128], strides = [1, 1]} : vector<512x512xf32> to vector<8x128xf32>
      %add3A_237 = arith.addf %add3A_235, %slice3A_236 : vector<8x128xf32>
      %slice3A_238 = vector.extract_strided_slice %exp3A {offsets = [208, 256], sizes = [8, 128], strides = [1, 1]} : vector<512x512xf32> to vector<8x128xf32>
      %add3A_239 = arith.addf %add3A_237, %slice3A_238 : vector<8x128xf32>
      %slice3A_240 = vector.extract_strided_slice %exp3A {offsets = [208, 384], sizes = [8, 128], strides = [1, 1]} : vector<512x512xf32> to vector<8x128xf32>
      %add3A_241 = arith.addf %add3A_239, %slice3A_240 : vector<8x128xf32>
      %slice3A_242 = vector.extract_strided_slice %exp3A {offsets = [216, 0], sizes = [8, 128], strides = [1, 1]} : vector<512x512xf32> to vector<8x128xf32>
      %add3A_243 = arith.addf %add3A_241, %slice3A_242 : vector<8x128xf32>
      %slice3A_244 = vector.extract_strided_slice %exp3A {offsets = [216, 128], sizes = [8, 128], strides = [1, 1]} : vector<512x512xf32> to vector<8x128xf32>
      %add3A_245 = arith.addf %add3A_243, %slice3A_244 : vector<8x128xf32>
      %slice3A_246 = vector.extract_strided_slice %exp3A {offsets = [216, 256], sizes = [8, 128], strides = [1, 1]} : vector<512x512xf32> to vector<8x128xf32>
      %add3A_247 = arith.addf %add3A_245, %slice3A_246 : vector<8x128xf32>
      %slice3A_248 = vector.extract_strided_slice %exp3A {offsets = [216, 384], sizes = [8, 128], strides = [1, 1]} : vector<512x512xf32> to vector<8x128xf32>
      %add3A_249 = arith.addf %add3A_247, %slice3A_248 : vector<8x128xf32>
      %slice3A_250 = vector.extract_strided_slice %exp3A {offsets = [224, 0], sizes = [8, 128], strides = [1, 1]} : vector<512x512xf32> to vector<8x128xf32>
      %add3A_251 = arith.addf %add3A_249, %slice3A_250 : vector<8x128xf32>
      %slice3A_252 = vector.extract_strided_slice %exp3A {offsets = [224, 128], sizes = [8, 128], strides = [1, 1]} : vector<512x512xf32> to vector<8x128xf32>
      %add3A_253 = arith.addf %add3A_251, %slice3A_252 : vector<8x128xf32>
      %slice3A_254 = vector.extract_strided_slice %exp3A {offsets = [224, 256], sizes = [8, 128], strides = [1, 1]} : vector<512x512xf32> to vector<8x128xf32>
      %add3A_255 = arith.addf %add3A_253, %slice3A_254 : vector<8x128xf32>
      %slice3A_256 = vector.extract_strided_slice %exp3A {offsets = [224, 384], sizes = [8, 128], strides = [1, 1]} : vector<512x512xf32> to vector<8x128xf32>
      %add3A_257 = arith.addf %add3A_255, %slice3A_256 : vector<8x128xf32>
      %slice3A_258 = vector.extract_strided_slice %exp3A {offsets = [232, 0], sizes = [8, 128], strides = [1, 1]} : vector<512x512xf32> to vector<8x128xf32>
      %add3A_259 = arith.addf %add3A_257, %slice3A_258 : vector<8x128xf32>
      %slice3A_260 = vector.extract_strided_slice %exp3A {offsets = [232, 128], sizes = [8, 128], strides = [1, 1]} : vector<512x512xf32> to vector<8x128xf32>
      %add3A_261 = arith.addf %add3A_259, %slice3A_260 : vector<8x128xf32>
      %slice3A_262 = vector.extract_strided_slice %exp3A {offsets = [232, 256], sizes = [8, 128], strides = [1, 1]} : vector<512x512xf32> to vector<8x128xf32>
      %add3A_263 = arith.addf %add3A_261, %slice3A_262 : vector<8x128xf32>
      %slice3A_264 = vector.extract_strided_slice %exp3A {offsets = [232, 384], sizes = [8, 128], strides = [1, 1]} : vector<512x512xf32> to vector<8x128xf32>
      %add3A_265 = arith.addf %add3A_263, %slice3A_264 : vector<8x128xf32>
      %slice3A_266 = vector.extract_strided_slice %exp3A {offsets = [240, 0], sizes = [8, 128], strides = [1, 1]} : vector<512x512xf32> to vector<8x128xf32>
      %add3A_267 = arith.addf %add3A_265, %slice3A_266 : vector<8x128xf32>
      %slice3A_268 = vector.extract_strided_slice %exp3A {offsets = [240, 128], sizes = [8, 128], strides = [1, 1]} : vector<512x512xf32> to vector<8x128xf32>
      %add3A_269 = arith.addf %add3A_267, %slice3A_268 : vector<8x128xf32>
      %slice3A_270 = vector.extract_strided_slice %exp3A {offsets = [240, 256], sizes = [8, 128], strides = [1, 1]} : vector<512x512xf32> to vector<8x128xf32>
      %add3A_271 = arith.addf %add3A_269, %slice3A_270 : vector<8x128xf32>
      %slice3A_272 = vector.extract_strided_slice %exp3A {offsets = [240, 384], sizes = [8, 128], strides = [1, 1]} : vector<512x512xf32> to vector<8x128xf32>
      %add3A_273 = arith.addf %add3A_271, %slice3A_272 : vector<8x128xf32>
      %slice3A_274 = vector.extract_strided_slice %exp3A {offsets = [248, 0], sizes = [8, 128], strides = [1, 1]} : vector<512x512xf32> to vector<8x128xf32>
      %add3A_275 = arith.addf %add3A_273, %slice3A_274 : vector<8x128xf32>
      %slice3A_276 = vector.extract_strided_slice %exp3A {offsets = [248, 128], sizes = [8, 128], strides = [1, 1]} : vector<512x512xf32> to vector<8x128xf32>
      %add3A_277 = arith.addf %add3A_275, %slice3A_276 : vector<8x128xf32>
      %slice3A_278 = vector.extract_strided_slice %exp3A {offsets = [248, 256], sizes = [8, 128], strides = [1, 1]} : vector<512x512xf32> to vector<8x128xf32>
      %add3A_279 = arith.addf %add3A_277, %slice3A_278 : vector<8x128xf32>
      %slice3A_280 = vector.extract_strided_slice %exp3A {offsets = [248, 384], sizes = [8, 128], strides = [1, 1]} : vector<512x512xf32> to vector<8x128xf32>
      %add3A_281 = arith.addf %add3A_279, %slice3A_280 : vector<8x128xf32>
      %slice3A_282 = vector.extract_strided_slice %exp3A {offsets = [256, 0], sizes = [8, 128], strides = [1, 1]} : vector<512x512xf32> to vector<8x128xf32>
      %add3A_283 = arith.addf %add3A_281, %slice3A_282 : vector<8x128xf32>
      %slice3A_284 = vector.extract_strided_slice %exp3A {offsets = [256, 128], sizes = [8, 128], strides = [1, 1]} : vector<512x512xf32> to vector<8x128xf32>
      %add3A_285 = arith.addf %add3A_283, %slice3A_284 : vector<8x128xf32>
      %slice3A_286 = vector.extract_strided_slice %exp3A {offsets = [256, 256], sizes = [8, 128], strides = [1, 1]} : vector<512x512xf32> to vector<8x128xf32>
      %add3A_287 = arith.addf %add3A_285, %slice3A_286 : vector<8x128xf32>
      %slice3A_288 = vector.extract_strided_slice %exp3A {offsets = [256, 384], sizes = [8, 128], strides = [1, 1]} : vector<512x512xf32> to vector<8x128xf32>
      %add3A_289 = arith.addf %add3A_287, %slice3A_288 : vector<8x128xf32>
      %slice3A_290 = vector.extract_strided_slice %exp3A {offsets = [264, 0], sizes = [8, 128], strides = [1, 1]} : vector<512x512xf32> to vector<8x128xf32>
      %add3A_291 = arith.addf %add3A_289, %slice3A_290 : vector<8x128xf32>
      %slice3A_292 = vector.extract_strided_slice %exp3A {offsets = [264, 128], sizes = [8, 128], strides = [1, 1]} : vector<512x512xf32> to vector<8x128xf32>
      %add3A_293 = arith.addf %add3A_291, %slice3A_292 : vector<8x128xf32>
      %slice3A_294 = vector.extract_strided_slice %exp3A {offsets = [264, 256], sizes = [8, 128], strides = [1, 1]} : vector<512x512xf32> to vector<8x128xf32>
      %add3A_295 = arith.addf %add3A_293, %slice3A_294 : vector<8x128xf32>
      %slice3A_296 = vector.extract_strided_slice %exp3A {offsets = [264, 384], sizes = [8, 128], strides = [1, 1]} : vector<512x512xf32> to vector<8x128xf32>
      %add3A_297 = arith.addf %add3A_295, %slice3A_296 : vector<8x128xf32>
      %slice3A_298 = vector.extract_strided_slice %exp3A {offsets = [272, 0], sizes = [8, 128], strides = [1, 1]} : vector<512x512xf32> to vector<8x128xf32>
      %add3A_299 = arith.addf %add3A_297, %slice3A_298 : vector<8x128xf32>
      %slice3A_300 = vector.extract_strided_slice %exp3A {offsets = [272, 128], sizes = [8, 128], strides = [1, 1]} : vector<512x512xf32> to vector<8x128xf32>
      %add3A_301 = arith.addf %add3A_299, %slice3A_300 : vector<8x128xf32>
      %slice3A_302 = vector.extract_strided_slice %exp3A {offsets = [272, 256], sizes = [8, 128], strides = [1, 1]} : vector<512x512xf32> to vector<8x128xf32>
      %add3A_303 = arith.addf %add3A_301, %slice3A_302 : vector<8x128xf32>
      %slice3A_304 = vector.extract_strided_slice %exp3A {offsets = [272, 384], sizes = [8, 128], strides = [1, 1]} : vector<512x512xf32> to vector<8x128xf32>
      %add3A_305 = arith.addf %add3A_303, %slice3A_304 : vector<8x128xf32>
      %slice3A_306 = vector.extract_strided_slice %exp3A {offsets = [280, 0], sizes = [8, 128], strides = [1, 1]} : vector<512x512xf32> to vector<8x128xf32>
      %add3A_307 = arith.addf %add3A_305, %slice3A_306 : vector<8x128xf32>
      %slice3A_308 = vector.extract_strided_slice %exp3A {offsets = [280, 128], sizes = [8, 128], strides = [1, 1]} : vector<512x512xf32> to vector<8x128xf32>
      %add3A_309 = arith.addf %add3A_307, %slice3A_308 : vector<8x128xf32>
      %slice3A_310 = vector.extract_strided_slice %exp3A {offsets = [280, 256], sizes = [8, 128], strides = [1, 1]} : vector<512x512xf32> to vector<8x128xf32>
      %add3A_311 = arith.addf %add3A_309, %slice3A_310 : vector<8x128xf32>
      %slice3A_312 = vector.extract_strided_slice %exp3A {offsets = [280, 384], sizes = [8, 128], strides = [1, 1]} : vector<512x512xf32> to vector<8x128xf32>
      %add3A_313 = arith.addf %add3A_311, %slice3A_312 : vector<8x128xf32>
      %slice3A_314 = vector.extract_strided_slice %exp3A {offsets = [288, 0], sizes = [8, 128], strides = [1, 1]} : vector<512x512xf32> to vector<8x128xf32>
      %add3A_315 = arith.addf %add3A_313, %slice3A_314 : vector<8x128xf32>
      %slice3A_316 = vector.extract_strided_slice %exp3A {offsets = [288, 128], sizes = [8, 128], strides = [1, 1]} : vector<512x512xf32> to vector<8x128xf32>
      %add3A_317 = arith.addf %add3A_315, %slice3A_316 : vector<8x128xf32>
      %slice3A_318 = vector.extract_strided_slice %exp3A {offsets = [288, 256], sizes = [8, 128], strides = [1, 1]} : vector<512x512xf32> to vector<8x128xf32>
      %add3A_319 = arith.addf %add3A_317, %slice3A_318 : vector<8x128xf32>
      %slice3A_320 = vector.extract_strided_slice %exp3A {offsets = [288, 384], sizes = [8, 128], strides = [1, 1]} : vector<512x512xf32> to vector<8x128xf32>
      %add3A_321 = arith.addf %add3A_319, %slice3A_320 : vector<8x128xf32>
      %slice3A_322 = vector.extract_strided_slice %exp3A {offsets = [296, 0], sizes = [8, 128], strides = [1, 1]} : vector<512x512xf32> to vector<8x128xf32>
      %add3A_323 = arith.addf %add3A_321, %slice3A_322 : vector<8x128xf32>
      %slice3A_324 = vector.extract_strided_slice %exp3A {offsets = [296, 128], sizes = [8, 128], strides = [1, 1]} : vector<512x512xf32> to vector<8x128xf32>
      %add3A_325 = arith.addf %add3A_323, %slice3A_324 : vector<8x128xf32>
      %slice3A_326 = vector.extract_strided_slice %exp3A {offsets = [296, 256], sizes = [8, 128], strides = [1, 1]} : vector<512x512xf32> to vector<8x128xf32>
      %add3A_327 = arith.addf %add3A_325, %slice3A_326 : vector<8x128xf32>
      %slice3A_328 = vector.extract_strided_slice %exp3A {offsets = [296, 384], sizes = [8, 128], strides = [1, 1]} : vector<512x512xf32> to vector<8x128xf32>
      %add3A_329 = arith.addf %add3A_327, %slice3A_328 : vector<8x128xf32>
      %slice3A_330 = vector.extract_strided_slice %exp3A {offsets = [304, 0], sizes = [8, 128], strides = [1, 1]} : vector<512x512xf32> to vector<8x128xf32>
      %add3A_331 = arith.addf %add3A_329, %slice3A_330 : vector<8x128xf32>
      %slice3A_332 = vector.extract_strided_slice %exp3A {offsets = [304, 128], sizes = [8, 128], strides = [1, 1]} : vector<512x512xf32> to vector<8x128xf32>
      %add3A_333 = arith.addf %add3A_331, %slice3A_332 : vector<8x128xf32>
      %slice3A_334 = vector.extract_strided_slice %exp3A {offsets = [304, 256], sizes = [8, 128], strides = [1, 1]} : vector<512x512xf32> to vector<8x128xf32>
      %add3A_335 = arith.addf %add3A_333, %slice3A_334 : vector<8x128xf32>
      %slice3A_336 = vector.extract_strided_slice %exp3A {offsets = [304, 384], sizes = [8, 128], strides = [1, 1]} : vector<512x512xf32> to vector<8x128xf32>
      %add3A_337 = arith.addf %add3A_335, %slice3A_336 : vector<8x128xf32>
      %slice3A_338 = vector.extract_strided_slice %exp3A {offsets = [312, 0], sizes = [8, 128], strides = [1, 1]} : vector<512x512xf32> to vector<8x128xf32>
      %add3A_339 = arith.addf %add3A_337, %slice3A_338 : vector<8x128xf32>
      %slice3A_340 = vector.extract_strided_slice %exp3A {offsets = [312, 128], sizes = [8, 128], strides = [1, 1]} : vector<512x512xf32> to vector<8x128xf32>
      %add3A_341 = arith.addf %add3A_339, %slice3A_340 : vector<8x128xf32>
      %slice3A_342 = vector.extract_strided_slice %exp3A {offsets = [312, 256], sizes = [8, 128], strides = [1, 1]} : vector<512x512xf32> to vector<8x128xf32>
      %add3A_343 = arith.addf %add3A_341, %slice3A_342 : vector<8x128xf32>
      %slice3A_344 = vector.extract_strided_slice %exp3A {offsets = [312, 384], sizes = [8, 128], strides = [1, 1]} : vector<512x512xf32> to vector<8x128xf32>
      %add3A_345 = arith.addf %add3A_343, %slice3A_344 : vector<8x128xf32>
      %slice3A_346 = vector.extract_strided_slice %exp3A {offsets = [320, 0], sizes = [8, 128], strides = [1, 1]} : vector<512x512xf32> to vector<8x128xf32>
      %add3A_347 = arith.addf %add3A_345, %slice3A_346 : vector<8x128xf32>
      %slice3A_348 = vector.extract_strided_slice %exp3A {offsets = [320, 128], sizes = [8, 128], strides = [1, 1]} : vector<512x512xf32> to vector<8x128xf32>
      %add3A_349 = arith.addf %add3A_347, %slice3A_348 : vector<8x128xf32>
      %slice3A_350 = vector.extract_strided_slice %exp3A {offsets = [320, 256], sizes = [8, 128], strides = [1, 1]} : vector<512x512xf32> to vector<8x128xf32>
      %add3A_351 = arith.addf %add3A_349, %slice3A_350 : vector<8x128xf32>
      %slice3A_352 = vector.extract_strided_slice %exp3A {offsets = [320, 384], sizes = [8, 128], strides = [1, 1]} : vector<512x512xf32> to vector<8x128xf32>
      %add3A_353 = arith.addf %add3A_351, %slice3A_352 : vector<8x128xf32>
      %slice3A_354 = vector.extract_strided_slice %exp3A {offsets = [328, 0], sizes = [8, 128], strides = [1, 1]} : vector<512x512xf32> to vector<8x128xf32>
      %add3A_355 = arith.addf %add3A_353, %slice3A_354 : vector<8x128xf32>
      %slice3A_356 = vector.extract_strided_slice %exp3A {offsets = [328, 128], sizes = [8, 128], strides = [1, 1]} : vector<512x512xf32> to vector<8x128xf32>
      %add3A_357 = arith.addf %add3A_355, %slice3A_356 : vector<8x128xf32>
      %slice3A_358 = vector.extract_strided_slice %exp3A {offsets = [328, 256], sizes = [8, 128], strides = [1, 1]} : vector<512x512xf32> to vector<8x128xf32>
      %add3A_359 = arith.addf %add3A_357, %slice3A_358 : vector<8x128xf32>
      %slice3A_360 = vector.extract_strided_slice %exp3A {offsets = [328, 384], sizes = [8, 128], strides = [1, 1]} : vector<512x512xf32> to vector<8x128xf32>
      %add3A_361 = arith.addf %add3A_359, %slice3A_360 : vector<8x128xf32>
      %slice3A_362 = vector.extract_strided_slice %exp3A {offsets = [336, 0], sizes = [8, 128], strides = [1, 1]} : vector<512x512xf32> to vector<8x128xf32>
      %add3A_363 = arith.addf %add3A_361, %slice3A_362 : vector<8x128xf32>
      %slice3A_364 = vector.extract_strided_slice %exp3A {offsets = [336, 128], sizes = [8, 128], strides = [1, 1]} : vector<512x512xf32> to vector<8x128xf32>
      %add3A_365 = arith.addf %add3A_363, %slice3A_364 : vector<8x128xf32>
      %slice3A_366 = vector.extract_strided_slice %exp3A {offsets = [336, 256], sizes = [8, 128], strides = [1, 1]} : vector<512x512xf32> to vector<8x128xf32>
      %add3A_367 = arith.addf %add3A_365, %slice3A_366 : vector<8x128xf32>
      %slice3A_368 = vector.extract_strided_slice %exp3A {offsets = [336, 384], sizes = [8, 128], strides = [1, 1]} : vector<512x512xf32> to vector<8x128xf32>
      %add3A_369 = arith.addf %add3A_367, %slice3A_368 : vector<8x128xf32>
      %slice3A_370 = vector.extract_strided_slice %exp3A {offsets = [344, 0], sizes = [8, 128], strides = [1, 1]} : vector<512x512xf32> to vector<8x128xf32>
      %add3A_371 = arith.addf %add3A_369, %slice3A_370 : vector<8x128xf32>
      %slice3A_372 = vector.extract_strided_slice %exp3A {offsets = [344, 128], sizes = [8, 128], strides = [1, 1]} : vector<512x512xf32> to vector<8x128xf32>
      %add3A_373 = arith.addf %add3A_371, %slice3A_372 : vector<8x128xf32>
      %slice3A_374 = vector.extract_strided_slice %exp3A {offsets = [344, 256], sizes = [8, 128], strides = [1, 1]} : vector<512x512xf32> to vector<8x128xf32>
      %add3A_375 = arith.addf %add3A_373, %slice3A_374 : vector<8x128xf32>
      %slice3A_376 = vector.extract_strided_slice %exp3A {offsets = [344, 384], sizes = [8, 128], strides = [1, 1]} : vector<512x512xf32> to vector<8x128xf32>
      %add3A_377 = arith.addf %add3A_375, %slice3A_376 : vector<8x128xf32>
      %slice3A_378 = vector.extract_strided_slice %exp3A {offsets = [352, 0], sizes = [8, 128], strides = [1, 1]} : vector<512x512xf32> to vector<8x128xf32>
      %add3A_379 = arith.addf %add3A_377, %slice3A_378 : vector<8x128xf32>
      %slice3A_380 = vector.extract_strided_slice %exp3A {offsets = [352, 128], sizes = [8, 128], strides = [1, 1]} : vector<512x512xf32> to vector<8x128xf32>
      %add3A_381 = arith.addf %add3A_379, %slice3A_380 : vector<8x128xf32>
      %slice3A_382 = vector.extract_strided_slice %exp3A {offsets = [352, 256], sizes = [8, 128], strides = [1, 1]} : vector<512x512xf32> to vector<8x128xf32>
      %add3A_383 = arith.addf %add3A_381, %slice3A_382 : vector<8x128xf32>
      %slice3A_384 = vector.extract_strided_slice %exp3A {offsets = [352, 384], sizes = [8, 128], strides = [1, 1]} : vector<512x512xf32> to vector<8x128xf32>
      %add3A_385 = arith.addf %add3A_383, %slice3A_384 : vector<8x128xf32>
      %slice3A_386 = vector.extract_strided_slice %exp3A {offsets = [360, 0], sizes = [8, 128], strides = [1, 1]} : vector<512x512xf32> to vector<8x128xf32>
      %add3A_387 = arith.addf %add3A_385, %slice3A_386 : vector<8x128xf32>
      %slice3A_388 = vector.extract_strided_slice %exp3A {offsets = [360, 128], sizes = [8, 128], strides = [1, 1]} : vector<512x512xf32> to vector<8x128xf32>
      %add3A_389 = arith.addf %add3A_387, %slice3A_388 : vector<8x128xf32>
      %slice3A_390 = vector.extract_strided_slice %exp3A {offsets = [360, 256], sizes = [8, 128], strides = [1, 1]} : vector<512x512xf32> to vector<8x128xf32>
      %add3A_391 = arith.addf %add3A_389, %slice3A_390 : vector<8x128xf32>
      %slice3A_392 = vector.extract_strided_slice %exp3A {offsets = [360, 384], sizes = [8, 128], strides = [1, 1]} : vector<512x512xf32> to vector<8x128xf32>
      %add3A_393 = arith.addf %add3A_391, %slice3A_392 : vector<8x128xf32>
      %slice3A_394 = vector.extract_strided_slice %exp3A {offsets = [368, 0], sizes = [8, 128], strides = [1, 1]} : vector<512x512xf32> to vector<8x128xf32>
      %add3A_395 = arith.addf %add3A_393, %slice3A_394 : vector<8x128xf32>
      %slice3A_396 = vector.extract_strided_slice %exp3A {offsets = [368, 128], sizes = [8, 128], strides = [1, 1]} : vector<512x512xf32> to vector<8x128xf32>
      %add3A_397 = arith.addf %add3A_395, %slice3A_396 : vector<8x128xf32>
      %slice3A_398 = vector.extract_strided_slice %exp3A {offsets = [368, 256], sizes = [8, 128], strides = [1, 1]} : vector<512x512xf32> to vector<8x128xf32>
      %add3A_399 = arith.addf %add3A_397, %slice3A_398 : vector<8x128xf32>
      %slice3A_400 = vector.extract_strided_slice %exp3A {offsets = [368, 384], sizes = [8, 128], strides = [1, 1]} : vector<512x512xf32> to vector<8x128xf32>
      %add3A_401 = arith.addf %add3A_399, %slice3A_400 : vector<8x128xf32>
      %slice3A_402 = vector.extract_strided_slice %exp3A {offsets = [376, 0], sizes = [8, 128], strides = [1, 1]} : vector<512x512xf32> to vector<8x128xf32>
      %add3A_403 = arith.addf %add3A_401, %slice3A_402 : vector<8x128xf32>
      %slice3A_404 = vector.extract_strided_slice %exp3A {offsets = [376, 128], sizes = [8, 128], strides = [1, 1]} : vector<512x512xf32> to vector<8x128xf32>
      %add3A_405 = arith.addf %add3A_403, %slice3A_404 : vector<8x128xf32>
      %slice3A_406 = vector.extract_strided_slice %exp3A {offsets = [376, 256], sizes = [8, 128], strides = [1, 1]} : vector<512x512xf32> to vector<8x128xf32>
      %add3A_407 = arith.addf %add3A_405, %slice3A_406 : vector<8x128xf32>
      %slice3A_408 = vector.extract_strided_slice %exp3A {offsets = [376, 384], sizes = [8, 128], strides = [1, 1]} : vector<512x512xf32> to vector<8x128xf32>
      %add3A_409 = arith.addf %add3A_407, %slice3A_408 : vector<8x128xf32>
      %slice3A_410 = vector.extract_strided_slice %exp3A {offsets = [384, 0], sizes = [8, 128], strides = [1, 1]} : vector<512x512xf32> to vector<8x128xf32>
      %add3A_411 = arith.addf %add3A_409, %slice3A_410 : vector<8x128xf32>
      %slice3A_412 = vector.extract_strided_slice %exp3A {offsets = [384, 128], sizes = [8, 128], strides = [1, 1]} : vector<512x512xf32> to vector<8x128xf32>
      %add3A_413 = arith.addf %add3A_411, %slice3A_412 : vector<8x128xf32>
      %slice3A_414 = vector.extract_strided_slice %exp3A {offsets = [384, 256], sizes = [8, 128], strides = [1, 1]} : vector<512x512xf32> to vector<8x128xf32>
      %add3A_415 = arith.addf %add3A_413, %slice3A_414 : vector<8x128xf32>
      %slice3A_416 = vector.extract_strided_slice %exp3A {offsets = [384, 384], sizes = [8, 128], strides = [1, 1]} : vector<512x512xf32> to vector<8x128xf32>
      %add3A_417 = arith.addf %add3A_415, %slice3A_416 : vector<8x128xf32>
      %slice3A_418 = vector.extract_strided_slice %exp3A {offsets = [392, 0], sizes = [8, 128], strides = [1, 1]} : vector<512x512xf32> to vector<8x128xf32>
      %add3A_419 = arith.addf %add3A_417, %slice3A_418 : vector<8x128xf32>
      %slice3A_420 = vector.extract_strided_slice %exp3A {offsets = [392, 128], sizes = [8, 128], strides = [1, 1]} : vector<512x512xf32> to vector<8x128xf32>
      %add3A_421 = arith.addf %add3A_419, %slice3A_420 : vector<8x128xf32>
      %slice3A_422 = vector.extract_strided_slice %exp3A {offsets = [392, 256], sizes = [8, 128], strides = [1, 1]} : vector<512x512xf32> to vector<8x128xf32>
      %add3A_423 = arith.addf %add3A_421, %slice3A_422 : vector<8x128xf32>
      %slice3A_424 = vector.extract_strided_slice %exp3A {offsets = [392, 384], sizes = [8, 128], strides = [1, 1]} : vector<512x512xf32> to vector<8x128xf32>
      %add3A_425 = arith.addf %add3A_423, %slice3A_424 : vector<8x128xf32>
      %slice3A_426 = vector.extract_strided_slice %exp3A {offsets = [400, 0], sizes = [8, 128], strides = [1, 1]} : vector<512x512xf32> to vector<8x128xf32>
      %add3A_427 = arith.addf %add3A_425, %slice3A_426 : vector<8x128xf32>
      %slice3A_428 = vector.extract_strided_slice %exp3A {offsets = [400, 128], sizes = [8, 128], strides = [1, 1]} : vector<512x512xf32> to vector<8x128xf32>
      %add3A_429 = arith.addf %add3A_427, %slice3A_428 : vector<8x128xf32>
      %slice3A_430 = vector.extract_strided_slice %exp3A {offsets = [400, 256], sizes = [8, 128], strides = [1, 1]} : vector<512x512xf32> to vector<8x128xf32>
      %add3A_431 = arith.addf %add3A_429, %slice3A_430 : vector<8x128xf32>
      %slice3A_432 = vector.extract_strided_slice %exp3A {offsets = [400, 384], sizes = [8, 128], strides = [1, 1]} : vector<512x512xf32> to vector<8x128xf32>
      %add3A_433 = arith.addf %add3A_431, %slice3A_432 : vector<8x128xf32>
      %slice3A_434 = vector.extract_strided_slice %exp3A {offsets = [408, 0], sizes = [8, 128], strides = [1, 1]} : vector<512x512xf32> to vector<8x128xf32>
      %add3A_435 = arith.addf %add3A_433, %slice3A_434 : vector<8x128xf32>
      %slice3A_436 = vector.extract_strided_slice %exp3A {offsets = [408, 128], sizes = [8, 128], strides = [1, 1]} : vector<512x512xf32> to vector<8x128xf32>
      %add3A_437 = arith.addf %add3A_435, %slice3A_436 : vector<8x128xf32>
      %slice3A_438 = vector.extract_strided_slice %exp3A {offsets = [408, 256], sizes = [8, 128], strides = [1, 1]} : vector<512x512xf32> to vector<8x128xf32>
      %add3A_439 = arith.addf %add3A_437, %slice3A_438 : vector<8x128xf32>
      %slice3A_440 = vector.extract_strided_slice %exp3A {offsets = [408, 384], sizes = [8, 128], strides = [1, 1]} : vector<512x512xf32> to vector<8x128xf32>
      %add3A_441 = arith.addf %add3A_439, %slice3A_440 : vector<8x128xf32>
      %slice3A_442 = vector.extract_strided_slice %exp3A {offsets = [416, 0], sizes = [8, 128], strides = [1, 1]} : vector<512x512xf32> to vector<8x128xf32>
      %add3A_443 = arith.addf %add3A_441, %slice3A_442 : vector<8x128xf32>
      %slice3A_444 = vector.extract_strided_slice %exp3A {offsets = [416, 128], sizes = [8, 128], strides = [1, 1]} : vector<512x512xf32> to vector<8x128xf32>
      %add3A_445 = arith.addf %add3A_443, %slice3A_444 : vector<8x128xf32>
      %slice3A_446 = vector.extract_strided_slice %exp3A {offsets = [416, 256], sizes = [8, 128], strides = [1, 1]} : vector<512x512xf32> to vector<8x128xf32>
      %add3A_447 = arith.addf %add3A_445, %slice3A_446 : vector<8x128xf32>
      %slice3A_448 = vector.extract_strided_slice %exp3A {offsets = [416, 384], sizes = [8, 128], strides = [1, 1]} : vector<512x512xf32> to vector<8x128xf32>
      %add3A_449 = arith.addf %add3A_447, %slice3A_448 : vector<8x128xf32>
      %slice3A_450 = vector.extract_strided_slice %exp3A {offsets = [424, 0], sizes = [8, 128], strides = [1, 1]} : vector<512x512xf32> to vector<8x128xf32>
      %add3A_451 = arith.addf %add3A_449, %slice3A_450 : vector<8x128xf32>
      %slice3A_452 = vector.extract_strided_slice %exp3A {offsets = [424, 128], sizes = [8, 128], strides = [1, 1]} : vector<512x512xf32> to vector<8x128xf32>
      %add3A_453 = arith.addf %add3A_451, %slice3A_452 : vector<8x128xf32>
      %slice3A_454 = vector.extract_strided_slice %exp3A {offsets = [424, 256], sizes = [8, 128], strides = [1, 1]} : vector<512x512xf32> to vector<8x128xf32>
      %add3A_455 = arith.addf %add3A_453, %slice3A_454 : vector<8x128xf32>
      %slice3A_456 = vector.extract_strided_slice %exp3A {offsets = [424, 384], sizes = [8, 128], strides = [1, 1]} : vector<512x512xf32> to vector<8x128xf32>
      %add3A_457 = arith.addf %add3A_455, %slice3A_456 : vector<8x128xf32>
      %slice3A_458 = vector.extract_strided_slice %exp3A {offsets = [432, 0], sizes = [8, 128], strides = [1, 1]} : vector<512x512xf32> to vector<8x128xf32>
      %add3A_459 = arith.addf %add3A_457, %slice3A_458 : vector<8x128xf32>
      %slice3A_460 = vector.extract_strided_slice %exp3A {offsets = [432, 128], sizes = [8, 128], strides = [1, 1]} : vector<512x512xf32> to vector<8x128xf32>
      %add3A_461 = arith.addf %add3A_459, %slice3A_460 : vector<8x128xf32>
      %slice3A_462 = vector.extract_strided_slice %exp3A {offsets = [432, 256], sizes = [8, 128], strides = [1, 1]} : vector<512x512xf32> to vector<8x128xf32>
      %add3A_463 = arith.addf %add3A_461, %slice3A_462 : vector<8x128xf32>
      %slice3A_464 = vector.extract_strided_slice %exp3A {offsets = [432, 384], sizes = [8, 128], strides = [1, 1]} : vector<512x512xf32> to vector<8x128xf32>
      %add3A_465 = arith.addf %add3A_463, %slice3A_464 : vector<8x128xf32>
      %slice3A_466 = vector.extract_strided_slice %exp3A {offsets = [440, 0], sizes = [8, 128], strides = [1, 1]} : vector<512x512xf32> to vector<8x128xf32>
      %add3A_467 = arith.addf %add3A_465, %slice3A_466 : vector<8x128xf32>
      %slice3A_468 = vector.extract_strided_slice %exp3A {offsets = [440, 128], sizes = [8, 128], strides = [1, 1]} : vector<512x512xf32> to vector<8x128xf32>
      %add3A_469 = arith.addf %add3A_467, %slice3A_468 : vector<8x128xf32>
      %slice3A_470 = vector.extract_strided_slice %exp3A {offsets = [440, 256], sizes = [8, 128], strides = [1, 1]} : vector<512x512xf32> to vector<8x128xf32>
      %add3A_471 = arith.addf %add3A_469, %slice3A_470 : vector<8x128xf32>
      %slice3A_472 = vector.extract_strided_slice %exp3A {offsets = [440, 384], sizes = [8, 128], strides = [1, 1]} : vector<512x512xf32> to vector<8x128xf32>
      %add3A_473 = arith.addf %add3A_471, %slice3A_472 : vector<8x128xf32>
      %slice3A_474 = vector.extract_strided_slice %exp3A {offsets = [448, 0], sizes = [8, 128], strides = [1, 1]} : vector<512x512xf32> to vector<8x128xf32>
      %add3A_475 = arith.addf %add3A_473, %slice3A_474 : vector<8x128xf32>
      %slice3A_476 = vector.extract_strided_slice %exp3A {offsets = [448, 128], sizes = [8, 128], strides = [1, 1]} : vector<512x512xf32> to vector<8x128xf32>
      %add3A_477 = arith.addf %add3A_475, %slice3A_476 : vector<8x128xf32>
      %slice3A_478 = vector.extract_strided_slice %exp3A {offsets = [448, 256], sizes = [8, 128], strides = [1, 1]} : vector<512x512xf32> to vector<8x128xf32>
      %add3A_479 = arith.addf %add3A_477, %slice3A_478 : vector<8x128xf32>
      %slice3A_480 = vector.extract_strided_slice %exp3A {offsets = [448, 384], sizes = [8, 128], strides = [1, 1]} : vector<512x512xf32> to vector<8x128xf32>
      %add3A_481 = arith.addf %add3A_479, %slice3A_480 : vector<8x128xf32>
      %slice3A_482 = vector.extract_strided_slice %exp3A {offsets = [456, 0], sizes = [8, 128], strides = [1, 1]} : vector<512x512xf32> to vector<8x128xf32>
      %add3A_483 = arith.addf %add3A_481, %slice3A_482 : vector<8x128xf32>
      %slice3A_484 = vector.extract_strided_slice %exp3A {offsets = [456, 128], sizes = [8, 128], strides = [1, 1]} : vector<512x512xf32> to vector<8x128xf32>
      %add3A_485 = arith.addf %add3A_483, %slice3A_484 : vector<8x128xf32>
      %slice3A_486 = vector.extract_strided_slice %exp3A {offsets = [456, 256], sizes = [8, 128], strides = [1, 1]} : vector<512x512xf32> to vector<8x128xf32>
      %add3A_487 = arith.addf %add3A_485, %slice3A_486 : vector<8x128xf32>
      %slice3A_488 = vector.extract_strided_slice %exp3A {offsets = [456, 384], sizes = [8, 128], strides = [1, 1]} : vector<512x512xf32> to vector<8x128xf32>
      %add3A_489 = arith.addf %add3A_487, %slice3A_488 : vector<8x128xf32>
      %slice3A_490 = vector.extract_strided_slice %exp3A {offsets = [464, 0], sizes = [8, 128], strides = [1, 1]} : vector<512x512xf32> to vector<8x128xf32>
      %add3A_491 = arith.addf %add3A_489, %slice3A_490 : vector<8x128xf32>
      %slice3A_492 = vector.extract_strided_slice %exp3A {offsets = [464, 128], sizes = [8, 128], strides = [1, 1]} : vector<512x512xf32> to vector<8x128xf32>
      %add3A_493 = arith.addf %add3A_491, %slice3A_492 : vector<8x128xf32>
      %slice3A_494 = vector.extract_strided_slice %exp3A {offsets = [464, 256], sizes = [8, 128], strides = [1, 1]} : vector<512x512xf32> to vector<8x128xf32>
      %add3A_495 = arith.addf %add3A_493, %slice3A_494 : vector<8x128xf32>
      %slice3A_496 = vector.extract_strided_slice %exp3A {offsets = [464, 384], sizes = [8, 128], strides = [1, 1]} : vector<512x512xf32> to vector<8x128xf32>
      %add3A_497 = arith.addf %add3A_495, %slice3A_496 : vector<8x128xf32>
      %slice3A_498 = vector.extract_strided_slice %exp3A {offsets = [472, 0], sizes = [8, 128], strides = [1, 1]} : vector<512x512xf32> to vector<8x128xf32>
      %add3A_499 = arith.addf %add3A_497, %slice3A_498 : vector<8x128xf32>
      %slice3A_500 = vector.extract_strided_slice %exp3A {offsets = [472, 128], sizes = [8, 128], strides = [1, 1]} : vector<512x512xf32> to vector<8x128xf32>
      %add3A_501 = arith.addf %add3A_499, %slice3A_500 : vector<8x128xf32>
      %slice3A_502 = vector.extract_strided_slice %exp3A {offsets = [472, 256], sizes = [8, 128], strides = [1, 1]} : vector<512x512xf32> to vector<8x128xf32>
      %add3A_503 = arith.addf %add3A_501, %slice3A_502 : vector<8x128xf32>
      %slice3A_504 = vector.extract_strided_slice %exp3A {offsets = [472, 384], sizes = [8, 128], strides = [1, 1]} : vector<512x512xf32> to vector<8x128xf32>
      %add3A_505 = arith.addf %add3A_503, %slice3A_504 : vector<8x128xf32>
      %slice3A_506 = vector.extract_strided_slice %exp3A {offsets = [480, 0], sizes = [8, 128], strides = [1, 1]} : vector<512x512xf32> to vector<8x128xf32>
      %add3A_507 = arith.addf %add3A_505, %slice3A_506 : vector<8x128xf32>
      %slice3A_508 = vector.extract_strided_slice %exp3A {offsets = [480, 128], sizes = [8, 128], strides = [1, 1]} : vector<512x512xf32> to vector<8x128xf32>
      %add3A_509 = arith.addf %add3A_507, %slice3A_508 : vector<8x128xf32>
      %slice3A_510 = vector.extract_strided_slice %exp3A {offsets = [480, 256], sizes = [8, 128], strides = [1, 1]} : vector<512x512xf32> to vector<8x128xf32>
      %add3A_511 = arith.addf %add3A_509, %slice3A_510 : vector<8x128xf32>
      %slice3A_512 = vector.extract_strided_slice %exp3A {offsets = [480, 384], sizes = [8, 128], strides = [1, 1]} : vector<512x512xf32> to vector<8x128xf32>
      %add3A_513 = arith.addf %add3A_511, %slice3A_512 : vector<8x128xf32>
      %slice3A_514 = vector.extract_strided_slice %exp3A {offsets = [488, 0], sizes = [8, 128], strides = [1, 1]} : vector<512x512xf32> to vector<8x128xf32>
      %add3A_515 = arith.addf %add3A_513, %slice3A_514 : vector<8x128xf32>
      %slice3A_516 = vector.extract_strided_slice %exp3A {offsets = [488, 128], sizes = [8, 128], strides = [1, 1]} : vector<512x512xf32> to vector<8x128xf32>
      %add3A_517 = arith.addf %add3A_515, %slice3A_516 : vector<8x128xf32>
      %slice3A_518 = vector.extract_strided_slice %exp3A {offsets = [488, 256], sizes = [8, 128], strides = [1, 1]} : vector<512x512xf32> to vector<8x128xf32>
      %add3A_519 = arith.addf %add3A_517, %slice3A_518 : vector<8x128xf32>
      %slice3A_520 = vector.extract_strided_slice %exp3A {offsets = [488, 384], sizes = [8, 128], strides = [1, 1]} : vector<512x512xf32> to vector<8x128xf32>
      %add3A_521 = arith.addf %add3A_519, %slice3A_520 : vector<8x128xf32>
      %slice3A_522 = vector.extract_strided_slice %exp3A {offsets = [496, 0], sizes = [8, 128], strides = [1, 1]} : vector<512x512xf32> to vector<8x128xf32>
      %add3A_523 = arith.addf %add3A_521, %slice3A_522 : vector<8x128xf32>
      %slice3A_524 = vector.extract_strided_slice %exp3A {offsets = [496, 128], sizes = [8, 128], strides = [1, 1]} : vector<512x512xf32> to vector<8x128xf32>
      %add3A_525 = arith.addf %add3A_523, %slice3A_524 : vector<8x128xf32>
      %slice3A_526 = vector.extract_strided_slice %exp3A {offsets = [496, 256], sizes = [8, 128], strides = [1, 1]} : vector<512x512xf32> to vector<8x128xf32>
      %add3A_527 = arith.addf %add3A_525, %slice3A_526 : vector<8x128xf32>
      %slice3A_528 = vector.extract_strided_slice %exp3A {offsets = [496, 384], sizes = [8, 128], strides = [1, 1]} : vector<512x512xf32> to vector<8x128xf32>
      %add3A_529 = arith.addf %add3A_527, %slice3A_528 : vector<8x128xf32>
      %slice3A_530 = vector.extract_strided_slice %exp3A {offsets = [504, 0], sizes = [8, 128], strides = [1, 1]} : vector<512x512xf32> to vector<8x128xf32>
      %add3A_531 = arith.addf %add3A_529, %slice3A_530 : vector<8x128xf32>
      %slice3A_532 = vector.extract_strided_slice %exp3A {offsets = [504, 128], sizes = [8, 128], strides = [1, 1]} : vector<512x512xf32> to vector<8x128xf32>
      %add3A_533 = arith.addf %add3A_531, %slice3A_532 : vector<8x128xf32>
      %slice3A_534 = vector.extract_strided_slice %exp3A {offsets = [504, 256], sizes = [8, 128], strides = [1, 1]} : vector<512x512xf32> to vector<8x128xf32>
      %add3A_535 = arith.addf %add3A_533, %slice3A_534 : vector<8x128xf32>
      %slice3A_536 = vector.extract_strided_slice %exp3A {offsets = [504, 384], sizes = [8, 128], strides = [1, 1]} : vector<512x512xf32> to vector<8x128xf32>
      %add3A_537 = arith.addf %add3A_535, %slice3A_536 : vector<8x128xf32>
      %get3A_538 = arith.constant 0 : index
      %get3A_539 = arith.constant 0 : index
      %get3A_540 = vector.load %arg7[%get3A_538, %get3A_539] : memref<8x128xf32, #tpu.memory_space<vmem>>, vector<8x128xf32>
      %add3A_541 = arith.addf %get3A_540, %add3A_537 : vector<8x128xf32>
      %swap3A = arith.constant 0 : index
      %swap3A_542 = arith.constant 0 : index
      %swap3A_543 = vector.load %arg7[%swap3A, %swap3A_542] : memref<8x128xf32, #tpu.memory_space<vmem>>, vector<8x128xf32>
      tpu.vector_store %arg7[%swap3A, %swap3A_542], %add3A_541 {strides = array<i32>} : memref<8x128xf32, #tpu.memory_space<vmem>>, vector<8x128xf32>,
      %mul3A_544 = arith.constant 512 : i32
      %mul3A_545 = arith.muli %arg0, %mul3A_544 : i32
      %get3A_546 = arith.index_cast %mul3A_545 : i32 to index
      %get3A_547 = arith.constant 0 : index
      %get3A_548 = vector.load %arg6[%get3A_546, %get3A_547] : memref<4096x64xf32, #tpu.memory_space<vmem>>, vector<512x64xf32>
      %mul3A_549 = arith.constant 512 : i32
      %mul3A_550 = arith.muli %arg1, %mul3A_549 : i32
      %get3A_551 = arith.index_cast %mul3A_550 : i32 to index
      %get3A_552 = arith.constant 0 : index
      %get3A_553 = vector.load %arg6[%get3A_551, %get3A_552] : memref<4096x64xf32, #tpu.memory_space<vmem>>, vector<512x64xf32>
      %dot_general3A_554 = arith.constant dense<0.000000e+00> : vector<512x512xf32>
      %dot_general3A_555 = tpu.matmul %get3A_548, %get3A_553, %dot_general3A_554 {dimension_numbers = #tpu.dot_dimension_numbers<[1], [1], [0], [0], [0, 0, 1, 0], [], []>, transpose_lhs_hint = false} : vector<512x64xf32>, vector<512x64xf32>, vector<512x512xf32> -> vector<512x512xf32>
      %mul3A_556 = arith.constant 4.000000e+00 : f32
      %mul3A_557 = vector.broadcast %mul3A_556 : f32 to vector<512x512xf32>
      %mul3A_558 = arith.mulf %mul3A_557, %dot_general3A_555 : vector<512x512xf32>
      %sub3A_559 = arith.constant 4.000000e+00 : f32
      %sub3A_560 = vector.broadcast %sub3A_559 : f32 to vector<512x512xf32>
      %sub3A_561 = arith.subf %mul3A_558, %sub3A_560 : vector<512x512xf32>
      %exp3A_562 = math.exp %sub3A_561 : vector<512x512xf32>
      %slice3A_563 = vector.extract_strided_slice %exp3A_562 {offsets = [0, 0], sizes = [8, 128], strides = [1, 1]} : vector<512x512xf32> to vector<8x128xf32>
      %slice3A_564 = vector.extract_strided_slice %exp3A_562 {offsets = [0, 128], sizes = [8, 128], strides = [1, 1]} : vector<512x512xf32> to vector<8x128xf32>
      %add3A_565 = arith.addf %slice3A_563, %slice3A_564 : vector<8x128xf32>
      %slice3A_566 = vector.extract_strided_slice %exp3A_562 {offsets = [0, 256], sizes = [8, 128], strides = [1, 1]} : vector<512x512xf32> to vector<8x128xf32>
      %add3A_567 = arith.addf %add3A_565, %slice3A_566 : vector<8x128xf32>
      %slice3A_568 = vector.extract_strided_slice %exp3A_562 {offsets = [0, 384], sizes = [8, 128], strides = [1, 1]} : vector<512x512xf32> to vector<8x128xf32>
      %add3A_569 = arith.addf %add3A_567, %slice3A_568 : vector<8x128xf32>
      %slice3A_570 = vector.extract_strided_slice %exp3A_562 {offsets = [8, 0], sizes = [8, 128], strides = [1, 1]} : vector<512x512xf32> to vector<8x128xf32>
      %add3A_571 = arith.addf %add3A_569, %slice3A_570 : vector<8x128xf32>
      %slice3A_572 = vector.extract_strided_slice %exp3A_562 {offsets = [8, 128], sizes = [8, 128], strides = [1, 1]} : vector<512x512xf32> to vector<8x128xf32>
      %add3A_573 = arith.addf %add3A_571, %slice3A_572 : vector<8x128xf32>
      %slice3A_574 = vector.extract_strided_slice %exp3A_562 {offsets = [8, 256], sizes = [8, 128], strides = [1, 1]} : vector<512x512xf32> to vector<8x128xf32>
      %add3A_575 = arith.addf %add3A_573, %slice3A_574 : vector<8x128xf32>
      %slice3A_576 = vector.extract_strided_slice %exp3A_562 {offsets = [8, 384], sizes = [8, 128], strides = [1, 1]} : vector<512x512xf32> to vector<8x128xf32>
      %add3A_577 = arith.addf %add3A_575, %slice3A_576 : vector<8x128xf32>
      %slice3A_578 = vector.extract_strided_slice %exp3A_562 {offsets = [16, 0], sizes = [8, 128], strides = [1, 1]} : vector<512x512xf32> to vector<8x128xf32>
      %add3A_579 = arith.addf %add3A_577, %slice3A_578 : vector<8x128xf32>
      %slice3A_580 = vector.extract_strided_slice %exp3A_562 {offsets = [16, 128], sizes = [8, 128], strides = [1, 1]} : vector<512x512xf32> to vector<8x128xf32>
      %add3A_581 = arith.addf %add3A_579, %slice3A_580 : vector<8x128xf32>
      %slice3A_582 = vector.extract_strided_slice %exp3A_562 {offsets = [16, 256], sizes = [8, 128], strides = [1, 1]} : vector<512x512xf32> to vector<8x128xf32>
      %add3A_583 = arith.addf %add3A_581, %slice3A_582 : vector<8x128xf32>
      %slice3A_584 = vector.extract_strided_slice %exp3A_562 {offsets = [16, 384], sizes = [8, 128], strides = [1, 1]} : vector<512x512xf32> to vector<8x128xf32>
      %add3A_585 = arith.addf %add3A_583, %slice3A_584 : vector<8x128xf32>
      %slice3A_586 = vector.extract_strided_slice %exp3A_562 {offsets = [24, 0], sizes = [8, 128], strides = [1, 1]} : vector<512x512xf32> to vector<8x128xf32>
      %add3A_587 = arith.addf %add3A_585, %slice3A_586 : vector<8x128xf32>
      %slice3A_588 = vector.extract_strided_slice %exp3A_562 {offsets = [24, 128], sizes = [8, 128], strides = [1, 1]} : vector<512x512xf32> to vector<8x128xf32>
      %add3A_589 = arith.addf %add3A_587, %slice3A_588 : vector<8x128xf32>
      %slice3A_590 = vector.extract_strided_slice %exp3A_562 {offsets = [24, 256], sizes = [8, 128], strides = [1, 1]} : vector<512x512xf32> to vector<8x128xf32>
      %add3A_591 = arith.addf %add3A_589, %slice3A_590 : vector<8x128xf32>
      %slice3A_592 = vector.extract_strided_slice %exp3A_562 {offsets = [24, 384], sizes = [8, 128], strides = [1, 1]} : vector<512x512xf32> to vector<8x128xf32>
      %add3A_593 = arith.addf %add3A_591, %slice3A_592 : vector<8x128xf32>
      %slice3A_594 = vector.extract_strided_slice %exp3A_562 {offsets = [32, 0], sizes = [8, 128], strides = [1, 1]} : vector<512x512xf32> to vector<8x128xf32>
      %add3A_595 = arith.addf %add3A_593, %slice3A_594 : vector<8x128xf32>
      %slice3A_596 = vector.extract_strided_slice %exp3A_562 {offsets = [32, 128], sizes = [8, 128], strides = [1, 1]} : vector<512x512xf32> to vector<8x128xf32>
      %add3A_597 = arith.addf %add3A_595, %slice3A_596 : vector<8x128xf32>
      %slice3A_598 = vector.extract_strided_slice %exp3A_562 {offsets = [32, 256], sizes = [8, 128], strides = [1, 1]} : vector<512x512xf32> to vector<8x128xf32>
      %add3A_599 = arith.addf %add3A_597, %slice3A_598 : vector<8x128xf32>
      %slice3A_600 = vector.extract_strided_slice %exp3A_562 {offsets = [32, 384], sizes = [8, 128], strides = [1, 1]} : vector<512x512xf32> to vector<8x128xf32>
      %add3A_601 = arith.addf %add3A_599, %slice3A_600 : vector<8x128xf32>
      %slice3A_602 = vector.extract_strided_slice %exp3A_562 {offsets = [40, 0], sizes = [8, 128], strides = [1, 1]} : vector<512x512xf32> to vector<8x128xf32>
      %add3A_603 = arith.addf %add3A_601, %slice3A_602 : vector<8x128xf32>
      %slice3A_604 = vector.extract_strided_slice %exp3A_562 {offsets = [40, 128], sizes = [8, 128], strides = [1, 1]} : vector<512x512xf32> to vector<8x128xf32>
      %add3A_605 = arith.addf %add3A_603, %slice3A_604 : vector<8x128xf32>
      %slice3A_606 = vector.extract_strided_slice %exp3A_562 {offsets = [40, 256], sizes = [8, 128], strides = [1, 1]} : vector<512x512xf32> to vector<8x128xf32>
      %add3A_607 = arith.addf %add3A_605, %slice3A_606 : vector<8x128xf32>
      %slice3A_608 = vector.extract_strided_slice %exp3A_562 {offsets = [40, 384], sizes = [8, 128], strides = [1, 1]} : vector<512x512xf32> to vector<8x128xf32>
      %add3A_609 = arith.addf %add3A_607, %slice3A_608 : vector<8x128xf32>
      %slice3A_610 = vector.extract_strided_slice %exp3A_562 {offsets = [48, 0], sizes = [8, 128], strides = [1, 1]} : vector<512x512xf32> to vector<8x128xf32>
      %add3A_611 = arith.addf %add3A_609, %slice3A_610 : vector<8x128xf32>
      %slice3A_612 = vector.extract_strided_slice %exp3A_562 {offsets = [48, 128], sizes = [8, 128], strides = [1, 1]} : vector<512x512xf32> to vector<8x128xf32>
      %add3A_613 = arith.addf %add3A_611, %slice3A_612 : vector<8x128xf32>
      %slice3A_614 = vector.extract_strided_slice %exp3A_562 {offsets = [48, 256], sizes = [8, 128], strides = [1, 1]} : vector<512x512xf32> to vector<8x128xf32>
      %add3A_615 = arith.addf %add3A_613, %slice3A_614 : vector<8x128xf32>
      %slice3A_616 = vector.extract_strided_slice %exp3A_562 {offsets = [48, 384], sizes = [8, 128], strides = [1, 1]} : vector<512x512xf32> to vector<8x128xf32>
      %add3A_617 = arith.addf %add3A_615, %slice3A_616 : vector<8x128xf32>
      %slice3A_618 = vector.extract_strided_slice %exp3A_562 {offsets = [56, 0], sizes = [8, 128], strides = [1, 1]} : vector<512x512xf32> to vector<8x128xf32>
      %add3A_619 = arith.addf %add3A_617, %slice3A_618 : vector<8x128xf32>
      %slice3A_620 = vector.extract_strided_slice %exp3A_562 {offsets = [56, 128], sizes = [8, 128], strides = [1, 1]} : vector<512x512xf32> to vector<8x128xf32>
      %add3A_621 = arith.addf %add3A_619, %slice3A_620 : vector<8x128xf32>
      %slice3A_622 = vector.extract_strided_slice %exp3A_562 {offsets = [56, 256], sizes = [8, 128], strides = [1, 1]} : vector<512x512xf32> to vector<8x128xf32>
      %add3A_623 = arith.addf %add3A_621, %slice3A_622 : vector<8x128xf32>
      %slice3A_624 = vector.extract_strided_slice %exp3A_562 {offsets = [56, 384], sizes = [8, 128], strides = [1, 1]} : vector<512x512xf32> to vector<8x128xf32>
      %add3A_625 = arith.addf %add3A_623, %slice3A_624 : vector<8x128xf32>
      %slice3A_626 = vector.extract_strided_slice %exp3A_562 {offsets = [64, 0], sizes = [8, 128], strides = [1, 1]} : vector<512x512xf32> to vector<8x128xf32>
      %add3A_627 = arith.addf %add3A_625, %slice3A_626 : vector<8x128xf32>
      %slice3A_628 = vector.extract_strided_slice %exp3A_562 {offsets = [64, 128], sizes = [8, 128], strides = [1, 1]} : vector<512x512xf32> to vector<8x128xf32>
      %add3A_629 = arith.addf %add3A_627, %slice3A_628 : vector<8x128xf32>
      %slice3A_630 = vector.extract_strided_slice %exp3A_562 {offsets = [64, 256], sizes = [8, 128], strides = [1, 1]} : vector<512x512xf32> to vector<8x128xf32>
      %add3A_631 = arith.addf %add3A_629, %slice3A_630 : vector<8x128xf32>
      %slice3A_632 = vector.extract_strided_slice %exp3A_562 {offsets = [64, 384], sizes = [8, 128], strides = [1, 1]} : vector<512x512xf32> to vector<8x128xf32>
      %add3A_633 = arith.addf %add3A_631, %slice3A_632 : vector<8x128xf32>
      %slice3A_634 = vector.extract_strided_slice %exp3A_562 {offsets = [72, 0], sizes = [8, 128], strides = [1, 1]} : vector<512x512xf32> to vector<8x128xf32>
      %add3A_635 = arith.addf %add3A_633, %slice3A_634 : vector<8x128xf32>
      %slice3A_636 = vector.extract_strided_slice %exp3A_562 {offsets = [72, 128], sizes = [8, 128], strides = [1, 1]} : vector<512x512xf32> to vector<8x128xf32>
      %add3A_637 = arith.addf %add3A_635, %slice3A_636 : vector<8x128xf32>
      %slice3A_638 = vector.extract_strided_slice %exp3A_562 {offsets = [72, 256], sizes = [8, 128], strides = [1, 1]} : vector<512x512xf32> to vector<8x128xf32>
      %add3A_639 = arith.addf %add3A_637, %slice3A_638 : vector<8x128xf32>
      %slice3A_640 = vector.extract_strided_slice %exp3A_562 {offsets = [72, 384], sizes = [8, 128], strides = [1, 1]} : vector<512x512xf32> to vector<8x128xf32>
      %add3A_641 = arith.addf %add3A_639, %slice3A_640 : vector<8x128xf32>
      %slice3A_642 = vector.extract_strided_slice %exp3A_562 {offsets = [80, 0], sizes = [8, 128], strides = [1, 1]} : vector<512x512xf32> to vector<8x128xf32>
      %add3A_643 = arith.addf %add3A_641, %slice3A_642 : vector<8x128xf32>
      %slice3A_644 = vector.extract_strided_slice %exp3A_562 {offsets = [80, 128], sizes = [8, 128], strides = [1, 1]} : vector<512x512xf32> to vector<8x128xf32>
      %add3A_645 = arith.addf %add3A_643, %slice3A_644 : vector<8x128xf32>
      %slice3A_646 = vector.extract_strided_slice %exp3A_562 {offsets = [80, 256], sizes = [8, 128], strides = [1, 1]} : vector<512x512xf32> to vector<8x128xf32>
      %add3A_647 = arith.addf %add3A_645, %slice3A_646 : vector<8x128xf32>
      %slice3A_648 = vector.extract_strided_slice %exp3A_562 {offsets = [80, 384], sizes = [8, 128], strides = [1, 1]} : vector<512x512xf32> to vector<8x128xf32>
      %add3A_649 = arith.addf %add3A_647, %slice3A_648 : vector<8x128xf32>
      %slice3A_650 = vector.extract_strided_slice %exp3A_562 {offsets = [88, 0], sizes = [8, 128], strides = [1, 1]} : vector<512x512xf32> to vector<8x128xf32>
      %add3A_651 = arith.addf %add3A_649, %slice3A_650 : vector<8x128xf32>
      %slice3A_652 = vector.extract_strided_slice %exp3A_562 {offsets = [88, 128], sizes = [8, 128], strides = [1, 1]} : vector<512x512xf32> to vector<8x128xf32>
      %add3A_653 = arith.addf %add3A_651, %slice3A_652 : vector<8x128xf32>
      %slice3A_654 = vector.extract_strided_slice %exp3A_562 {offsets = [88, 256], sizes = [8, 128], strides = [1, 1]} : vector<512x512xf32> to vector<8x128xf32>
      %add3A_655 = arith.addf %add3A_653, %slice3A_654 : vector<8x128xf32>
      %slice3A_656 = vector.extract_strided_slice %exp3A_562 {offsets = [88, 384], sizes = [8, 128], strides = [1, 1]} : vector<512x512xf32> to vector<8x128xf32>
      %add3A_657 = arith.addf %add3A_655, %slice3A_656 : vector<8x128xf32>
      %slice3A_658 = vector.extract_strided_slice %exp3A_562 {offsets = [96, 0], sizes = [8, 128], strides = [1, 1]} : vector<512x512xf32> to vector<8x128xf32>
      %add3A_659 = arith.addf %add3A_657, %slice3A_658 : vector<8x128xf32>
      %slice3A_660 = vector.extract_strided_slice %exp3A_562 {offsets = [96, 128], sizes = [8, 128], strides = [1, 1]} : vector<512x512xf32> to vector<8x128xf32>
      %add3A_661 = arith.addf %add3A_659, %slice3A_660 : vector<8x128xf32>
      %slice3A_662 = vector.extract_strided_slice %exp3A_562 {offsets = [96, 256], sizes = [8, 128], strides = [1, 1]} : vector<512x512xf32> to vector<8x128xf32>
      %add3A_663 = arith.addf %add3A_661, %slice3A_662 : vector<8x128xf32>
      %slice3A_664 = vector.extract_strided_slice %exp3A_562 {offsets = [96, 384], sizes = [8, 128], strides = [1, 1]} : vector<512x512xf32> to vector<8x128xf32>
      %add3A_665 = arith.addf %add3A_663, %slice3A_664 : vector<8x128xf32>
      %slice3A_666 = vector.extract_strided_slice %exp3A_562 {offsets = [104, 0], sizes = [8, 128], strides = [1, 1]} : vector<512x512xf32> to vector<8x128xf32>
      %add3A_667 = arith.addf %add3A_665, %slice3A_666 : vector<8x128xf32>
      %slice3A_668 = vector.extract_strided_slice %exp3A_562 {offsets = [104, 128], sizes = [8, 128], strides = [1, 1]} : vector<512x512xf32> to vector<8x128xf32>
      %add3A_669 = arith.addf %add3A_667, %slice3A_668 : vector<8x128xf32>
      %slice3A_670 = vector.extract_strided_slice %exp3A_562 {offsets = [104, 256], sizes = [8, 128], strides = [1, 1]} : vector<512x512xf32> to vector<8x128xf32>
      %add3A_671 = arith.addf %add3A_669, %slice3A_670 : vector<8x128xf32>
      %slice3A_672 = vector.extract_strided_slice %exp3A_562 {offsets = [104, 384], sizes = [8, 128], strides = [1, 1]} : vector<512x512xf32> to vector<8x128xf32>
      %add3A_673 = arith.addf %add3A_671, %slice3A_672 : vector<8x128xf32>
      %slice3A_674 = vector.extract_strided_slice %exp3A_562 {offsets = [112, 0], sizes = [8, 128], strides = [1, 1]} : vector<512x512xf32> to vector<8x128xf32>
      %add3A_675 = arith.addf %add3A_673, %slice3A_674 : vector<8x128xf32>
      %slice3A_676 = vector.extract_strided_slice %exp3A_562 {offsets = [112, 128], sizes = [8, 128], strides = [1, 1]} : vector<512x512xf32> to vector<8x128xf32>
      %add3A_677 = arith.addf %add3A_675, %slice3A_676 : vector<8x128xf32>
      %slice3A_678 = vector.extract_strided_slice %exp3A_562 {offsets = [112, 256], sizes = [8, 128], strides = [1, 1]} : vector<512x512xf32> to vector<8x128xf32>
      %add3A_679 = arith.addf %add3A_677, %slice3A_678 : vector<8x128xf32>
      %slice3A_680 = vector.extract_strided_slice %exp3A_562 {offsets = [112, 384], sizes = [8, 128], strides = [1, 1]} : vector<512x512xf32> to vector<8x128xf32>
      %add3A_681 = arith.addf %add3A_679, %slice3A_680 : vector<8x128xf32>
      %slice3A_682 = vector.extract_strided_slice %exp3A_562 {offsets = [120, 0], sizes = [8, 128], strides = [1, 1]} : vector<512x512xf32> to vector<8x128xf32>
      %add3A_683 = arith.addf %add3A_681, %slice3A_682 : vector<8x128xf32>
      %slice3A_684 = vector.extract_strided_slice %exp3A_562 {offsets = [120, 128], sizes = [8, 128], strides = [1, 1]} : vector<512x512xf32> to vector<8x128xf32>
      %add3A_685 = arith.addf %add3A_683, %slice3A_684 : vector<8x128xf32>
      %slice3A_686 = vector.extract_strided_slice %exp3A_562 {offsets = [120, 256], sizes = [8, 128], strides = [1, 1]} : vector<512x512xf32> to vector<8x128xf32>
      %add3A_687 = arith.addf %add3A_685, %slice3A_686 : vector<8x128xf32>
      %slice3A_688 = vector.extract_strided_slice %exp3A_562 {offsets = [120, 384], sizes = [8, 128], strides = [1, 1]} : vector<512x512xf32> to vector<8x128xf32>
      %add3A_689 = arith.addf %add3A_687, %slice3A_688 : vector<8x128xf32>
      %slice3A_690 = vector.extract_strided_slice %exp3A_562 {offsets = [128, 0], sizes = [8, 128], strides = [1, 1]} : vector<512x512xf32> to vector<8x128xf32>
      %add3A_691 = arith.addf %add3A_689, %slice3A_690 : vector<8x128xf32>
      %slice3A_692 = vector.extract_strided_slice %exp3A_562 {offsets = [128, 128], sizes = [8, 128], strides = [1, 1]} : vector<512x512xf32> to vector<8x128xf32>
      %add3A_693 = arith.addf %add3A_691, %slice3A_692 : vector<8x128xf32>
      %slice3A_694 = vector.extract_strided_slice %exp3A_562 {offsets = [128, 256], sizes = [8, 128], strides = [1, 1]} : vector<512x512xf32> to vector<8x128xf32>
      %add3A_695 = arith.addf %add3A_693, %slice3A_694 : vector<8x128xf32>
      %slice3A_696 = vector.extract_strided_slice %exp3A_562 {offsets = [128, 384], sizes = [8, 128], strides = [1, 1]} : vector<512x512xf32> to vector<8x128xf32>
      %add3A_697 = arith.addf %add3A_695, %slice3A_696 : vector<8x128xf32>
      %slice3A_698 = vector.extract_strided_slice %exp3A_562 {offsets = [136, 0], sizes = [8, 128], strides = [1, 1]} : vector<512x512xf32> to vector<8x128xf32>
      %add3A_699 = arith.addf %add3A_697, %slice3A_698 : vector<8x128xf32>
      %slice3A_700 = vector.extract_strided_slice %exp3A_562 {offsets = [136, 128], sizes = [8, 128], strides = [1, 1]} : vector<512x512xf32> to vector<8x128xf32>
      %add3A_701 = arith.addf %add3A_699, %slice3A_700 : vector<8x128xf32>
      %slice3A_702 = vector.extract_strided_slice %exp3A_562 {offsets = [136, 256], sizes = [8, 128], strides = [1, 1]} : vector<512x512xf32> to vector<8x128xf32>
      %add3A_703 = arith.addf %add3A_701, %slice3A_702 : vector<8x128xf32>
      %slice3A_704 = vector.extract_strided_slice %exp3A_562 {offsets = [136, 384], sizes = [8, 128], strides = [1, 1]} : vector<512x512xf32> to vector<8x128xf32>
      %add3A_705 = arith.addf %add3A_703, %slice3A_704 : vector<8x128xf32>
      %slice3A_706 = vector.extract_strided_slice %exp3A_562 {offsets = [144, 0], sizes = [8, 128], strides = [1, 1]} : vector<512x512xf32> to vector<8x128xf32>
      %add3A_707 = arith.addf %add3A_705, %slice3A_706 : vector<8x128xf32>
      %slice3A_708 = vector.extract_strided_slice %exp3A_562 {offsets = [144, 128], sizes = [8, 128], strides = [1, 1]} : vector<512x512xf32> to vector<8x128xf32>
      %add3A_709 = arith.addf %add3A_707, %slice3A_708 : vector<8x128xf32>
      %slice3A_710 = vector.extract_strided_slice %exp3A_562 {offsets = [144, 256], sizes = [8, 128], strides = [1, 1]} : vector<512x512xf32> to vector<8x128xf32>
      %add3A_711 = arith.addf %add3A_709, %slice3A_710 : vector<8x128xf32>
      %slice3A_712 = vector.extract_strided_slice %exp3A_562 {offsets = [144, 384], sizes = [8, 128], strides = [1, 1]} : vector<512x512xf32> to vector<8x128xf32>
      %add3A_713 = arith.addf %add3A_711, %slice3A_712 : vector<8x128xf32>
      %slice3A_714 = vector.extract_strided_slice %exp3A_562 {offsets = [152, 0], sizes = [8, 128], strides = [1, 1]} : vector<512x512xf32> to vector<8x128xf32>
      %add3A_715 = arith.addf %add3A_713, %slice3A_714 : vector<8x128xf32>
      %slice3A_716 = vector.extract_strided_slice %exp3A_562 {offsets = [152, 128], sizes = [8, 128], strides = [1, 1]} : vector<512x512xf32> to vector<8x128xf32>
      %add3A_717 = arith.addf %add3A_715, %slice3A_716 : vector<8x128xf32>
      %slice3A_718 = vector.extract_strided_slice %exp3A_562 {offsets = [152, 256], sizes = [8, 128], strides = [1, 1]} : vector<512x512xf32> to vector<8x128xf32>
      %add3A_719 = arith.addf %add3A_717, %slice3A_718 : vector<8x128xf32>
      %slice3A_720 = vector.extract_strided_slice %exp3A_562 {offsets = [152, 384], sizes = [8, 128], strides = [1, 1]} : vector<512x512xf32> to vector<8x128xf32>
      %add3A_721 = arith.addf %add3A_719, %slice3A_720 : vector<8x128xf32>
      %slice3A_722 = vector.extract_strided_slice %exp3A_562 {offsets = [160, 0], sizes = [8, 128], strides = [1, 1]} : vector<512x512xf32> to vector<8x128xf32>
      %add3A_723 = arith.addf %add3A_721, %slice3A_722 : vector<8x128xf32>
      %slice3A_724 = vector.extract_strided_slice %exp3A_562 {offsets = [160, 128], sizes = [8, 128], strides = [1, 1]} : vector<512x512xf32> to vector<8x128xf32>
      %add3A_725 = arith.addf %add3A_723, %slice3A_724 : vector<8x128xf32>
      %slice3A_726 = vector.extract_strided_slice %exp3A_562 {offsets = [160, 256], sizes = [8, 128], strides = [1, 1]} : vector<512x512xf32> to vector<8x128xf32>
      %add3A_727 = arith.addf %add3A_725, %slice3A_726 : vector<8x128xf32>
      %slice3A_728 = vector.extract_strided_slice %exp3A_562 {offsets = [160, 384], sizes = [8, 128], strides = [1, 1]} : vector<512x512xf32> to vector<8x128xf32>
      %add3A_729 = arith.addf %add3A_727, %slice3A_728 : vector<8x128xf32>
      %slice3A_730 = vector.extract_strided_slice %exp3A_562 {offsets = [168, 0], sizes = [8, 128], strides = [1, 1]} : vector<512x512xf32> to vector<8x128xf32>
      %add3A_731 = arith.addf %add3A_729, %slice3A_730 : vector<8x128xf32>
      %slice3A_732 = vector.extract_strided_slice %exp3A_562 {offsets = [168, 128], sizes = [8, 128], strides = [1, 1]} : vector<512x512xf32> to vector<8x128xf32>
      %add3A_733 = arith.addf %add3A_731, %slice3A_732 : vector<8x128xf32>
      %slice3A_734 = vector.extract_strided_slice %exp3A_562 {offsets = [168, 256], sizes = [8, 128], strides = [1, 1]} : vector<512x512xf32> to vector<8x128xf32>
      %add3A_735 = arith.addf %add3A_733, %slice3A_734 : vector<8x128xf32>
      %slice3A_736 = vector.extract_strided_slice %exp3A_562 {offsets = [168, 384], sizes = [8, 128], strides = [1, 1]} : vector<512x512xf32> to vector<8x128xf32>
      %add3A_737 = arith.addf %add3A_735, %slice3A_736 : vector<8x128xf32>
      %slice3A_738 = vector.extract_strided_slice %exp3A_562 {offsets = [176, 0], sizes = [8, 128], strides = [1, 1]} : vector<512x512xf32> to vector<8x128xf32>
      %add3A_739 = arith.addf %add3A_737, %slice3A_738 : vector<8x128xf32>
      %slice3A_740 = vector.extract_strided_slice %exp3A_562 {offsets = [176, 128], sizes = [8, 128], strides = [1, 1]} : vector<512x512xf32> to vector<8x128xf32>
      %add3A_741 = arith.addf %add3A_739, %slice3A_740 : vector<8x128xf32>
      %slice3A_742 = vector.extract_strided_slice %exp3A_562 {offsets = [176, 256], sizes = [8, 128], strides = [1, 1]} : vector<512x512xf32> to vector<8x128xf32>
      %add3A_743 = arith.addf %add3A_741, %slice3A_742 : vector<8x128xf32>
      %slice3A_744 = vector.extract_strided_slice %exp3A_562 {offsets = [176, 384], sizes = [8, 128], strides = [1, 1]} : vector<512x512xf32> to vector<8x128xf32>
      %add3A_745 = arith.addf %add3A_743, %slice3A_744 : vector<8x128xf32>
      %slice3A_746 = vector.extract_strided_slice %exp3A_562 {offsets = [184, 0], sizes = [8, 128], strides = [1, 1]} : vector<512x512xf32> to vector<8x128xf32>
      %add3A_747 = arith.addf %add3A_745, %slice3A_746 : vector<8x128xf32>
      %slice3A_748 = vector.extract_strided_slice %exp3A_562 {offsets = [184, 128], sizes = [8, 128], strides = [1, 1]} : vector<512x512xf32> to vector<8x128xf32>
      %add3A_749 = arith.addf %add3A_747, %slice3A_748 : vector<8x128xf32>
      %slice3A_750 = vector.extract_strided_slice %exp3A_562 {offsets = [184, 256], sizes = [8, 128], strides = [1, 1]} : vector<512x512xf32> to vector<8x128xf32>
      %add3A_751 = arith.addf %add3A_749, %slice3A_750 : vector<8x128xf32>
      %slice3A_752 = vector.extract_strided_slice %exp3A_562 {offsets = [184, 384], sizes = [8, 128], strides = [1, 1]} : vector<512x512xf32> to vector<8x128xf32>
      %add3A_753 = arith.addf %add3A_751, %slice3A_752 : vector<8x128xf32>
      %slice3A_754 = vector.extract_strided_slice %exp3A_562 {offsets = [192, 0], sizes = [8, 128], strides = [1, 1]} : vector<512x512xf32> to vector<8x128xf32>
      %add3A_755 = arith.addf %add3A_753, %slice3A_754 : vector<8x128xf32>
      %slice3A_756 = vector.extract_strided_slice %exp3A_562 {offsets = [192, 128], sizes = [8, 128], strides = [1, 1]} : vector<512x512xf32> to vector<8x128xf32>
      %add3A_757 = arith.addf %add3A_755, %slice3A_756 : vector<8x128xf32>
      %slice3A_758 = vector.extract_strided_slice %exp3A_562 {offsets = [192, 256], sizes = [8, 128], strides = [1, 1]} : vector<512x512xf32> to vector<8x128xf32>
      %add3A_759 = arith.addf %add3A_757, %slice3A_758 : vector<8x128xf32>
      %slice3A_760 = vector.extract_strided_slice %exp3A_562 {offsets = [192, 384], sizes = [8, 128], strides = [1, 1]} : vector<512x512xf32> to vector<8x128xf32>
      %add3A_761 = arith.addf %add3A_759, %slice3A_760 : vector<8x128xf32>
      %slice3A_762 = vector.extract_strided_slice %exp3A_562 {offsets = [200, 0], sizes = [8, 128], strides = [1, 1]} : vector<512x512xf32> to vector<8x128xf32>
      %add3A_763 = arith.addf %add3A_761, %slice3A_762 : vector<8x128xf32>
      %slice3A_764 = vector.extract_strided_slice %exp3A_562 {offsets = [200, 128], sizes = [8, 128], strides = [1, 1]} : vector<512x512xf32> to vector<8x128xf32>
      %add3A_765 = arith.addf %add3A_763, %slice3A_764 : vector<8x128xf32>
      %slice3A_766 = vector.extract_strided_slice %exp3A_562 {offsets = [200, 256], sizes = [8, 128], strides = [1, 1]} : vector<512x512xf32> to vector<8x128xf32>
      %add3A_767 = arith.addf %add3A_765, %slice3A_766 : vector<8x128xf32>
      %slice3A_768 = vector.extract_strided_slice %exp3A_562 {offsets = [200, 384], sizes = [8, 128], strides = [1, 1]} : vector<512x512xf32> to vector<8x128xf32>
      %add3A_769 = arith.addf %add3A_767, %slice3A_768 : vector<8x128xf32>
      %slice3A_770 = vector.extract_strided_slice %exp3A_562 {offsets = [208, 0], sizes = [8, 128], strides = [1, 1]} : vector<512x512xf32> to vector<8x128xf32>
      %add3A_771 = arith.addf %add3A_769, %slice3A_770 : vector<8x128xf32>
      %slice3A_772 = vector.extract_strided_slice %exp3A_562 {offsets = [208, 128], sizes = [8, 128], strides = [1, 1]} : vector<512x512xf32> to vector<8x128xf32>
      %add3A_773 = arith.addf %add3A_771, %slice3A_772 : vector<8x128xf32>
      %slice3A_774 = vector.extract_strided_slice %exp3A_562 {offsets = [208, 256], sizes = [8, 128], strides = [1, 1]} : vector<512x512xf32> to vector<8x128xf32>
      %add3A_775 = arith.addf %add3A_773, %slice3A_774 : vector<8x128xf32>
      %slice3A_776 = vector.extract_strided_slice %exp3A_562 {offsets = [208, 384], sizes = [8, 128], strides = [1, 1]} : vector<512x512xf32> to vector<8x128xf32>
      %add3A_777 = arith.addf %add3A_775, %slice3A_776 : vector<8x128xf32>
      %slice3A_778 = vector.extract_strided_slice %exp3A_562 {offsets = [216, 0], sizes = [8, 128], strides = [1, 1]} : vector<512x512xf32> to vector<8x128xf32>
      %add3A_779 = arith.addf %add3A_777, %slice3A_778 : vector<8x128xf32>
      %slice3A_780 = vector.extract_strided_slice %exp3A_562 {offsets = [216, 128], sizes = [8, 128], strides = [1, 1]} : vector<512x512xf32> to vector<8x128xf32>
      %add3A_781 = arith.addf %add3A_779, %slice3A_780 : vector<8x128xf32>
      %slice3A_782 = vector.extract_strided_slice %exp3A_562 {offsets = [216, 256], sizes = [8, 128], strides = [1, 1]} : vector<512x512xf32> to vector<8x128xf32>
      %add3A_783 = arith.addf %add3A_781, %slice3A_782 : vector<8x128xf32>
      %slice3A_784 = vector.extract_strided_slice %exp3A_562 {offsets = [216, 384], sizes = [8, 128], strides = [1, 1]} : vector<512x512xf32> to vector<8x128xf32>
      %add3A_785 = arith.addf %add3A_783, %slice3A_784 : vector<8x128xf32>
      %slice3A_786 = vector.extract_strided_slice %exp3A_562 {offsets = [224, 0], sizes = [8, 128], strides = [1, 1]} : vector<512x512xf32> to vector<8x128xf32>
      %add3A_787 = arith.addf %add3A_785, %slice3A_786 : vector<8x128xf32>
      %slice3A_788 = vector.extract_strided_slice %exp3A_562 {offsets = [224, 128], sizes = [8, 128], strides = [1, 1]} : vector<512x512xf32> to vector<8x128xf32>
      %add3A_789 = arith.addf %add3A_787, %slice3A_788 : vector<8x128xf32>
      %slice3A_790 = vector.extract_strided_slice %exp3A_562 {offsets = [224, 256], sizes = [8, 128], strides = [1, 1]} : vector<512x512xf32> to vector<8x128xf32>
      %add3A_791 = arith.addf %add3A_789, %slice3A_790 : vector<8x128xf32>
      %slice3A_792 = vector.extract_strided_slice %exp3A_562 {offsets = [224, 384], sizes = [8, 128], strides = [1, 1]} : vector<512x512xf32> to vector<8x128xf32>
      %add3A_793 = arith.addf %add3A_791, %slice3A_792 : vector<8x128xf32>
      %slice3A_794 = vector.extract_strided_slice %exp3A_562 {offsets = [232, 0], sizes = [8, 128], strides = [1, 1]} : vector<512x512xf32> to vector<8x128xf32>
      %add3A_795 = arith.addf %add3A_793, %slice3A_794 : vector<8x128xf32>
      %slice3A_796 = vector.extract_strided_slice %exp3A_562 {offsets = [232, 128], sizes = [8, 128], strides = [1, 1]} : vector<512x512xf32> to vector<8x128xf32>
      %add3A_797 = arith.addf %add3A_795, %slice3A_796 : vector<8x128xf32>
      %slice3A_798 = vector.extract_strided_slice %exp3A_562 {offsets = [232, 256], sizes = [8, 128], strides = [1, 1]} : vector<512x512xf32> to vector<8x128xf32>
      %add3A_799 = arith.addf %add3A_797, %slice3A_798 : vector<8x128xf32>
      %slice3A_800 = vector.extract_strided_slice %exp3A_562 {offsets = [232, 384], sizes = [8, 128], strides = [1, 1]} : vector<512x512xf32> to vector<8x128xf32>
      %add3A_801 = arith.addf %add3A_799, %slice3A_800 : vector<8x128xf32>
      %slice3A_802 = vector.extract_strided_slice %exp3A_562 {offsets = [240, 0], sizes = [8, 128], strides = [1, 1]} : vector<512x512xf32> to vector<8x128xf32>
      %add3A_803 = arith.addf %add3A_801, %slice3A_802 : vector<8x128xf32>
      %slice3A_804 = vector.extract_strided_slice %exp3A_562 {offsets = [240, 128], sizes = [8, 128], strides = [1, 1]} : vector<512x512xf32> to vector<8x128xf32>
      %add3A_805 = arith.addf %add3A_803, %slice3A_804 : vector<8x128xf32>
      %slice3A_806 = vector.extract_strided_slice %exp3A_562 {offsets = [240, 256], sizes = [8, 128], strides = [1, 1]} : vector<512x512xf32> to vector<8x128xf32>
      %add3A_807 = arith.addf %add3A_805, %slice3A_806 : vector<8x128xf32>
      %slice3A_808 = vector.extract_strided_slice %exp3A_562 {offsets = [240, 384], sizes = [8, 128], strides = [1, 1]} : vector<512x512xf32> to vector<8x128xf32>
      %add3A_809 = arith.addf %add3A_807, %slice3A_808 : vector<8x128xf32>
      %slice3A_810 = vector.extract_strided_slice %exp3A_562 {offsets = [248, 0], sizes = [8, 128], strides = [1, 1]} : vector<512x512xf32> to vector<8x128xf32>
      %add3A_811 = arith.addf %add3A_809, %slice3A_810 : vector<8x128xf32>
      %slice3A_812 = vector.extract_strided_slice %exp3A_562 {offsets = [248, 128], sizes = [8, 128], strides = [1, 1]} : vector<512x512xf32> to vector<8x128xf32>
      %add3A_813 = arith.addf %add3A_811, %slice3A_812 : vector<8x128xf32>
      %slice3A_814 = vector.extract_strided_slice %exp3A_562 {offsets = [248, 256], sizes = [8, 128], strides = [1, 1]} : vector<512x512xf32> to vector<8x128xf32>
      %add3A_815 = arith.addf %add3A_813, %slice3A_814 : vector<8x128xf32>
      %slice3A_816 = vector.extract_strided_slice %exp3A_562 {offsets = [248, 384], sizes = [8, 128], strides = [1, 1]} : vector<512x512xf32> to vector<8x128xf32>
      %add3A_817 = arith.addf %add3A_815, %slice3A_816 : vector<8x128xf32>
      %slice3A_818 = vector.extract_strided_slice %exp3A_562 {offsets = [256, 0], sizes = [8, 128], strides = [1, 1]} : vector<512x512xf32> to vector<8x128xf32>
      %add3A_819 = arith.addf %add3A_817, %slice3A_818 : vector<8x128xf32>
      %slice3A_820 = vector.extract_strided_slice %exp3A_562 {offsets = [256, 128], sizes = [8, 128], strides = [1, 1]} : vector<512x512xf32> to vector<8x128xf32>
      %add3A_821 = arith.addf %add3A_819, %slice3A_820 : vector<8x128xf32>
      %slice3A_822 = vector.extract_strided_slice %exp3A_562 {offsets = [256, 256], sizes = [8, 128], strides = [1, 1]} : vector<512x512xf32> to vector<8x128xf32>
      %add3A_823 = arith.addf %add3A_821, %slice3A_822 : vector<8x128xf32>
      %slice3A_824 = vector.extract_strided_slice %exp3A_562 {offsets = [256, 384], sizes = [8, 128], strides = [1, 1]} : vector<512x512xf32> to vector<8x128xf32>
      %add3A_825 = arith.addf %add3A_823, %slice3A_824 : vector<8x128xf32>
      %slice3A_826 = vector.extract_strided_slice %exp3A_562 {offsets = [264, 0], sizes = [8, 128], strides = [1, 1]} : vector<512x512xf32> to vector<8x128xf32>
      %add3A_827 = arith.addf %add3A_825, %slice3A_826 : vector<8x128xf32>
      %slice3A_828 = vector.extract_strided_slice %exp3A_562 {offsets = [264, 128], sizes = [8, 128], strides = [1, 1]} : vector<512x512xf32> to vector<8x128xf32>
      %add3A_829 = arith.addf %add3A_827, %slice3A_828 : vector<8x128xf32>
      %slice3A_830 = vector.extract_strided_slice %exp3A_562 {offsets = [264, 256], sizes = [8, 128], strides = [1, 1]} : vector<512x512xf32> to vector<8x128xf32>
      %add3A_831 = arith.addf %add3A_829, %slice3A_830 : vector<8x128xf32>
      %slice3A_832 = vector.extract_strided_slice %exp3A_562 {offsets = [264, 384], sizes = [8, 128], strides = [1, 1]} : vector<512x512xf32> to vector<8x128xf32>
      %add3A_833 = arith.addf %add3A_831, %slice3A_832 : vector<8x128xf32>
      %slice3A_834 = vector.extract_strided_slice %exp3A_562 {offsets = [272, 0], sizes = [8, 128], strides = [1, 1]} : vector<512x512xf32> to vector<8x128xf32>
      %add3A_835 = arith.addf %add3A_833, %slice3A_834 : vector<8x128xf32>
      %slice3A_836 = vector.extract_strided_slice %exp3A_562 {offsets = [272, 128], sizes = [8, 128], strides = [1, 1]} : vector<512x512xf32> to vector<8x128xf32>
      %add3A_837 = arith.addf %add3A_835, %slice3A_836 : vector<8x128xf32>
      %slice3A_838 = vector.extract_strided_slice %exp3A_562 {offsets = [272, 256], sizes = [8, 128], strides = [1, 1]} : vector<512x512xf32> to vector<8x128xf32>
      %add3A_839 = arith.addf %add3A_837, %slice3A_838 : vector<8x128xf32>
      %slice3A_840 = vector.extract_strided_slice %exp3A_562 {offsets = [272, 384], sizes = [8, 128], strides = [1, 1]} : vector<512x512xf32> to vector<8x128xf32>
      %add3A_841 = arith.addf %add3A_839, %slice3A_840 : vector<8x128xf32>
      %slice3A_842 = vector.extract_strided_slice %exp3A_562 {offsets = [280, 0], sizes = [8, 128], strides = [1, 1]} : vector<512x512xf32> to vector<8x128xf32>
      %add3A_843 = arith.addf %add3A_841, %slice3A_842 : vector<8x128xf32>
      %slice3A_844 = vector.extract_strided_slice %exp3A_562 {offsets = [280, 128], sizes = [8, 128], strides = [1, 1]} : vector<512x512xf32> to vector<8x128xf32>
      %add3A_845 = arith.addf %add3A_843, %slice3A_844 : vector<8x128xf32>
      %slice3A_846 = vector.extract_strided_slice %exp3A_562 {offsets = [280, 256], sizes = [8, 128], strides = [1, 1]} : vector<512x512xf32> to vector<8x128xf32>
      %add3A_847 = arith.addf %add3A_845, %slice3A_846 : vector<8x128xf32>
      %slice3A_848 = vector.extract_strided_slice %exp3A_562 {offsets = [280, 384], sizes = [8, 128], strides = [1, 1]} : vector<512x512xf32> to vector<8x128xf32>
      %add3A_849 = arith.addf %add3A_847, %slice3A_848 : vector<8x128xf32>
      %slice3A_850 = vector.extract_strided_slice %exp3A_562 {offsets = [288, 0], sizes = [8, 128], strides = [1, 1]} : vector<512x512xf32> to vector<8x128xf32>
      %add3A_851 = arith.addf %add3A_849, %slice3A_850 : vector<8x128xf32>
      %slice3A_852 = vector.extract_strided_slice %exp3A_562 {offsets = [288, 128], sizes = [8, 128], strides = [1, 1]} : vector<512x512xf32> to vector<8x128xf32>
      %add3A_853 = arith.addf %add3A_851, %slice3A_852 : vector<8x128xf32>
      %slice3A_854 = vector.extract_strided_slice %exp3A_562 {offsets = [288, 256], sizes = [8, 128], strides = [1, 1]} : vector<512x512xf32> to vector<8x128xf32>
      %add3A_855 = arith.addf %add3A_853, %slice3A_854 : vector<8x128xf32>
      %slice3A_856 = vector.extract_strided_slice %exp3A_562 {offsets = [288, 384], sizes = [8, 128], strides = [1, 1]} : vector<512x512xf32> to vector<8x128xf32>
      %add3A_857 = arith.addf %add3A_855, %slice3A_856 : vector<8x128xf32>
      %slice3A_858 = vector.extract_strided_slice %exp3A_562 {offsets = [296, 0], sizes = [8, 128], strides = [1, 1]} : vector<512x512xf32> to vector<8x128xf32>
      %add3A_859 = arith.addf %add3A_857, %slice3A_858 : vector<8x128xf32>
      %slice3A_860 = vector.extract_strided_slice %exp3A_562 {offsets = [296, 128], sizes = [8, 128], strides = [1, 1]} : vector<512x512xf32> to vector<8x128xf32>
      %add3A_861 = arith.addf %add3A_859, %slice3A_860 : vector<8x128xf32>
      %slice3A_862 = vector.extract_strided_slice %exp3A_562 {offsets = [296, 256], sizes = [8, 128], strides = [1, 1]} : vector<512x512xf32> to vector<8x128xf32>
      %add3A_863 = arith.addf %add3A_861, %slice3A_862 : vector<8x128xf32>
      %slice3A_864 = vector.extract_strided_slice %exp3A_562 {offsets = [296, 384], sizes = [8, 128], strides = [1, 1]} : vector<512x512xf32> to vector<8x128xf32>
      %add3A_865 = arith.addf %add3A_863, %slice3A_864 : vector<8x128xf32>
      %slice3A_866 = vector.extract_strided_slice %exp3A_562 {offsets = [304, 0], sizes = [8, 128], strides = [1, 1]} : vector<512x512xf32> to vector<8x128xf32>
      %add3A_867 = arith.addf %add3A_865, %slice3A_866 : vector<8x128xf32>
      %slice3A_868 = vector.extract_strided_slice %exp3A_562 {offsets = [304, 128], sizes = [8, 128], strides = [1, 1]} : vector<512x512xf32> to vector<8x128xf32>
      %add3A_869 = arith.addf %add3A_867, %slice3A_868 : vector<8x128xf32>
      %slice3A_870 = vector.extract_strided_slice %exp3A_562 {offsets = [304, 256], sizes = [8, 128], strides = [1, 1]} : vector<512x512xf32> to vector<8x128xf32>
      %add3A_871 = arith.addf %add3A_869, %slice3A_870 : vector<8x128xf32>
      %slice3A_872 = vector.extract_strided_slice %exp3A_562 {offsets = [304, 384], sizes = [8, 128], strides = [1, 1]} : vector<512x512xf32> to vector<8x128xf32>
      %add3A_873 = arith.addf %add3A_871, %slice3A_872 : vector<8x128xf32>
      %slice3A_874 = vector.extract_strided_slice %exp3A_562 {offsets = [312, 0], sizes = [8, 128], strides = [1, 1]} : vector<512x512xf32> to vector<8x128xf32>
      %add3A_875 = arith.addf %add3A_873, %slice3A_874 : vector<8x128xf32>
      %slice3A_876 = vector.extract_strided_slice %exp3A_562 {offsets = [312, 128], sizes = [8, 128], strides = [1, 1]} : vector<512x512xf32> to vector<8x128xf32>
      %add3A_877 = arith.addf %add3A_875, %slice3A_876 : vector<8x128xf32>
      %slice3A_878 = vector.extract_strided_slice %exp3A_562 {offsets = [312, 256], sizes = [8, 128], strides = [1, 1]} : vector<512x512xf32> to vector<8x128xf32>
      %add3A_879 = arith.addf %add3A_877, %slice3A_878 : vector<8x128xf32>
      %slice3A_880 = vector.extract_strided_slice %exp3A_562 {offsets = [312, 384], sizes = [8, 128], strides = [1, 1]} : vector<512x512xf32> to vector<8x128xf32>
      %add3A_881 = arith.addf %add3A_879, %slice3A_880 : vector<8x128xf32>
      %slice3A_882 = vector.extract_strided_slice %exp3A_562 {offsets = [320, 0], sizes = [8, 128], strides = [1, 1]} : vector<512x512xf32> to vector<8x128xf32>
      %add3A_883 = arith.addf %add3A_881, %slice3A_882 : vector<8x128xf32>
      %slice3A_884 = vector.extract_strided_slice %exp3A_562 {offsets = [320, 128], sizes = [8, 128], strides = [1, 1]} : vector<512x512xf32> to vector<8x128xf32>
      %add3A_885 = arith.addf %add3A_883, %slice3A_884 : vector<8x128xf32>
      %slice3A_886 = vector.extract_strided_slice %exp3A_562 {offsets = [320, 256], sizes = [8, 128], strides = [1, 1]} : vector<512x512xf32> to vector<8x128xf32>
      %add3A_887 = arith.addf %add3A_885, %slice3A_886 : vector<8x128xf32>
      %slice3A_888 = vector.extract_strided_slice %exp3A_562 {offsets = [320, 384], sizes = [8, 128], strides = [1, 1]} : vector<512x512xf32> to vector<8x128xf32>
      %add3A_889 = arith.addf %add3A_887, %slice3A_888 : vector<8x128xf32>
      %slice3A_890 = vector.extract_strided_slice %exp3A_562 {offsets = [328, 0], sizes = [8, 128], strides = [1, 1]} : vector<512x512xf32> to vector<8x128xf32>
      %add3A_891 = arith.addf %add3A_889, %slice3A_890 : vector<8x128xf32>
      %slice3A_892 = vector.extract_strided_slice %exp3A_562 {offsets = [328, 128], sizes = [8, 128], strides = [1, 1]} : vector<512x512xf32> to vector<8x128xf32>
      %add3A_893 = arith.addf %add3A_891, %slice3A_892 : vector<8x128xf32>
      %slice3A_894 = vector.extract_strided_slice %exp3A_562 {offsets = [328, 256], sizes = [8, 128], strides = [1, 1]} : vector<512x512xf32> to vector<8x128xf32>
      %add3A_895 = arith.addf %add3A_893, %slice3A_894 : vector<8x128xf32>
      %slice3A_896 = vector.extract_strided_slice %exp3A_562 {offsets = [328, 384], sizes = [8, 128], strides = [1, 1]} : vector<512x512xf32> to vector<8x128xf32>
      %add3A_897 = arith.addf %add3A_895, %slice3A_896 : vector<8x128xf32>
      %slice3A_898 = vector.extract_strided_slice %exp3A_562 {offsets = [336, 0], sizes = [8, 128], strides = [1, 1]} : vector<512x512xf32> to vector<8x128xf32>
      %add3A_899 = arith.addf %add3A_897, %slice3A_898 : vector<8x128xf32>
      %slice3A_900 = vector.extract_strided_slice %exp3A_562 {offsets = [336, 128], sizes = [8, 128], strides = [1, 1]} : vector<512x512xf32> to vector<8x128xf32>
      %add3A_901 = arith.addf %add3A_899, %slice3A_900 : vector<8x128xf32>
      %slice3A_902 = vector.extract_strided_slice %exp3A_562 {offsets = [336, 256], sizes = [8, 128], strides = [1, 1]} : vector<512x512xf32> to vector<8x128xf32>
      %add3A_903 = arith.addf %add3A_901, %slice3A_902 : vector<8x128xf32>
      %slice3A_904 = vector.extract_strided_slice %exp3A_562 {offsets = [336, 384], sizes = [8, 128], strides = [1, 1]} : vector<512x512xf32> to vector<8x128xf32>
      %add3A_905 = arith.addf %add3A_903, %slice3A_904 : vector<8x128xf32>
      %slice3A_906 = vector.extract_strided_slice %exp3A_562 {offsets = [344, 0], sizes = [8, 128], strides = [1, 1]} : vector<512x512xf32> to vector<8x128xf32>
      %add3A_907 = arith.addf %add3A_905, %slice3A_906 : vector<8x128xf32>
      %slice3A_908 = vector.extract_strided_slice %exp3A_562 {offsets = [344, 128], sizes = [8, 128], strides = [1, 1]} : vector<512x512xf32> to vector<8x128xf32>
      %add3A_909 = arith.addf %add3A_907, %slice3A_908 : vector<8x128xf32>
      %slice3A_910 = vector.extract_strided_slice %exp3A_562 {offsets = [344, 256], sizes = [8, 128], strides = [1, 1]} : vector<512x512xf32> to vector<8x128xf32>
      %add3A_911 = arith.addf %add3A_909, %slice3A_910 : vector<8x128xf32>
      %slice3A_912 = vector.extract_strided_slice %exp3A_562 {offsets = [344, 384], sizes = [8, 128], strides = [1, 1]} : vector<512x512xf32> to vector<8x128xf32>
      %add3A_913 = arith.addf %add3A_911, %slice3A_912 : vector<8x128xf32>
      %slice3A_914 = vector.extract_strided_slice %exp3A_562 {offsets = [352, 0], sizes = [8, 128], strides = [1, 1]} : vector<512x512xf32> to vector<8x128xf32>
      %add3A_915 = arith.addf %add3A_913, %slice3A_914 : vector<8x128xf32>
      %slice3A_916 = vector.extract_strided_slice %exp3A_562 {offsets = [352, 128], sizes = [8, 128], strides = [1, 1]} : vector<512x512xf32> to vector<8x128xf32>
      %add3A_917 = arith.addf %add3A_915, %slice3A_916 : vector<8x128xf32>
      %slice3A_918 = vector.extract_strided_slice %exp3A_562 {offsets = [352, 256], sizes = [8, 128], strides = [1, 1]} : vector<512x512xf32> to vector<8x128xf32>
      %add3A_919 = arith.addf %add3A_917, %slice3A_918 : vector<8x128xf32>
      %slice3A_920 = vector.extract_strided_slice %exp3A_562 {offsets = [352, 384], sizes = [8, 128], strides = [1, 1]} : vector<512x512xf32> to vector<8x128xf32>
      %add3A_921 = arith.addf %add3A_919, %slice3A_920 : vector<8x128xf32>
      %slice3A_922 = vector.extract_strided_slice %exp3A_562 {offsets = [360, 0], sizes = [8, 128], strides = [1, 1]} : vector<512x512xf32> to vector<8x128xf32>
      %add3A_923 = arith.addf %add3A_921, %slice3A_922 : vector<8x128xf32>
      %slice3A_924 = vector.extract_strided_slice %exp3A_562 {offsets = [360, 128], sizes = [8, 128], strides = [1, 1]} : vector<512x512xf32> to vector<8x128xf32>
      %add3A_925 = arith.addf %add3A_923, %slice3A_924 : vector<8x128xf32>
      %slice3A_926 = vector.extract_strided_slice %exp3A_562 {offsets = [360, 256], sizes = [8, 128], strides = [1, 1]} : vector<512x512xf32> to vector<8x128xf32>
      %add3A_927 = arith.addf %add3A_925, %slice3A_926 : vector<8x128xf32>
      %slice3A_928 = vector.extract_strided_slice %exp3A_562 {offsets = [360, 384], sizes = [8, 128], strides = [1, 1]} : vector<512x512xf32> to vector<8x128xf32>
      %add3A_929 = arith.addf %add3A_927, %slice3A_928 : vector<8x128xf32>
      %slice3A_930 = vector.extract_strided_slice %exp3A_562 {offsets = [368, 0], sizes = [8, 128], strides = [1, 1]} : vector<512x512xf32> to vector<8x128xf32>
      %add3A_931 = arith.addf %add3A_929, %slice3A_930 : vector<8x128xf32>
      %slice3A_932 = vector.extract_strided_slice %exp3A_562 {offsets = [368, 128], sizes = [8, 128], strides = [1, 1]} : vector<512x512xf32> to vector<8x128xf32>
      %add3A_933 = arith.addf %add3A_931, %slice3A_932 : vector<8x128xf32>
      %slice3A_934 = vector.extract_strided_slice %exp3A_562 {offsets = [368, 256], sizes = [8, 128], strides = [1, 1]} : vector<512x512xf32> to vector<8x128xf32>
      %add3A_935 = arith.addf %add3A_933, %slice3A_934 : vector<8x128xf32>
      %slice3A_936 = vector.extract_strided_slice %exp3A_562 {offsets = [368, 384], sizes = [8, 128], strides = [1, 1]} : vector<512x512xf32> to vector<8x128xf32>
      %add3A_937 = arith.addf %add3A_935, %slice3A_936 : vector<8x128xf32>
      %slice3A_938 = vector.extract_strided_slice %exp3A_562 {offsets = [376, 0], sizes = [8, 128], strides = [1, 1]} : vector<512x512xf32> to vector<8x128xf32>
      %add3A_939 = arith.addf %add3A_937, %slice3A_938 : vector<8x128xf32>
      %slice3A_940 = vector.extract_strided_slice %exp3A_562 {offsets = [376, 128], sizes = [8, 128], strides = [1, 1]} : vector<512x512xf32> to vector<8x128xf32>
      %add3A_941 = arith.addf %add3A_939, %slice3A_940 : vector<8x128xf32>
      %slice3A_942 = vector.extract_strided_slice %exp3A_562 {offsets = [376, 256], sizes = [8, 128], strides = [1, 1]} : vector<512x512xf32> to vector<8x128xf32>
      %add3A_943 = arith.addf %add3A_941, %slice3A_942 : vector<8x128xf32>
      %slice3A_944 = vector.extract_strided_slice %exp3A_562 {offsets = [376, 384], sizes = [8, 128], strides = [1, 1]} : vector<512x512xf32> to vector<8x128xf32>
      %add3A_945 = arith.addf %add3A_943, %slice3A_944 : vector<8x128xf32>
      %slice3A_946 = vector.extract_strided_slice %exp3A_562 {offsets = [384, 0], sizes = [8, 128], strides = [1, 1]} : vector<512x512xf32> to vector<8x128xf32>
      %add3A_947 = arith.addf %add3A_945, %slice3A_946 : vector<8x128xf32>
      %slice3A_948 = vector.extract_strided_slice %exp3A_562 {offsets = [384, 128], sizes = [8, 128], strides = [1, 1]} : vector<512x512xf32> to vector<8x128xf32>
      %add3A_949 = arith.addf %add3A_947, %slice3A_948 : vector<8x128xf32>
      %slice3A_950 = vector.extract_strided_slice %exp3A_562 {offsets = [384, 256], sizes = [8, 128], strides = [1, 1]} : vector<512x512xf32> to vector<8x128xf32>
      %add3A_951 = arith.addf %add3A_949, %slice3A_950 : vector<8x128xf32>
      %slice3A_952 = vector.extract_strided_slice %exp3A_562 {offsets = [384, 384], sizes = [8, 128], strides = [1, 1]} : vector<512x512xf32> to vector<8x128xf32>
      %add3A_953 = arith.addf %add3A_951, %slice3A_952 : vector<8x128xf32>
      %slice3A_954 = vector.extract_strided_slice %exp3A_562 {offsets = [392, 0], sizes = [8, 128], strides = [1, 1]} : vector<512x512xf32> to vector<8x128xf32>
      %add3A_955 = arith.addf %add3A_953, %slice3A_954 : vector<8x128xf32>
      %slice3A_956 = vector.extract_strided_slice %exp3A_562 {offsets = [392, 128], sizes = [8, 128], strides = [1, 1]} : vector<512x512xf32> to vector<8x128xf32>
      %add3A_957 = arith.addf %add3A_955, %slice3A_956 : vector<8x128xf32>
      %slice3A_958 = vector.extract_strided_slice %exp3A_562 {offsets = [392, 256], sizes = [8, 128], strides = [1, 1]} : vector<512x512xf32> to vector<8x128xf32>
      %add3A_959 = arith.addf %add3A_957, %slice3A_958 : vector<8x128xf32>
      %slice3A_960 = vector.extract_strided_slice %exp3A_562 {offsets = [392, 384], sizes = [8, 128], strides = [1, 1]} : vector<512x512xf32> to vector<8x128xf32>
      %add3A_961 = arith.addf %add3A_959, %slice3A_960 : vector<8x128xf32>
      %slice3A_962 = vector.extract_strided_slice %exp3A_562 {offsets = [400, 0], sizes = [8, 128], strides = [1, 1]} : vector<512x512xf32> to vector<8x128xf32>
      %add3A_963 = arith.addf %add3A_961, %slice3A_962 : vector<8x128xf32>
      %slice3A_964 = vector.extract_strided_slice %exp3A_562 {offsets = [400, 128], sizes = [8, 128], strides = [1, 1]} : vector<512x512xf32> to vector<8x128xf32>
      %add3A_965 = arith.addf %add3A_963, %slice3A_964 : vector<8x128xf32>
      %slice3A_966 = vector.extract_strided_slice %exp3A_562 {offsets = [400, 256], sizes = [8, 128], strides = [1, 1]} : vector<512x512xf32> to vector<8x128xf32>
      %add3A_967 = arith.addf %add3A_965, %slice3A_966 : vector<8x128xf32>
      %slice3A_968 = vector.extract_strided_slice %exp3A_562 {offsets = [400, 384], sizes = [8, 128], strides = [1, 1]} : vector<512x512xf32> to vector<8x128xf32>
      %add3A_969 = arith.addf %add3A_967, %slice3A_968 : vector<8x128xf32>
      %slice3A_970 = vector.extract_strided_slice %exp3A_562 {offsets = [408, 0], sizes = [8, 128], strides = [1, 1]} : vector<512x512xf32> to vector<8x128xf32>
      %add3A_971 = arith.addf %add3A_969, %slice3A_970 : vector<8x128xf32>
      %slice3A_972 = vector.extract_strided_slice %exp3A_562 {offsets = [408, 128], sizes = [8, 128], strides = [1, 1]} : vector<512x512xf32> to vector<8x128xf32>
      %add3A_973 = arith.addf %add3A_971, %slice3A_972 : vector<8x128xf32>
      %slice3A_974 = vector.extract_strided_slice %exp3A_562 {offsets = [408, 256], sizes = [8, 128], strides = [1, 1]} : vector<512x512xf32> to vector<8x128xf32>
      %add3A_975 = arith.addf %add3A_973, %slice3A_974 : vector<8x128xf32>
      %slice3A_976 = vector.extract_strided_slice %exp3A_562 {offsets = [408, 384], sizes = [8, 128], strides = [1, 1]} : vector<512x512xf32> to vector<8x128xf32>
      %add3A_977 = arith.addf %add3A_975, %slice3A_976 : vector<8x128xf32>
      %slice3A_978 = vector.extract_strided_slice %exp3A_562 {offsets = [416, 0], sizes = [8, 128], strides = [1, 1]} : vector<512x512xf32> to vector<8x128xf32>
      %add3A_979 = arith.addf %add3A_977, %slice3A_978 : vector<8x128xf32>
      %slice3A_980 = vector.extract_strided_slice %exp3A_562 {offsets = [416, 128], sizes = [8, 128], strides = [1, 1]} : vector<512x512xf32> to vector<8x128xf32>
      %add3A_981 = arith.addf %add3A_979, %slice3A_980 : vector<8x128xf32>
      %slice3A_982 = vector.extract_strided_slice %exp3A_562 {offsets = [416, 256], sizes = [8, 128], strides = [1, 1]} : vector<512x512xf32> to vector<8x128xf32>
      %add3A_983 = arith.addf %add3A_981, %slice3A_982 : vector<8x128xf32>
      %slice3A_984 = vector.extract_strided_slice %exp3A_562 {offsets = [416, 384], sizes = [8, 128], strides = [1, 1]} : vector<512x512xf32> to vector<8x128xf32>
      %add3A_985 = arith.addf %add3A_983, %slice3A_984 : vector<8x128xf32>
      %slice3A_986 = vector.extract_strided_slice %exp3A_562 {offsets = [424, 0], sizes = [8, 128], strides = [1, 1]} : vector<512x512xf32> to vector<8x128xf32>
      %add3A_987 = arith.addf %add3A_985, %slice3A_986 : vector<8x128xf32>
      %slice3A_988 = vector.extract_strided_slice %exp3A_562 {offsets = [424, 128], sizes = [8, 128], strides = [1, 1]} : vector<512x512xf32> to vector<8x128xf32>
      %add3A_989 = arith.addf %add3A_987, %slice3A_988 : vector<8x128xf32>
      %slice3A_990 = vector.extract_strided_slice %exp3A_562 {offsets = [424, 256], sizes = [8, 128], strides = [1, 1]} : vector<512x512xf32> to vector<8x128xf32>
      %add3A_991 = arith.addf %add3A_989, %slice3A_990 : vector<8x128xf32>
      %slice3A_992 = vector.extract_strided_slice %exp3A_562 {offsets = [424, 384], sizes = [8, 128], strides = [1, 1]} : vector<512x512xf32> to vector<8x128xf32>
      %add3A_993 = arith.addf %add3A_991, %slice3A_992 : vector<8x128xf32>
      %slice3A_994 = vector.extract_strided_slice %exp3A_562 {offsets = [432, 0], sizes = [8, 128], strides = [1, 1]} : vector<512x512xf32> to vector<8x128xf32>
      %add3A_995 = arith.addf %add3A_993, %slice3A_994 : vector<8x128xf32>
      %slice3A_996 = vector.extract_strided_slice %exp3A_562 {offsets = [432, 128], sizes = [8, 128], strides = [1, 1]} : vector<512x512xf32> to vector<8x128xf32>
      %add3A_997 = arith.addf %add3A_995, %slice3A_996 : vector<8x128xf32>
      %slice3A_998 = vector.extract_strided_slice %exp3A_562 {offsets = [432, 256], sizes = [8, 128], strides = [1, 1]} : vector<512x512xf32> to vector<8x128xf32>
      %add3A_999 = arith.addf %add3A_997, %slice3A_998 : vector<8x128xf32>
      %slice3A_1000 = vector.extract_strided_slice %exp3A_562 {offsets = [432, 384], sizes = [8, 128], strides = [1, 1]} : vector<512x512xf32> to vector<8x128xf32>
      %add3A_1001 = arith.addf %add3A_999, %slice3A_1000 : vector<8x128xf32>
      %slice3A_1002 = vector.extract_strided_slice %exp3A_562 {offsets = [440, 0], sizes = [8, 128], strides = [1, 1]} : vector<512x512xf32> to vector<8x128xf32>
      %add3A_1003 = arith.addf %add3A_1001, %slice3A_1002 : vector<8x128xf32>
      %slice3A_1004 = vector.extract_strided_slice %exp3A_562 {offsets = [440, 128], sizes = [8, 128], strides = [1, 1]} : vector<512x512xf32> to vector<8x128xf32>
      %add3A_1005 = arith.addf %add3A_1003, %slice3A_1004 : vector<8x128xf32>
      %slice3A_1006 = vector.extract_strided_slice %exp3A_562 {offsets = [440, 256], sizes = [8, 128], strides = [1, 1]} : vector<512x512xf32> to vector<8x128xf32>
      %add3A_1007 = arith.addf %add3A_1005, %slice3A_1006 : vector<8x128xf32>
      %slice3A_1008 = vector.extract_strided_slice %exp3A_562 {offsets = [440, 384], sizes = [8, 128], strides = [1, 1]} : vector<512x512xf32> to vector<8x128xf32>
      %add3A_1009 = arith.addf %add3A_1007, %slice3A_1008 : vector<8x128xf32>
      %slice3A_1010 = vector.extract_strided_slice %exp3A_562 {offsets = [448, 0], sizes = [8, 128], strides = [1, 1]} : vector<512x512xf32> to vector<8x128xf32>
      %add3A_1011 = arith.addf %add3A_1009, %slice3A_1010 : vector<8x128xf32>
      %slice3A_1012 = vector.extract_strided_slice %exp3A_562 {offsets = [448, 128], sizes = [8, 128], strides = [1, 1]} : vector<512x512xf32> to vector<8x128xf32>
      %add3A_1013 = arith.addf %add3A_1011, %slice3A_1012 : vector<8x128xf32>
      %slice3A_1014 = vector.extract_strided_slice %exp3A_562 {offsets = [448, 256], sizes = [8, 128], strides = [1, 1]} : vector<512x512xf32> to vector<8x128xf32>
      %add3A_1015 = arith.addf %add3A_1013, %slice3A_1014 : vector<8x128xf32>
      %slice3A_1016 = vector.extract_strided_slice %exp3A_562 {offsets = [448, 384], sizes = [8, 128], strides = [1, 1]} : vector<512x512xf32> to vector<8x128xf32>
      %add3A_1017 = arith.addf %add3A_1015, %slice3A_1016 : vector<8x128xf32>
      %slice3A_1018 = vector.extract_strided_slice %exp3A_562 {offsets = [456, 0], sizes = [8, 128], strides = [1, 1]} : vector<512x512xf32> to vector<8x128xf32>
      %add3A_1019 = arith.addf %add3A_1017, %slice3A_1018 : vector<8x128xf32>
      %slice3A_1020 = vector.extract_strided_slice %exp3A_562 {offsets = [456, 128], sizes = [8, 128], strides = [1, 1]} : vector<512x512xf32> to vector<8x128xf32>
      %add3A_1021 = arith.addf %add3A_1019, %slice3A_1020 : vector<8x128xf32>
      %slice3A_1022 = vector.extract_strided_slice %exp3A_562 {offsets = [456, 256], sizes = [8, 128], strides = [1, 1]} : vector<512x512xf32> to vector<8x128xf32>
      %add3A_1023 = arith.addf %add3A_1021, %slice3A_1022 : vector<8x128xf32>
      %slice3A_1024 = vector.extract_strided_slice %exp3A_562 {offsets = [456, 384], sizes = [8, 128], strides = [1, 1]} : vector<512x512xf32> to vector<8x128xf32>
      %add3A_1025 = arith.addf %add3A_1023, %slice3A_1024 : vector<8x128xf32>
      %slice3A_1026 = vector.extract_strided_slice %exp3A_562 {offsets = [464, 0], sizes = [8, 128], strides = [1, 1]} : vector<512x512xf32> to vector<8x128xf32>
      %add3A_1027 = arith.addf %add3A_1025, %slice3A_1026 : vector<8x128xf32>
      %slice3A_1028 = vector.extract_strided_slice %exp3A_562 {offsets = [464, 128], sizes = [8, 128], strides = [1, 1]} : vector<512x512xf32> to vector<8x128xf32>
      %add3A_1029 = arith.addf %add3A_1027, %slice3A_1028 : vector<8x128xf32>
      %slice3A_1030 = vector.extract_strided_slice %exp3A_562 {offsets = [464, 256], sizes = [8, 128], strides = [1, 1]} : vector<512x512xf32> to vector<8x128xf32>
      %add3A_1031 = arith.addf %add3A_1029, %slice3A_1030 : vector<8x128xf32>
      %slice3A_1032 = vector.extract_strided_slice %exp3A_562 {offsets = [464, 384], sizes = [8, 128], strides = [1, 1]} : vector<512x512xf32> to vector<8x128xf32>
      %add3A_1033 = arith.addf %add3A_1031, %slice3A_1032 : vector<8x128xf32>
      %slice3A_1034 = vector.extract_strided_slice %exp3A_562 {offsets = [472, 0], sizes = [8, 128], strides = [1, 1]} : vector<512x512xf32> to vector<8x128xf32>
      %add3A_1035 = arith.addf %add3A_1033, %slice3A_1034 : vector<8x128xf32>
      %slice3A_1036 = vector.extract_strided_slice %exp3A_562 {offsets = [472, 128], sizes = [8, 128], strides = [1, 1]} : vector<512x512xf32> to vector<8x128xf32>
      %add3A_1037 = arith.addf %add3A_1035, %slice3A_1036 : vector<8x128xf32>
      %slice3A_1038 = vector.extract_strided_slice %exp3A_562 {offsets = [472, 256], sizes = [8, 128], strides = [1, 1]} : vector<512x512xf32> to vector<8x128xf32>
      %add3A_1039 = arith.addf %add3A_1037, %slice3A_1038 : vector<8x128xf32>
      %slice3A_1040 = vector.extract_strided_slice %exp3A_562 {offsets = [472, 384], sizes = [8, 128], strides = [1, 1]} : vector<512x512xf32> to vector<8x128xf32>
      %add3A_1041 = arith.addf %add3A_1039, %slice3A_1040 : vector<8x128xf32>
      %slice3A_1042 = vector.extract_strided_slice %exp3A_562 {offsets = [480, 0], sizes = [8, 128], strides = [1, 1]} : vector<512x512xf32> to vector<8x128xf32>
      %add3A_1043 = arith.addf %add3A_1041, %slice3A_1042 : vector<8x128xf32>
      %slice3A_1044 = vector.extract_strided_slice %exp3A_562 {offsets = [480, 128], sizes = [8, 128], strides = [1, 1]} : vector<512x512xf32> to vector<8x128xf32>
      %add3A_1045 = arith.addf %add3A_1043, %slice3A_1044 : vector<8x128xf32>
      %slice3A_1046 = vector.extract_strided_slice %exp3A_562 {offsets = [480, 256], sizes = [8, 128], strides = [1, 1]} : vector<512x512xf32> to vector<8x128xf32>
      %add3A_1047 = arith.addf %add3A_1045, %slice3A_1046 : vector<8x128xf32>
      %slice3A_1048 = vector.extract_strided_slice %exp3A_562 {offsets = [480, 384], sizes = [8, 128], strides = [1, 1]} : vector<512x512xf32> to vector<8x128xf32>
      %add3A_1049 = arith.addf %add3A_1047, %slice3A_1048 : vector<8x128xf32>
      %slice3A_1050 = vector.extract_strided_slice %exp3A_562 {offsets = [488, 0], sizes = [8, 128], strides = [1, 1]} : vector<512x512xf32> to vector<8x128xf32>
      %add3A_1051 = arith.addf %add3A_1049, %slice3A_1050 : vector<8x128xf32>
      %slice3A_1052 = vector.extract_strided_slice %exp3A_562 {offsets = [488, 128], sizes = [8, 128], strides = [1, 1]} : vector<512x512xf32> to vector<8x128xf32>
      %add3A_1053 = arith.addf %add3A_1051, %slice3A_1052 : vector<8x128xf32>
      %slice3A_1054 = vector.extract_strided_slice %exp3A_562 {offsets = [488, 256], sizes = [8, 128], strides = [1, 1]} : vector<512x512xf32> to vector<8x128xf32>
      %add3A_1055 = arith.addf %add3A_1053, %slice3A_1054 : vector<8x128xf32>
      %slice3A_1056 = vector.extract_strided_slice %exp3A_562 {offsets = [488, 384], sizes = [8, 128], strides = [1, 1]} : vector<512x512xf32> to vector<8x128xf32>
      %add3A_1057 = arith.addf %add3A_1055, %slice3A_1056 : vector<8x128xf32>
      %slice3A_1058 = vector.extract_strided_slice %exp3A_562 {offsets = [496, 0], sizes = [8, 128], strides = [1, 1]} : vector<512x512xf32> to vector<8x128xf32>
      %add3A_1059 = arith.addf %add3A_1057, %slice3A_1058 : vector<8x128xf32>
      %slice3A_1060 = vector.extract_strided_slice %exp3A_562 {offsets = [496, 128], sizes = [8, 128], strides = [1, 1]} : vector<512x512xf32> to vector<8x128xf32>
      %add3A_1061 = arith.addf %add3A_1059, %slice3A_1060 : vector<8x128xf32>
      %slice3A_1062 = vector.extract_strided_slice %exp3A_562 {offsets = [496, 256], sizes = [8, 128], strides = [1, 1]} : vector<512x512xf32> to vector<8x128xf32>
      %add3A_1063 = arith.addf %add3A_1061, %slice3A_1062 : vector<8x128xf32>
      %slice3A_1064 = vector.extract_strided_slice %exp3A_562 {offsets = [496, 384], sizes = [8, 128], strides = [1, 1]} : vector<512x512xf32> to vector<8x128xf32>
      %add3A_1065 = arith.addf %add3A_1063, %slice3A_1064 : vector<8x128xf32>
      %slice3A_1066 = vector.extract_strided_slice %exp3A_562 {offsets = [504, 0], sizes = [8, 128], strides = [1, 1]} : vector<512x512xf32> to vector<8x128xf32>
      %add3A_1067 = arith.addf %add3A_1065, %slice3A_1066 : vector<8x128xf32>
      %slice3A_1068 = vector.extract_strided_slice %exp3A_562 {offsets = [504, 128], sizes = [8, 128], strides = [1, 1]} : vector<512x512xf32> to vector<8x128xf32>
      %add3A_1069 = arith.addf %add3A_1067, %slice3A_1068 : vector<8x128xf32>
      %slice3A_1070 = vector.extract_strided_slice %exp3A_562 {offsets = [504, 256], sizes = [8, 128], strides = [1, 1]} : vector<512x512xf32> to vector<8x128xf32>
      %add3A_1071 = arith.addf %add3A_1069, %slice3A_1070 : vector<8x128xf32>
      %slice3A_1072 = vector.extract_strided_slice %exp3A_562 {offsets = [504, 384], sizes = [8, 128], strides = [1, 1]} : vector<512x512xf32> to vector<8x128xf32>
      %add3A_1073 = arith.addf %add3A_1071, %slice3A_1072 : vector<8x128xf32>
      %get3A_1074 = arith.constant 0 : index
      %get3A_1075 = arith.constant 0 : index
      %get3A_1076 = vector.load %arg9[%get3A_1074, %get3A_1075] : memref<8x128xf32, #tpu.memory_space<vmem>>, vector<8x128xf32>
      %add3A_1077 = arith.addf %get3A_1076, %add3A_1073 : vector<8x128xf32>
      %swap3A_1078 = arith.constant 0 : index
      %swap3A_1079 = arith.constant 0 : index
      %swap3A_1080 = vector.load %arg9[%swap3A_1078, %swap3A_1079] : memref<8x128xf32, #tpu.memory_space<vmem>>, vector<8x128xf32>
      tpu.vector_store %arg9[%swap3A_1078, %swap3A_1079], %add3A_1077 {strides = array<i32>} : memref<8x128xf32, #tpu.memory_space<vmem>>, vector<8x128xf32>,
      %eq3A_1081 = arith.cmpi eq, %arg0, %arg1 : i32
      %convert_element_type3A_1082 = arith.extui %eq3A_1081 : i1 to i32
      %cond3A_1083 = arith.constant 0 : i32
      %cond3A_1084 = arith.cmpi ne, %convert_element_type3A_1082, %cond3A_1083 : i32
      scf.if %cond3A_1084 {
        %get3A_1085 = arith.constant 0 : index
        %get3A_1086 = arith.constant 0 : index
        %get3A_1087 = vector.load %arg8[%get3A_1085, %get3A_1086] : memref<8x128xf32, #tpu.memory_space<vmem>>, vector<8x128xf32>
        %add3A_1088 = arith.addf %get3A_1087, %add3A_537 : vector<8x128xf32>
        %swap3A_1089 = arith.constant 0 : index
        %swap3A_1090 = arith.constant 0 : index
        %swap3A_1091 = vector.load %arg8[%swap3A_1089, %swap3A_1090] : memref<8x128xf32, #tpu.memory_space<vmem>>, vector<8x128xf32>
        tpu.vector_store %arg8[%swap3A_1089, %swap3A_1090], %add3A_1088 {strides = array<i32>} : memref<8x128xf32, #tpu.memory_space<vmem>>, vector<8x128xf32>,
        %get3A_1092 = arith.constant 0 : index
        %get3A_1093 = arith.constant 0 : index
        %get3A_1094 = vector.load %arg10[%get3A_1092, %get3A_1093] : memref<8x128xf32, #tpu.memory_space<vmem>>, vector<8x128xf32>
        %add3A_1095 = arith.addf %get3A_1094, %add3A_1073 : vector<8x128xf32>
        %swap3A_1096 = arith.constant 0 : index
        %swap3A_1097 = arith.constant 0 : index
        %swap3A_1098 = vector.load %arg10[%swap3A_1096, %swap3A_1097] : memref<8x128xf32, #tpu.memory_space<vmem>>, vector<8x128xf32>
        tpu.vector_store %arg10[%swap3A_1096, %swap3A_1097], %add3A_1095 {strides = array<i32>} : memref<8x128xf32, #tpu.memory_space<vmem>>, vector<8x128xf32>,
      } else {
      }
    } else {
    }
    %eq3A_7 = arith.constant 7 : i32
    %eq3A_8 = arith.cmpi eq, %arg0, %eq3A_7 : i32
    %eq3A_9 = arith.constant 7 : i32
    %eq3A_10 = arith.cmpi eq, %arg1, %eq3A_9 : i32
    %and3A_11 = arith.andi %eq3A_8, %eq3A_10 : i1
    %convert_element_type3A_12 = arith.extui %and3A_11 : i1 to i32
    %cond3A_13 = arith.constant 0 : i32
    %cond3A_14 = arith.cmpi ne, %convert_element_type3A_12, %cond3A_13 : i32
    scf.if %cond3A_14 {
      %get3A = arith.constant 0 : index
      %get3A_15 = arith.constant 0 : index
      %get3A_16 = vector.load %arg7[%get3A, %get3A_15] : memref<8x128xf32, #tpu.memory_space<vmem>>, vector<8x128xf32>
      %reduce_sum3A = vector.shape_cast %get3A_16 : vector<8x128xf32> to vector<1x8x128xf32>
      %reduce_sum3A_17 = arith.constant dense<0.000000e+00> : vector<1xf32>
      %reduce_sum3A_18 = vector.multi_reduction <add>, %reduce_sum3A, %reduce_sum3A_17 [1, 2] : vector<1x8x128xf32> to vector<1xf32>
      %reduce_sum3A_19 = vector.shape_cast %reduce_sum3A_18 : vector<1xf32> to vector<1x1x1xf32>
      %reduce_sum3A_20 = vector.extract %reduce_sum3A_19[0, 0, 0] : f32 from vector<1x1x1xf32>
      %mul3A = arith.constant 2.000000e+00 : f32
      %mul3A_21 = arith.mulf %mul3A, %reduce_sum3A_20 : f32
      %get3A_22 = arith.constant 0 : index
      %get3A_23 = arith.constant 0 : index
      %get3A_24 = vector.load %arg8[%get3A_22, %get3A_23] : memref<8x128xf32, #tpu.memory_space<vmem>>, vector<8x128xf32>
      %reduce_sum3A_25 = vector.shape_cast %get3A_24 : vector<8x128xf32> to vector<1x8x128xf32>
      %reduce_sum3A_26 = arith.constant dense<0.000000e+00> : vector<1xf32>
      %reduce_sum3A_27 = vector.multi_reduction <add>, %reduce_sum3A_25, %reduce_sum3A_26 [1, 2] : vector<1x8x128xf32> to vector<1xf32>
      %reduce_sum3A_28 = vector.shape_cast %reduce_sum3A_27 : vector<1xf32> to vector<1x1x1xf32>
      %reduce_sum3A_29 = vector.extract %reduce_sum3A_28[0, 0, 0] : f32 from vector<1x1x1xf32>
      %sub3A = arith.subf %mul3A_21, %reduce_sum3A_29 : f32
      %get3A_30 = arith.constant 0 : index
      %get3A_31 = arith.constant 0 : index
      %get3A_32 = vector.load %arg9[%get3A_30, %get3A_31] : memref<8x128xf32, #tpu.memory_space<vmem>>, vector<8x128xf32>
      %reduce_sum3A_33 = vector.shape_cast %get3A_32 : vector<8x128xf32> to vector<1x8x128xf32>
      %reduce_sum3A_34 = arith.constant dense<0.000000e+00> : vector<1xf32>
      %reduce_sum3A_35 = vector.multi_reduction <add>, %reduce_sum3A_33, %reduce_sum3A_34 [1, 2] : vector<1x8x128xf32> to vector<1xf32>
      %reduce_sum3A_36 = vector.shape_cast %reduce_sum3A_35 : vector<1xf32> to vector<1x1x1xf32>
      %reduce_sum3A_37 = vector.extract %reduce_sum3A_36[0, 0, 0] : f32 from vector<1x1x1xf32>
      %mul3A_38 = arith.constant 2.000000e+00 : f32
      %mul3A_39 = arith.mulf %mul3A_38, %reduce_sum3A_37 : f32
      %get3A_40 = arith.constant 0 : index
      %get3A_41 = arith.constant 0 : index
      %get3A_42 = vector.load %arg10[%get3A_40, %get3A_41] : memref<8x128xf32, #tpu.memory_space<vmem>>, vector<8x128xf32>
      %reduce_sum3A_43 = vector.shape_cast %get3A_42 : vector<8x128xf32> to vector<1x8x128xf32>
      %reduce_sum3A_44 = arith.constant dense<0.000000e+00> : vector<1xf32>
      %reduce_sum3A_45 = vector.multi_reduction <add>, %reduce_sum3A_43, %reduce_sum3A_44 [1, 2] : vector<1x8x128xf32> to vector<1xf32>
      %reduce_sum3A_46 = vector.shape_cast %reduce_sum3A_45 : vector<1xf32> to vector<1x1x1xf32>
      %reduce_sum3A_47 = vector.extract %reduce_sum3A_46[0, 0, 0] : f32 from vector<1x1x1xf32>
      %sub3A_48 = arith.subf %mul3A_39, %reduce_sum3A_47 : f32
      %get3A_49 = arith.constant 0 : index
      %get3A_50 = memref.load %arg11[%get3A_49] : memref<8xf32, #tpu.memory_space<smem>>
      %div3A = arith.constant 4.096000e+03 : f32
      %div3A_51 = arith.divf %get3A_50, %div3A : f32
      %get3A_52 = arith.constant 1 : index
      %get3A_53 = memref.load %arg11[%get3A_52] : memref<8xf32, #tpu.memory_space<smem>>
      %sub3A_54 = arith.subf %sub3A, %get3A_53 : f32
      %mul3A_55 = arith.constant 5.96192037E-8 : f32
      %mul3A_56 = arith.mulf %sub3A_54, %mul3A_55 : f32
      %get3A_57 = arith.constant 2 : index
      %get3A_58 = memref.load %arg11[%get3A_57] : memref<8xf32, #tpu.memory_space<smem>>
      %sub3A_59 = arith.subf %sub3A_48, %get3A_58 : f32
      %mul3A_60 = arith.constant 5.96192037E-8 : f32
      %mul3A_61 = arith.mulf %sub3A_59, %mul3A_60 : f32
      %broadcast_in_dim3A = vector.broadcast %mul3A_56 : f32 to vector<1x128xf32>
      %log3A = math.log %broadcast_in_dim3A : vector<1x128xf32>
      %broadcast_in_dim3A_62 = vector.broadcast %mul3A_61 : f32 to vector<1x128xf32>
      %log3A_63 = math.log %broadcast_in_dim3A_62 : vector<1x128xf32>
      %add3A = arith.addf %log3A, %log3A_63 : vector<1x128xf32>
      %mul3A_64 = arith.constant 5.000000e-01 : f32
      %mul3A_65 = vector.broadcast %mul3A_64 : f32 to vector<1x128xf32>
      %mul3A_66 = arith.mulf %mul3A_65, %add3A : vector<1x128xf32>
      %add3A_67 = vector.broadcast %div3A_51 : f32 to vector<1x128xf32>
      %add3A_68 = arith.addf %add3A_67, %mul3A_66 : vector<1x128xf32>
      %swap3A = arith.constant 0 : index
      %swap3A_69 = arith.constant 0 : index
      %swap3A_70 = vector.load %arg4[%swap3A, %swap3A_69] : memref<1x128xf32, #tpu.memory_space<vmem>>, vector<1x128xf32>
      tpu.vector_store %arg4[%swap3A, %swap3A_69], %add3A_68 {strides = array<i32>} : memref<1x128xf32, #tpu.memory_space<vmem>>, vector<1x128xf32>,
    } else {
    }
    return
  }
  func.func @transform_2(%arg0: i32, %arg1: i32) -> (i32, i32) {
    %c0_i32 = arith.constant 0 : i32
    %c0_i32_0 = arith.constant 0 : i32
    %c0_i32_1 = arith.constant 0 : i32
    return %c0_i32, %c0_i32_0 : i32, i32
  }
}

</mosaic_0001>

<sc_bundles>
// kernel: kernel.5.cloned.1.call-start
scs
__scs_entry_jumppad:
0x0: {  	(pc) =	sbr.rel $0x88, $3  }
0x1: {  	(tag) =	ssettag $0x0;
	lr =	simm.s32 $0x1  }
0x2: {  	[smem:$0x3F9D] =	sst lr;
	_ =	strace $0xD0000000  }
0x3: {  	_ = 	snop  }
0x4: {  	_ = 	snop  }
0x5: {  	_ = 	snop  }
0x6: {  	_ = 	snop  }
0x7: {  	_ = 	snop  }
__scs_overlays_trampoline_lowered:
0x8: {  	[smem:$0x3FAC] =	sst s0  }
0x9: {  	[smem:$0x3FAD] =	sst s1  }
0xa: {  	[smem:$0x3FAE] =	sst s2  }
0xb: {  	[smem:$0x3FAF] =	sst s3  }
0xc: {  	[smem:$0x3FB0] =	sst s4  }
0xd: {  	[smem:$0x3FB1] =	sst s5  }
0xe: {  	[smem:$0x3FB2] =	sst s6  }
0xf: {  	[smem:$0x3FB3] =	sst s7  }
0x10: {  	[smem:$0x3FB4] =	sst s8  }
0x11: {  	[smem:$0x3FB5] =	sst s9;
	s0 =	simm.s32 @!p0 $0x0  }
0x12: {  	s1 =	sld [smem:$0x3F9B];
	s0 =	simm.s32 @p0 $0x1  }
0x13: {  	[smem:$0x3FB6] =	sst s0;
	s0 =	simm.s32 @!p1 $0x0  }
0x14: {  	s2 =	sld [smem:$0x3F9A];
	s0 =	simm.s32 @p1 $0x1  }
0x15: {  	[smem:$0x3FB7] =	sst s0;
	s0 =	simm.s32 @!p2 $0x0  }
0x16: {  	s3 =	sld [smem:$0x3FDB];
	s0 =	simm.s32 @p2 $0x1  }
0x17: {  	s4 =	simm.s32 $0x1BF5;
	[smem:$0x3FB9] =	sst s0  }
0x18: {  	s0 =	sld [smem:$0x3F9C];
	_ =	swait.ge [sflag:s4], $0x0  }
0x19: {  	s7 =	sld [smem:$0x3F9D]  }
0x1a: {  	s8 =	sadd.s32 $0xFFFFE003, lr  }
0x1b: {  	s9 =	sadd.s32 $0xFFFFFEF7, lr;
	s5 =	simm.s32 $0xFFFFFFFF;
	p2 =	slt.u32 s8, $0xFFFFF086  }
0x1c: {  	p1 =	slt.u32 s9, $0xF7A;
	s5 =	simm.s32 @!p2 $0x0  }
0x1d: {  	s5 =	simm.s32 @p1 $0x1;
	p0 =	seq.s32 s7, s2  }
0x1e: {  	s7 =	smul.u32 @!p0 $0xF7A, s2;
	p2 =	seq.s32 @!p0 s5, $0x0  }
0x1f: {  	s9 =	smul.u32 $0xF7A, s1;
	s8 =	simm.s32 @!p0 $0x1BF5;
	p2 =	por !p2, p0  }
0x20: {  	[sflag:s8] =	ssyncset.s32 @!p0 $0xFFFFF086;
	s6 =	sadd.s32 @!p0 s3, s7;
	s7 =	simm.s32 @!p0 $0x108  }
0x21: {  	s3 =	sadd.s32 s3, s9;
	s6 =	sadd.s32 @!p0 $0x88, s6;
	s7 =	simm.s32 @p2 $0x1082  }
0x22: {  	[simem:s7], [sflag:s8] =	dma.local @!p0 [hbm:s6], $0xF7A  }
0x23: {  	s9 =	sor.u32 $0xD0000000, s2;
	s6 =	simm.s32 $0x108;
	_ =	swait.ge @!p0 [sflag:s8], $0x0  }
0x24: {  	s3 =	sadd.s32 $0x88, s3;
	s6 =	simm.s32 @!p1 $0x1082;
	[sflag:s4] =	ssyncset.s32 $0xFFFFF086  }
0x25: {  	[simem:s6], [sflag:s4] =	dma.local [hbm:s3], $0xF7A  }
0x26: {  	[smem:$0x3F9D] =	sst s1;
	(tag) =	ssettag s2;
	_ =	strace s9  }
0x27: {  	s1 =	sld [smem:$0x3FAD]  }
0x28: {  	s2 =	sld [smem:$0x3FAE]  }
0x29: {  	s4 =	sld [smem:$0x3FB0]  }
0x2a: {  	p0 =	seq.s32 s5, $0x0;
	s5 =	sld [smem:$0x3FB1]  }
0x2b: {  	s6 =	sld [smem:$0x3FB2]  }
0x2c: {  	s7 =	sld [smem:$0x3FB3]  }
0x2d: {  	s3 =	simm.s32 $0x108;
	s8 =	sld [smem:$0x3FB4]  }
0x2e: {  	s3 =	simm.s32 @!p0 $0x1082;
	s9 =	sld [smem:$0x3FB5]  }
0x2f: {  	lr =	sadd.s32 s0, s3;
	s0 =	sld [smem:$0x3FAC]  }
0x30: {  	s3 =	sld [smem:$0x3FAF]  }
0x31: {  	[smem:$0x3FB8] =	sst s10  }
0x32: {  	s10 =	sld [smem:$0x3FB6];
	_ =	sdelay $0x3  }
0x33: {  	p0 =	seq.s32 s10, $0x1;
	s10 =	sld [smem:$0x3FB8];
	_ =	sdelay $0x3  }
0x34: {  	[smem:$0x3FB8] =	sst s10  }
0x35: {  	s10 =	sld [smem:$0x3FB7];
	_ =	sdelay $0x3  }
0x36: {  	p1 =	seq.s32 s10, $0x1;
	s10 =	sld [smem:$0x3FB8];
	_ =	sdelay $0x3  }
0x37: {  	[smem:$0x3FB8] =	sst s10  }
0x38: {  	s10 =	sld [smem:$0x3FB9]  }
0x39: {  	_ = 	snop;
	(pc) =	sbr.ind lr, $3  }
0x3a: {  	_ = 	snop  }
0x3b: {  	_ = 	snop  }
0x3c: {  	p2 =	seq.s32 s10, $0x1;
	s10 =	sld [smem:$0x3FB8]  }
0x3d: {  	_ =	shalt  }
0x3e: {  	_ =	shalt  }
0x3f: {  	_ =	shalt  }
0x40: {  	_ =	shalt  }
0x41: {  	_ =	shalt  }
0x42: {  	_ =	shalt  }
0x43: {  	_ =	shalt  }
0x44: {  	_ =	shalt  }
0x45: {  	_ =	shalt  }
0x46: {  	_ =	shalt  }
0x47: {  	_ =	shalt  }
0x48: {  	_ =	shalt  }
0x49: {  	_ =	shalt  }
0x4a: {  	_ =	shalt  }
0x4b: {  	_ =	shalt  }
0x4c: {  	_ =	shalt  }
0x4d: {  	_ =	shalt  }
0x4e: {  	_ =	shalt  }
0x4f: {  	_ =	shalt  }
0x50: {  	_ =	shalt  }
0x51: {  	_ =	shalt  }
0x52: {  	_ =	shalt  }
0x53: {  	_ =	shalt  }
0x54: {  	_ =	shalt  }
0x55: {  	_ =	shalt  }
0x56: {  	_ =	shalt  }
0x57: {  	_ =	shalt  }
0x58: {  	_ =	shalt  }
0x59: {  	_ =	shalt  }
0x5a: {  	_ =	shalt  }
0x5b: {  	_ =	shalt  }
0x5c: {  	_ =	shalt  }
0x5d: {  	_ =	shalt  }
0x5e: {  	_ =	shalt  }
0x5f: {  	_ =	shalt  }
0x60: {  	_ =	shalt  }
0x61: {  	_ =	shalt  }
0x62: {  	_ =	shalt  }
0x63: {  	_ =	shalt  }
0x64: {  	_ =	shalt  }
0x65: {  	_ =	shalt  }
0x66: {  	_ =	shalt  }
0x67: {  	_ =	shalt  }
0x68: {  	_ =	shalt  }
0x69: {  	_ =	shalt  }
0x6a: {  	_ =	shalt  }
0x6b: {  	_ =	shalt  }
0x6c: {  	_ =	shalt  }
0x6d: {  	_ =	shalt  }
0x6e: {  	_ =	shalt  }
0x6f: {  	_ =	shalt  }
0x70: {  	_ =	shalt  }
0x71: {  	_ =	shalt  }
0x72: {  	_ =	shalt  }
0x73: {  	_ =	shalt  }
0x74: {  	_ =	shalt  }
0x75: {  	_ =	shalt  }
0x76: {  	_ =	shalt  }
0x77: {  	_ =	shalt  }
0x78: {  	_ =	shalt  }
0x79: {  	_ =	shalt  }
0x7a: {  	_ =	shalt  }
0x7b: {  	_ =	shalt  }
0x7c: {  	_ =	shalt  }
0x7d: {  	_ =	shalt  }
0x7e: {  	_ =	shalt  }
0x7f: {  	_ =	shalt  }
0x80: {  	_ =	shalt  }
0x81: {  	_ =	shalt  }
0x82: {  	_ =	shalt  }
0x83: {  	_ =	shalt  }
0x84: {  	_ =	shalt  }
0x85: {  	_ =	shalt  }
0x86: {  	_ =	shalt  }
0x87: {  	_ =	shalt  }
.Lfunc_end0:
.L_simem_size_0:
called_computation_lowered:
.L_overlay_start_0:
0x88: {  	s2 =	sld [smem:$0x3FD9]  }
0x89: {  	s3 =	sld [smem:$0x3FFE];
	_ =	sdelay $0x1  }
0x8a: {  	s1 =	srdreg.scid  }
0x8b: {  	s0 =	sand.u32 $0x1, s1  }
0x8c: {  	s17 =	sshll.u32 s0, $0xA;
	s2 =	sadd.s32 s3, s2  }
0x8d: {  	s2 =	sadd.s32 s2, s17  }
0x8e: {  	[smem:$0x3FC4] =	sst s2  }
0x8f: {  	_ = 	snop  }
0x90: {  	s2 =	sld [smem:$0x3FC9];
	(tm) =	ssettm $0x1  }
0x91: {  	s18 =	sld [smem:$0x3FFB];
	_ =	sdelay $0x3  }
0x92: {  	_ =	strace s18  }
0x93: {  	s3 =	sld [smem:$0x3FFC];
	_ =	sdelay $0x3  }
0x94: {  	_ =	strace s3  }
0x95: {  	s3 =	sld [smem:$0x3FFD];
	_ =	sdelay $0x3  }
0x96: {  	_ =	strace s3  }
0x97: {  	_ =	strace $0x8FFFFFFF  }
0x98: {  	s19 =	sld [smem:$0x3FDB];
	_ =	sdelay $0x1  }
0x99: {  	s4 =	simm.s32 $_scs_section_size  }
0x9a: {  	s5 =	simm.s32 $_size__tile_overlayer_lowered;
	s6 =	simm.s32 $_tile_overlayer_lowered  }
0x9b: {  	s22 =	simm.s32 $0x1BFF;
	s21 =	sshll.u32 s6, $0x1;
	s3 =	sadd.s32 s4, s19  }
0x9c: {  	s7 =	simm.s32 $0x0;
	s20 =	sshll.u32 s5, $0x1;
	s5 =	sadd.s32 s21, s3  }
0x9d: {  	[timem:s7], [sflag:s22] =	dma.local [hbm:s5], s20  }
0x9e: {  	_ =	swait.ge [sflag:s22], s20  }
0x9f: {  	s4 =	ssub.s32 $0x0, s20;
	[sflag:s22] =	ssyncset.done $0x0  }
0xa0: {  	[sflag:s22] =	ssyncadd.s32 s4;
	_ =	sdelay $0x1  }
0xa1: {  	s23 =	simm.s32 $0x1B8B  }
0xa2: {  	_ =	swait.ge [sflag:s23], $0x1  }
0xa3: {  	[sflag:s23] =	ssyncset.done $0x0  }
0xa4: {  	s25 =	simm.s32 $0x1B8E;
	s24 =	sld [smem:$0x3FFE];
	[sflag:s23] =	ssyncadd.s32 $0xFFFFFFFF  }
0xa5: {  	s26 =	simm.s32 $execute0_lowered;
	[smem:$0x3FD2] =	sst s25  }
0xa6: {  	s5 =	sshll.u32 s26, $0x1;
	_ =	strace $0x80000046;
	[dreg:$0x1] =	wrdreg $0xFFFFFFFF  }
0xa7: {  	s28 =	simm.s32 $_size_execute0_lowered;
	s3 =	sadd.s32 s3, s5;
	[dreg:$0x0] =	wrdreg $0x0  }
0xa8: {  	s5 =	sshll.u32 s28, $0x1;
	[dreg:$0x2] =	wrdreg s3  }
0xa9: {  	[dreg:$0x3] =	wrdreg s5  }
0xaa: {  	[dreg:$0x4] =	wrdreg $0xC0  }
0xab: {  	_ =	task [dreg:s7], $0x5FFFF  }
0xac: {  	[dreg:$0x1] =	wrdreg $0xFFFFFFFF  }
0xad: {  	[dreg:$0x0] =	wrdreg $0x60  }
0xae: {  	[dreg:$0x2] =	wrdreg s2  }
0xaf: {  	[dreg:$0x3] =	wrdreg s24  }
0xb0: {  	[dreg:$0x4] =	wrdreg $0x9  }
0xb1: {  	_ =	task.clear_ibuf [dreg:s7], $0x5FFFF;
	_ =	strace $0x90000046  }
0xb2: {  	s29 =	simm.s32 $0x9;
	_ =	strace $0x80000048  }
0xb3: {  	_ =	swait.ge [sflag:s29], $0x1  }
0xb4: {  	[sflag:s29] =	ssyncadd.s32 $0xFFFFFFFF  }
0xb5: {  	_ =	strace $0x90000048  }
0xb6: {  	_ =	sfence  }
0xb7: {  	s30 =	sld [smem:$0x0];
	_ =	sdelay $0x2  }
0xb8: {  	s31 =	sshll.u32 s1, $0xD;
	s1 =	sshrl.u32 s1, $0x2  }
0xb9: {  	s3 =	sand.u32 $0x4000, s31;
	s1 =	sadd.s32 s1, s30  }
0xba: {  	s0 =	sor.u32 s3, s0;
	s1 =	sshll.u32 s1, $0x11  }
0xbb: {  	s0 =	sor.u32 s1, s0  }
0xbc: {  	s0 =	sadd.s32 $0x8F2B, s0  }
0xbd: {  	[sflag:s0] =	ssyncadd.remote.s32 $0x1  }
0xbe: {  	_ =	sfence.sel $0xFFFF  }
0xbf: {  	[dreg:$0x0] =	wrdreg $0xFFFFFFFF;
	(pc) =	sbr.abs _section_cstart, $3  }
0xc0: {  	[dreg:$0x1] =	wrdreg $0xFFFFFFFF  }
0xc1: {  	_ =	task.clear_ibuf [dreg:s7], $0x2FFFF;
	_ =	strace $0x9FFFFFFF  }
0xc2: {  	(tm) =	ssettm $0x7FFFFFFF  }
0xc3: {  	_ =	shalt  }
tec
execute0_lowered:
.L_overlay_start_1:
0x0: {  	(tag) =	ssettag $0x1  }
0x1: {  	s4 =	rddreg [dreg:$0x0]  }
0x2: {  	s5 =	rddreg [dreg:$0x1];
	s3 =	srdreg.scid  }
0x3: {  	s2 =	simm.s32 $0x0;
	s0 =	stileid.u32;
	s3 =	sand.u32 $0x1, s3  }
0x4: {  	[smem:$0x7FF] =	sst s2;
	s6 =	sshll.u32 s0, $0x8;
	s7 =	sshll.u32 s3, $0x7  }
0x5: {  	_ =	strace $0x80000047;
	s31 =	ssub.s32 $0x2, s3;
	s6 =	sor.u32 s7, s6  }
0x6: {  	s3 =	sadd.s32 $0x2800, s5;
	s9 =	sshrl.u32 s31, $0x1;
	s8 =	sshll.u32 s6, $0x4  }
0x7: {  	s7 =	ssub.s32 s31, s9;
	s6 =	sshrl.u32 s6, $0x3;
	s9 =	simm.s32 $0x0  }
0x8: {  	s5 =	sadd.s32 s8, s5;
	s4 =	sadd.s32 s4, s6;
	s6 =	smax.u32 s7, $0x1  }
0x9: {  	s7 =	simm.s32 $0x2;
	s8 =	simm.s32 $0x1;
	s5 =	sadd.s32 $0x189200, s5  }
.LBB2_1:
0xa: {  	s10 =	simm.s32 $0x4000  }
0xb: {  	[tilespmem:s10], [sflag:$0x2] =	stream.linear.gather [hbm4b:s4+s2], $0x80, $0x38;
	[tilespmem:$0x4080] =	vst v63  }
0xc: {  	_ =	swait.ge [sflag:s7], $0x80  }
0xd: {  	[sflag:s7] =	ssyncset.done $0x0  }
0xe: {  	[sflag:s7] =	ssyncadd.s32 $0xFFFFFF80  }
0xf: {  	v0 =	vld [tilespmem:s10+$0x0];
	_ =	sdelay $0x4  }
0x10: {  	v0 =	vshll.u32 v0, $0x4  }
0x11: {  	(v2sf) =	vpush v0, $0x2  }
0x12: {  	(v2sf) =	vpush v0, $0x0  }
0x13: {  	(v2sf) =	vpush v0, $0x1  }
0x14: {  	(v2sf) =	vpush v0, $0x3;
	_ =	sdelay $0x1  }
0x15: {  	(v2sf) =	vpush v0, $0x4  }
0x16: {  	(v2sf) =	vpush v0, $0x5;
	_ =	sdelay $0x1  }
0x17: {  	(v2sf) =	vpush v0, $0x6;
	_ =	sdelay $0x1  }
0x18: {  	p0 =	por $0x1, $0x1;
	(v2sf) =	vpush v0, $0x7  }
0x19: {  	s16 =	simm.s32 $0x0;
	s11 =	simm.s32 $0x4000;
	s17 =	simm.s32 $0x180  }
0x1a: {  	s12 =	simm.s32 $0x780;
	s18 =	simm.s32 $0x300;
	s15 =	simm.s32 $0x480  }
0x1b: {  	s19 =	simm.s32 $0x80;
	s13 =	simm.s32 $0x500;
	p6 =	por $0x0, $0x0  }
0x1c: {  	s14 =	simm.s32 $0x580;
	s20 =	simm.s32 $0x100;
	s22 =	simm.s32 $0x200;
	(v2sf) =	vpush v0, $0x8  }
0x1d: {  	s23 =	simm.s32 $0x380;
	s25 =	simm.s32 $0x280;
	s21 =	spop (v2sf)  }
0x1e: {  	p1 =	por p0, p0;
	p0 =	por p6, p6;
	(v2sf) =	vpush v0, $0x9;
	s24 =	spop (v2sf)  }
0x1f: {  	p1 =	por p1, p1;
	s24 =	sand.u32 $0x1FFFFFF0, s24;
	s26 =	spop (v2sf)  }
0x20: {  	s10 =	simm.s32 $0x600;
	s24 =	sadd.s32 s3, s24;
	s29 =	spop (v2sf)  }
0x21: {  	[tilespmem:s16], [sflag:$0x1] =	stream.linear.gather [hbm4b:s24+s2], $0x80, $0x38;
	[tilespmem:$0x4080] =	vst v63  }
0x22: {  	s21 =	sand.u32 $0x1FFFFFF0, s21;
	(v2sf) =	vpush v0, $0xA;
	s26 =	sand.u32 $0x1FFFFFF0, s26;
	s31 =	spop (v2sf)  }
0x23: {  	s21 =	sadd.s32 s3, s21;
	s26 =	sadd.s32 s3, s26;
	s1 =	spop (v2sf)  }
0x24: {  	(v2sf) =	vpush v0, $0xB;
	[tilespmem:s19], [sflag:$0x1] =	stream.linear.gather [hbm4b:s26+s2], $0x80, $0x38;
	[tilespmem:$0x4080] =	vst v63  }
0x25: {  	s16 =	simm.s32 $0x400;
	s30 =	sand.u32 $0x1FFFFFF0, s29;
	s24 =	spop (v2sf)  }
0x26: {  	(v2sf) =	vpush v0, $0xC;
	[tilespmem:s20], [sflag:$0x1] =	stream.linear.gather [hbm4b:s21+s2], $0x80, $0x38;
	[tilespmem:$0x4080] =	vst v63  }
0x27: {  	s0 =	sand.u32 $0x1FFFFFF0, s31;
	s19 =	sadd.s32 s3, s30;
	s26 =	spop (v2sf)  }
0x28: {  	(v2sf) =	vpush v0, $0xD;
	[tilespmem:s17], [sflag:$0x1] =	stream.linear.gather [hbm4b:s19+s2], $0x80, $0x38;
	[tilespmem:$0x4080] =	vst v63  }
0x29: {  	s21 =	sand.u32 $0x1FFFFFF0, s1;
	s20 =	sadd.s32 s3, s0;
	s28 =	sand.u32 $0x1FFFFFF0, s26  }
0x2a: {  	(v2sf) =	vpush v0, $0xE;
	[tilespmem:s22], [sflag:$0x1] =	stream.linear.gather [hbm4b:s20+s2], $0x80, $0x38;
	[tilespmem:$0x4080] =	vst v63  }
0x2b: {  	s29 =	spop (v2sf);
	s19 =	sand.u32 $0x1FFFFFF0, s24;
	s17 =	sadd.s32 s3, s21  }
0x2c: {  	(v2sf) =	vpush v0, $0xF;
	[tilespmem:s25], [sflag:$0x1] =	stream.linear.gather [hbm4b:s17+s2], $0x80, $0x38;
	[tilespmem:$0x4080] =	vst v63  }
0x2d: {  	s30 =	sand.u32 $0x1FFFFFF0, s29;
	s19 =	sadd.s32 s3, s19;
	s31 =	spop (v2sf)  }
0x2e: {  	[tilespmem:s18], [sflag:$0x1] =	stream.linear.gather [hbm4b:s19+s2], $0x80, $0x38;
	[tilespmem:$0x4080] =	vst v63  }
0x2f: {  	s29 =	simm.s32 $0x680;
	s17 =	sadd.s32 s3, s28;
	s0 =	sand.u32 $0x1FFFFFF0, s31  }
0x30: {  	[tilespmem:s23], [sflag:$0x1] =	stream.linear.gather [hbm4b:s17+s2], $0x80, $0x38;
	[tilespmem:$0x4080] =	vst v63  }
0x31: {  	s1 =	spop (v2sf);
	s18 =	sadd.s32 s3, s30;
	s30 =	simm.s32 $0x700  }
0x32: {  	[tilespmem:s16], [sflag:$0x1] =	stream.linear.gather [hbm4b:s18+s2], $0x80, $0x38;
	[tilespmem:$0x4080] =	vst v63  }
0x33: {  	s19 =	sand.u32 $0x1FFFFFF0, s1;
	s20 =	spop (v2sf);
	s17 =	sadd.s32 s3, s0  }
0x34: {  	[tilespmem:s15], [sflag:$0x1] =	stream.linear.gather [hbm4b:s17+s2], $0x80, $0x38;
	[tilespmem:$0x4080] =	vst v63  }
0x35: {  	s21 =	sand.u32 $0x1FFFFFF0, s20;
	s22 =	spop (v2sf);
	s16 =	sadd.s32 s3, s19  }
0x36: {  	[tilespmem:s13], [sflag:$0x1] =	stream.linear.gather [hbm4b:s16+s2], $0x80, $0x38;
	[tilespmem:$0x4080] =	vst v63  }
0x37: {  	s23 =	sand.u32 $0x1FFFFFF0, s22;
	s24 =	spop (v2sf);
	s15 =	sadd.s32 s3, s21  }
0x38: {  	[tilespmem:s14], [sflag:$0x1] =	stream.linear.gather [hbm4b:s15+s2], $0x80, $0x38;
	[tilespmem:$0x4080] =	vst v63  }
0x39: {  	s25 =	sand.u32 $0x1FFFFFF0, s24;
	s26 =	spop (v2sf);
	s13 =	sadd.s32 s3, s23  }
0x3a: {  	[tilespmem:s10], [sflag:$0x1] =	stream.linear.gather [hbm4b:s13+s2], $0x80, $0x38;
	[tilespmem:$0x4080] =	vst v63  }
0x3b: {  	s28 =	sand.u32 $0x1FFFFFF0, s26;
	s31 =	spop (v2sf);
	s14 =	sadd.s32 s3, s25  }
0x3c: {  	[tilespmem:s29], [sflag:$0x1] =	stream.linear.gather [hbm4b:s14+s2], $0x80, $0x38;
	[tilespmem:$0x4080] =	vst v63  }
0x3d: {  	s16 =	simm.s32 @!p1 $0x1;
	s10 =	sadd.s32 s3, s28;
	s14 =	sand.u32 $0x1FFFFFF0, s31  }
0x3e: {  	[tilespmem:s30], [sflag:$0x1] =	stream.linear.gather [hbm4b:s10+s2], $0x80, $0x38;
	[tilespmem:$0x4080] =	vst v63  }
0x3f: {  	s13 =	simm.s32 $0x4010;
	s15 =	sadd.s32 s3, s14;
	s10 =	simm.s32 $0x800  }
.LBB2_2:
0x40: {  	s22 =	sadd.s32 $0x180, s10  }
0x41: {  	s21 =	sadd.s32 $0x780, s10;
	s14 =	smov.u32 s11;
	s11 =	sadd.s32 $0x2000, s11  }
0x42: {  	[tilespmem:s12], [sflag:$0x1] =	stream.linear.gather [hbm4b:s15+s2], $0x80, $0x38;
	[tilespmem:$0x4080] =	vst v63  }
0x43: {  	s20 =	sadd.s32 $0x300, s10;
	s18 =	sadd.s32 $0x480, s10;
	_ =	swait.ge @!p1 [sflag:s16], $0x800  }
0x44: {  	s24 =	sadd.s32 $0x80, s10;
	s17 =	sadd.s32 $0x500, s10;
	[sflag:s16] =	ssyncset.done @!p1 $0x0  }
0x45: {  	p3 =	seq.s32 s14, $0x0;
	s15 =	sadd.s32 $0x600, s10;
	[sflag:s16] =	ssyncadd.s32 @!p1 $0xFFFFF800  }
0x46: {  	s19 =	sadd.s32 $0x580, s10;
	p2 =	sne.s32 s11, $0x10000;
	s12 =	smov.u32 s21;
	v0 =	vld [tilespmem:s13+$0x0]  }
0x47: {  	s26 =	sadd.s32 $0x100, s10;
	p1 =	por p0, p0;
	p0 =	por p3, p3  }
0x48: {  	_ =	sdelay $0x1  }
0x49: {  	s23 =	sadd.s32 $0x200, s10  }
0x4a: {  	v0 =	vshll.u32 v0, $0x4  }
0x4b: {  	(v2sf) =	vpush v0, $0x2  }
0x4c: {  	(v2sf) =	vpush v0, $0x0  }
0x4d: {  	(v2sf) =	vpush v0, $0x1  }
0x4e: {  	(v2sf) =	vpush v0, $0x3;
	_ =	sdelay $0x1  }
0x4f: {  	(v2sf) =	vpush v0, $0x4;
	_ =	sdelay $0x1  }
0x50: {  	(v2sf) =	vpush v0, $0x5;
	_ =	sdelay $0x1  }
0x51: {  	(v2sf) =	vpush v0, $0x6;
	_ =	sdelay $0x1  }
0x52: {  	(v2sf) =	vpush v0, $0x7;
	_ =	sdelay $0x1  }
0x53: {  	s25 =	sadd.s32 $0x380, s10;
	(v2sf) =	vpush v0, $0x8  }
0x54: {  	s28 =	sadd.s32 $0x280, s10  }
0x55: {  	s16 =	simm.s32 @!p1 $0x1;
	s13 =	sadd.s32 $0x10, s13;
	s21 =	spop (v2sf);
	(v2sf) =	vpush v0, $0x9  }
0x56: {  	s29 =	sand.u32 $0x1FFFFFF0, s21;
	s21 =	sadd.s32 $0x700, s10;
	s30 =	spop (v2sf)  }
0x57: {  	s31 =	sadd.s32 $0x400, s10;
	s30 =	sand.u32 $0x1FFFFFF0, s30;
	s0 =	spop (v2sf);
	(v2sf) =	vpush v0, $0xA  }
0x58: {  	s30 =	sadd.s32 s3, s30;
	s0 =	sand.u32 $0x1FFFFFF0, s0;
	s1 =	spop (v2sf)  }
0x59: {  	[tilespmem:s10], [sflag:$0x1] =	stream.linear.gather [hbm4b:s30+s2], $0x80, $0x38;
	(v2sf) =	vpush v0, $0xB;
	[tilespmem:$0x4080] =	vst v63  }
0x5a: {  	s0 =	sadd.s32 s3, s0;
	s1 =	sand.u32 $0x1FFFFFF0, s1;
	s30 =	spop (v2sf)  }
0x5b: {  	[tilespmem:s24], [sflag:$0x1] =	stream.linear.gather [hbm4b:s0+s2], $0x80, $0x38;
	(v2sf) =	vpush v0, $0xC;
	[tilespmem:$0x4080] =	vst v63  }
0x5c: {  	s0 =	sadd.s32 s3, s29;
	s24 =	sand.u32 $0x1FFFFFF0, s30;
	s29 =	spop (v2sf)  }
0x5d: {  	[tilespmem:s26], [sflag:$0x1] =	stream.linear.gather [hbm4b:s0+s2], $0x80, $0x38;
	(v2sf) =	vpush v0, $0xD;
	[tilespmem:$0x4080] =	vst v63  }
0x5e: {  	s0 =	sadd.s32 s3, s1;
	s1 =	sand.u32 $0x1FFFFFF0, s29;
	s26 =	spop (v2sf)  }
0x5f: {  	[tilespmem:s22], [sflag:$0x1] =	stream.linear.gather [hbm4b:s0+s2], $0x80, $0x38;
	(v2sf) =	vpush v0, $0xE;
	[tilespmem:$0x4080] =	vst v63  }
0x60: {  	s0 =	sadd.s32 s3, s24;
	s22 =	sand.u32 $0x1FFFFFF0, s26;
	s24 =	spop (v2sf)  }
0x61: {  	[tilespmem:s23], [sflag:$0x1] =	stream.linear.gather [hbm4b:s0+s2], $0x80, $0x38;
	(v2sf) =	vpush v0, $0xF;
	[tilespmem:$0x4080] =	vst v63  }
0x62: {  	s0 =	sadd.s32 s3, s1;
	s1 =	sand.u32 $0x1FFFFFF0, s24;
	s23 =	spop (v2sf)  }
0x63: {  	[tilespmem:s28], [sflag:$0x1] =	stream.linear.gather [hbm4b:s0+s2], $0x80, $0x38;
	[tilespmem:$0x4080] =	vst v63  }
0x64: {  	s0 =	sadd.s32 s3, s22;
	s22 =	sand.u32 $0x1FFFFFF0, s23;
	s23 =	spop (v2sf)  }
0x65: {  	[tilespmem:s20], [sflag:$0x1] =	stream.linear.gather [hbm4b:s0+s2], $0x80, $0x38;
	[tilespmem:$0x4080] =	vst v63  }
0x66: {  	s0 =	sadd.s32 s3, s1;
	s1 =	sand.u32 $0x1FFFFFF0, s23;
	s20 =	spop (v2sf)  }
0x67: {  	[tilespmem:s25], [sflag:$0x1] =	stream.linear.gather [hbm4b:s0+s2], $0x80, $0x38;
	[tilespmem:$0x4080] =	vst v63  }
0x68: {  	s0 =	sadd.s32 s3, s22;
	s20 =	sand.u32 $0x1FFFFFF0, s20;
	s22 =	spop (v2sf)  }
0x69: {  	[tilespmem:s31], [sflag:$0x1] =	stream.linear.gather [hbm4b:s0+s2], $0x80, $0x38;
	[tilespmem:$0x4080] =	vst v63  }
0x6a: {  	s0 =	sadd.s32 s3, s1;
	s1 =	sand.u32 $0x1FFFFFF0, s22;
	s22 =	spop (v2sf)  }
0x6b: {  	[tilespmem:s18], [sflag:$0x1] =	stream.linear.gather [hbm4b:s0+s2], $0x80, $0x38;
	[tilespmem:$0x4080] =	vst v63  }
0x6c: {  	s0 =	sadd.s32 s3, s20;
	s18 =	sand.u32 $0x1FFFFFF0, s22;
	s20 =	spop (v2sf)  }
0x6d: {  	[tilespmem:s17], [sflag:$0x1] =	stream.linear.gather [hbm4b:s0+s2], $0x80, $0x38;
	[tilespmem:$0x4080] =	vst v63  }
0x6e: {  	s0 =	sadd.s32 s3, s1;
	s1 =	sand.u32 $0x1FFFFFF0, s20;
	s17 =	spop (v2sf)  }
0x6f: {  	[tilespmem:s19], [sflag:$0x1] =	stream.linear.gather [hbm4b:s0+s2], $0x80, $0x38;
	[tilespmem:$0x4080] =	vst v63  }
0x70: {  	s0 =	sadd.s32 s3, s18;
	s17 =	sand.u32 $0x1FFFFFF0, s17;
	s18 =	spop (v2sf)  }
0x71: {  	[tilespmem:s15], [sflag:$0x1] =	stream.linear.gather [hbm4b:s0+s2], $0x80, $0x38;
	[tilespmem:$0x4080] =	vst v63  }
.Ltmp0:
0x72: {  	_ = 	snop;
	(pc) =	sbr.rel @p2 .LBB2_2-.Ltmp0, $4  }
0x73: {  	s1 =	sadd.s32 s3, s1;
	s0 =	sadd.s32 $0x680, s10;
	s15 =	sand.u32 $0x1FFFFFF0, s18  }
0x74: {  	[tilespmem:s0], [sflag:$0x1] =	stream.linear.gather [hbm4b:s1+s2], $0x80, $0x38;
	[tilespmem:$0x4080] =	vst v63  }
0x75: {  	s10 =	sshra.s32 s14, $0x2;
	s15 =	sadd.s32 s3, s15;
	s0 =	sadd.s32 s3, s17  }
0x76: {  	[tilespmem:s21], [sflag:$0x1] =	stream.linear.gather [hbm4b:s0+s2], $0x80, $0x38;
	[tilespmem:$0x4080] =	vst v63  }
0x77: {  	[tilespmem:s12], [sflag:$0x1] =	stream.linear.gather [hbm4b:s15+s2], $0x80, $0x38;
	[tilespmem:$0x4080] =	vst v63  }
0x78: {  	_ =	swait.ge @!p1 [sflag:s16], $0x800  }
0x79: {  	[sflag:s16] =	ssyncset.done @!p1 $0x0  }
0x7a: {  	[sflag:s16] =	ssyncadd.s32 @!p1 $0xFFFFF800  }
0x7b: {  	v0 =	vld [tilespmem:s13+$0x0];
	_ =	sdelay $0x4  }
0x7c: {  	v0 =	vshll.u32 v0, $0x4  }
0x7d: {  	(v2sf) =	vpush v0, $0x2;
	_ =	sdelay $0x1  }
0x7e: {  	(v2sf) =	vpush v0, $0x0;
	_ =	sdelay $0x1  }
0x7f: {  	(v2sf) =	vpush v0, $0x1;
	_ =	sdelay $0x3  }
0x80: {  	(v2sf) =	vpush v0, $0x3;
	_ =	sdelay $0x4  }
0x81: {  	(v2sf) =	vpush v0, $0x4;
	_ =	sdelay $0x1  }
0x82: {  	s0 =	spop (v2sf);
	(v2sf) =	vpush v0, $0x5;
	_ =	sdelay $0x1  }
0x83: {  	s1 =	spop (v2sf);
	(v2sf) =	vpush v0, $0x6;
	_ =	sdelay $0x1  }
0x84: {  	s11 =	spop (v2sf);
	(v2sf) =	vpush v0, $0x7  }
0x85: {  	s1 =	sand.u32 $0x1FFFFFF0, s1  }
0x86: {  	s23 =	sadd.s32 $0x80, s10;
	s1 =	sadd.s32 s3, s1;
	s11 =	sand.u32 $0x1FFFFFF0, s11  }
0x87: {  	[tilespmem:s10], [sflag:$0x1] =	stream.linear.gather [hbm4b:s1+s2], $0x80, $0x38;
	[tilespmem:$0x4080] =	vst v63  }
0x88: {  	s0 =	sand.u32 $0x1FFFFFF0, s0;
	s25 =	spop (v2sf);
	s11 =	sadd.s32 s3, s11  }
0x89: {  	(v2sf) =	vpush v0, $0x8;
	[tilespmem:s23], [sflag:$0x1] =	stream.linear.gather [hbm4b:s11+s2], $0x80, $0x38;
	[tilespmem:$0x4080] =	vst v63  }
0x8a: {  	s24 =	sadd.s32 $0x100, s10;
	s0 =	sadd.s32 s3, s0  }
0x8b: {  	[tilespmem:s24], [sflag:$0x1] =	stream.linear.gather [hbm4b:s0+s2], $0x80, $0x38;
	[tilespmem:$0x4080] =	vst v63  }
0x8c: {  	s0 =	sand.u32 $0x1FFFFFF0, s25  }
0x8d: {  	s26 =	sadd.s32 $0x180, s10;
	s28 =	spop (v2sf);
	s0 =	sadd.s32 s3, s0  }
0x8e: {  	[tilespmem:s26], [sflag:$0x1] =	stream.linear.gather [hbm4b:s0+s2], $0x80, $0x38;
	[tilespmem:$0x4080] =	vst v63  }
0x8f: {  	s30 =	spop (v2sf);
	(v2sf) =	vpush v0, $0x9  }
0x90: {  	s0 =	sand.u32 $0x1FFFFFF0, s28  }
0x91: {  	s29 =	sadd.s32 $0x200, s10;
	s0 =	sadd.s32 s3, s0;
	s11 =	spop (v2sf);
	(v2sf) =	vpush v0, $0xA  }
0x92: {  	[tilespmem:s29], [sflag:$0x1] =	stream.linear.gather [hbm4b:s0+s2], $0x80, $0x38;
	[tilespmem:$0x4080] =	vst v63  }
0x93: {  	s13 =	spop (v2sf);
	(v2sf) =	vpush v0, $0xB  }
0x94: {  	s0 =	sand.u32 $0x1FFFFFF0, s30  }
0x95: {  	s31 =	sadd.s32 $0x280, s10;
	s0 =	sadd.s32 s3, s0  }
0x96: {  	[tilespmem:s31], [sflag:$0x1] =	stream.linear.gather [hbm4b:s0+s2], $0x80, $0x38;
	[tilespmem:$0x4080] =	vst v63  }
0x97: {  	s0 =	sand.u32 $0x1FFFFFF0, s11  }
0x98: {  	s12 =	sadd.s32 $0x300, s10;
	s15 =	spop (v2sf);
	s0 =	sadd.s32 s3, s0  }
0x99: {  	(v2sf) =	vpush v0, $0xC;
	[tilespmem:s12], [sflag:$0x1] =	stream.linear.gather [hbm4b:s0+s2], $0x80, $0x38;
	[tilespmem:$0x4080] =	vst v63  }
0x9a: {  	s0 =	sand.u32 $0x1FFFFFF0, s13  }
0x9b: {  	s14 =	sadd.s32 $0x380, s10;
	s0 =	sadd.s32 s3, s0  }
0x9c: {  	[tilespmem:s14], [sflag:$0x1] =	stream.linear.gather [hbm4b:s0+s2], $0x80, $0x38;
	[tilespmem:$0x4080] =	vst v63  }
0x9d: {  	s0 =	sand.u32 $0x1FFFFFF0, s15  }
0x9e: {  	s16 =	sadd.s32 $0x400, s10;
	s0 =	sadd.s32 s3, s0;
	s17 =	spop (v2sf);
	(v2sf) =	vpush v0, $0xD  }
0x9f: {  	[tilespmem:s16], [sflag:$0x1] =	stream.linear.gather [hbm4b:s0+s2], $0x80, $0x38;
	[tilespmem:$0x4080] =	vst v63  }
0xa0: {  	s19 =	spop (v2sf);
	(v2sf) =	vpush v0, $0xE  }
0xa1: {  	s0 =	sand.u32 $0x1FFFFFF0, s17  }
0xa2: {  	s18 =	sadd.s32 $0x480, s10;
	s0 =	sadd.s32 s3, s0;
	s21 =	spop (v2sf)  }
0xa3: {  	(v2sf) =	vpush v0, $0xF;
	[tilespmem:s18], [sflag:$0x1] =	stream.linear.gather [hbm4b:s0+s2], $0x80, $0x38;
	[tilespmem:$0x4080] =	vst v63  }
0xa4: {  	s0 =	sand.u32 $0x1FFFFFF0, s19  }
0xa5: {  	s20 =	sadd.s32 $0x500, s10;
	s0 =	sadd.s32 s3, s0  }
0xa6: {  	[tilespmem:s20], [sflag:$0x1] =	stream.linear.gather [hbm4b:s0+s2], $0x80, $0x38;
	[tilespmem:$0x4080] =	vst v63  }
0xa7: {  	s0 =	sand.u32 $0x1FFFFFF0, s21  }
0xa8: {  	s22 =	sadd.s32 $0x580, s10;
	s23 =	spop (v2sf);
	s0 =	sadd.s32 s3, s0  }
0xa9: {  	[tilespmem:s22], [sflag:$0x1] =	stream.linear.gather [hbm4b:s0+s2], $0x80, $0x38;
	[tilespmem:$0x4080] =	vst v63  }
0xaa: {  	s0 =	sand.u32 $0x1FFFFFF0, s23  }
0xab: {  	s24 =	sadd.s32 $0x600, s10;
	s0 =	sadd.s32 s3, s0  }
0xac: {  	[tilespmem:s24], [sflag:$0x1] =	stream.linear.gather [hbm4b:s0+s2], $0x80, $0x38;
	[tilespmem:$0x4080] =	vst v63  }
0xad: {  	s25 =	spop (v2sf)  }
0xae: {  	s0 =	sand.u32 $0x1FFFFFF0, s25  }
0xaf: {  	s26 =	sadd.s32 $0x680, s10;
	s28 =	spop (v2sf);
	s0 =	sadd.s32 s3, s0  }
0xb0: {  	[tilespmem:s26], [sflag:$0x1] =	stream.linear.gather [hbm4b:s0+s2], $0x80, $0x38;
	[tilespmem:$0x4080] =	vst v63  }
0xb1: {  	s0 =	sand.u32 $0x1FFFFFF0, s28  }
0xb2: {  	s29 =	sadd.s32 $0x700, s10;
	s30 =	spop (v2sf);
	s0 =	sadd.s32 s3, s0  }
0xb3: {  	[tilespmem:s29], [sflag:$0x1] =	stream.linear.gather [hbm4b:s0+s2], $0x80, $0x38;
	[tilespmem:$0x4080] =	vst v63  }
0xb4: {  	s0 =	sand.u32 $0x1FFFFFF0, s30  }
0xb5: {  	p0 =	por p0, p0;
	s31 =	sadd.s32 $0x780, s10;
	s0 =	sadd.s32 s3, s0  }
0xb6: {  	[tilespmem:s31], [sflag:$0x1] =	stream.linear.gather [hbm4b:s0+s2], $0x80, $0x38;
	[tilespmem:$0x4080] =	vst v63  }
0xb7: {  	s0 =	simm.s32 @!p0 $0x1  }
0xb8: {  	_ =	swait.ge @!p0 [sflag:s0], $0x800  }
0xb9: {  	[sflag:s0] =	ssyncset.done @!p0 $0x0  }
0xba: {  	[sflag:s0] =	ssyncadd.s32 @!p0 $0xFFFFF800  }
0xbb: {  	s9 =	sadd.s32 $0x1, s9;
	_ =	swait.ge [sflag:s8], $0x800  }
0xbc: {  	p0 =	sne.s32 s9, s6;
	[sflag:s8] =	ssyncset.done $0x0  }
.Ltmp1:
0xbd: {  	[sflag:s8] =	ssyncadd.s32 $0xFFFFF800;
	(pc) =	sbr.rel @p0 .LBB2_1-.Ltmp1, $4  }
0xbe: {  	[hbm4b:s5+s2] =	stream.linear.scatter [tilespmem:s2], [sflag:$0x2], $0x4000, $0x38;
	[tilespmem:$0x4080] =	vst v63  }
0xbf: {  	_ =	swait.ge [sflag:s7], $0x4000  }
0xc0: {  	[sflag:s7] =	ssyncset.done $0x0  }
0xc1: {  	[sflag:s7] =	ssyncadd.s32 $0xFFFFC000  }
0xc2: {  	_ =	sfence.sel $0x180000  }
0xc3: {  	[bflag:$0x0] =	sbarrier.arrive $0xFFFF  }
0xc4: {  	_ =	strace $0x90000047  }
0xc5: {  	s0 =	stileid.u32;
	[bflag:$0x2] =	sbarrier.arrive $0xFFFF  }
0xc6: {  	p0 =	sne.s32 s0, $0x0;
	s0 =	rddreg [dreg:$0x2]  }
0xc7: {  	s0 =	sadd.s32 @!p0 $0x100000, s0  }
0xc8: {  	[sflag:s0] =	ssyncadd.tile.s32 @!p0 $0x1;
	_ =	shalt  }
.Lfunc_end2:
_tile_overlayer_lowered:
.L_overlay_start_2:
0xc9: {  	(tag) =	ssettag $0x2  }
0xca: {  	s0 =	rddreg [dreg:$0x0];
	s2 =	stileid.u32  }
0xcb: {  	s1 =	rddreg [dreg:$0x1];
	p0 =	sne.s32 s2, $0x0  }
0xcc: {  	s3 =	rddreg [dreg:$0x2];
	[bflag:$0x3] =	sbarrier.arrive $0xFFFF;
	s2 =	simm.s32 @!p0 $0x1C02  }
0xcd: {  	[timem:s3], [sflag:s2] =	dma.local @!p0 [hbm:s0], s1  }
0xce: {  	s0 =	simm.s32 @!p0 $0x2  }
0xcf: {  	_ =	swait.ge @!p0 [sflag:s0], s1  }
0xd0: {  	s1 =	ssub.s32 @!p0 $0x0, s1;
	[sflag:s0] =	ssyncset.done @!p0 $0x0  }
0xd1: {  	[sflag:s0] =	ssyncadd.s32 @!p0 s1  }
0xd2: {  	[bflag:$0x3] =	sbarrier.arrive $0xFFFF  }
0xd3: {  	_ =	shalt  }

// kernel: kernel.8.cloned.1.call-start
scs
__scs_entry_jumppad:
0x0: {  	(pc) =	sbr.rel $0x88, $3  }
0x1: {  	(tag) =	ssettag $0x0;
	lr =	simm.s32 $0x1  }
0x2: {  	[smem:$0x3F9D] =	sst lr;
	_ =	strace $0xD0000000  }
0x3: {  	_ = 	snop  }
0x4: {  	_ = 	snop  }
0x5: {  	_ = 	snop  }
0x6: {  	_ = 	snop  }
0x7: {  	_ = 	snop  }
__scs_overlays_trampoline_lowered:
0x8: {  	[smem:$0x3FAC] =	sst s0  }
0x9: {  	[smem:$0x3FAD] =	sst s1  }
0xa: {  	[smem:$0x3FAE] =	sst s2  }
0xb: {  	[smem:$0x3FAF] =	sst s3  }
0xc: {  	[smem:$0x3FB0] =	sst s4  }
0xd: {  	[smem:$0x3FB1] =	sst s5  }
0xe: {  	[smem:$0x3FB2] =	sst s6  }
0xf: {  	[smem:$0x3FB3] =	sst s7  }
0x10: {  	[smem:$0x3FB4] =	sst s8  }
0x11: {  	[smem:$0x3FB5] =	sst s9;
	s0 =	simm.s32 @!p0 $0x0  }
0x12: {  	s1 =	sld [smem:$0x3F9B];
	s0 =	simm.s32 @p0 $0x1  }
0x13: {  	[smem:$0x3FB6] =	sst s0;
	s0 =	simm.s32 @!p1 $0x0  }
0x14: {  	s2 =	sld [smem:$0x3F9A];
	s0 =	simm.s32 @p1 $0x1  }
0x15: {  	[smem:$0x3FB7] =	sst s0;
	s0 =	simm.s32 @!p2 $0x0  }
0x16: {  	s3 =	sld [smem:$0x3FDB];
	s0 =	simm.s32 @p2 $0x1  }
0x17: {  	s4 =	simm.s32 $0x1BF5;
	[smem:$0x3FB9] =	sst s0  }
0x18: {  	s0 =	sld [smem:$0x3F9C];
	_ =	swait.ge [sflag:s4], $0x0  }
0x19: {  	s7 =	sld [smem:$0x3F9D]  }
0x1a: {  	s8 =	sadd.s32 $0xFFFFE003, lr  }
0x1b: {  	s9 =	sadd.s32 $0xFFFFFEF7, lr;
	s5 =	simm.s32 $0xFFFFFFFF;
	p2 =	slt.u32 s8, $0xFFFFF086  }
0x1c: {  	p1 =	slt.u32 s9, $0xF7A;
	s5 =	simm.s32 @!p2 $0x0  }
0x1d: {  	s5 =	simm.s32 @p1 $0x1;
	p0 =	seq.s32 s7, s2  }
0x1e: {  	s7 =	smul.u32 @!p0 $0xF7A, s2;
	p2 =	seq.s32 @!p0 s5, $0x0  }
0x1f: {  	s9 =	smul.u32 $0xF7A, s1;
	s8 =	simm.s32 @!p0 $0x1BF5;
	p2 =	por !p2, p0  }
0x20: {  	[sflag:s8] =	ssyncset.s32 @!p0 $0xFFFFF086;
	s6 =	sadd.s32 @!p0 s3, s7;
	s7 =	simm.s32 @!p0 $0x108  }
0x21: {  	s3 =	sadd.s32 s3, s9;
	s6 =	sadd.s32 @!p0 $0x88, s6;
	s7 =	simm.s32 @p2 $0x1082  }
0x22: {  	[simem:s7], [sflag:s8] =	dma.local @!p0 [hbm:s6], $0xF7A  }
0x23: {  	s9 =	sor.u32 $0xD0000000, s2;
	s6 =	simm.s32 $0x108;
	_ =	swait.ge @!p0 [sflag:s8], $0x0  }
0x24: {  	s3 =	sadd.s32 $0x88, s3;
	s6 =	simm.s32 @!p1 $0x1082;
	[sflag:s4] =	ssyncset.s32 $0xFFFFF086  }
0x25: {  	[simem:s6], [sflag:s4] =	dma.local [hbm:s3], $0xF7A  }
0x26: {  	[smem:$0x3F9D] =	sst s1;
	(tag) =	ssettag s2;
	_ =	strace s9  }
0x27: {  	s1 =	sld [smem:$0x3FAD]  }
0x28: {  	s2 =	sld [smem:$0x3FAE]  }
0x29: {  	s4 =	sld [smem:$0x3FB0]  }
0x2a: {  	p0 =	seq.s32 s5, $0x0;
	s5 =	sld [smem:$0x3FB1]  }
0x2b: {  	s6 =	sld [smem:$0x3FB2]  }
0x2c: {  	s7 =	sld [smem:$0x3FB3]  }
0x2d: {  	s3 =	simm.s32 $0x108;
	s8 =	sld [smem:$0x3FB4]  }
0x2e: {  	s3 =	simm.s32 @!p0 $0x1082;
	s9 =	sld [smem:$0x3FB5]  }
0x2f: {  	lr =	sadd.s32 s0, s3;
	s0 =	sld [smem:$0x3FAC]  }
0x30: {  	s3 =	sld [smem:$0x3FAF]  }
0x31: {  	[smem:$0x3FB8] =	sst s10  }
0x32: {  	s10 =	sld [smem:$0x3FB6];
	_ =	sdelay $0x3  }
0x33: {  	p0 =	seq.s32 s10, $0x1;
	s10 =	sld [smem:$0x3FB8];
	_ =	sdelay $0x3  }
0x34: {  	[smem:$0x3FB8] =	sst s10  }
0x35: {  	s10 =	sld [smem:$0x3FB7];
	_ =	sdelay $0x3  }
0x36: {  	p1 =	seq.s32 s10, $0x1;
	s10 =	sld [smem:$0x3FB8];
	_ =	sdelay $0x3  }
0x37: {  	[smem:$0x3FB8] =	sst s10  }
0x38: {  	s10 =	sld [smem:$0x3FB9]  }
0x39: {  	_ = 	snop;
	(pc) =	sbr.ind lr, $3  }
0x3a: {  	_ = 	snop  }
0x3b: {  	_ = 	snop  }
0x3c: {  	p2 =	seq.s32 s10, $0x1;
	s10 =	sld [smem:$0x3FB8]  }
0x3d: {  	_ =	shalt  }
0x3e: {  	_ =	shalt  }
0x3f: {  	_ =	shalt  }
0x40: {  	_ =	shalt  }
0x41: {  	_ =	shalt  }
0x42: {  	_ =	shalt  }
0x43: {  	_ =	shalt  }
0x44: {  	_ =	shalt  }
0x45: {  	_ =	shalt  }
0x46: {  	_ =	shalt  }
0x47: {  	_ =	shalt  }
0x48: {  	_ =	shalt  }
0x49: {  	_ =	shalt  }
0x4a: {  	_ =	shalt  }
0x4b: {  	_ =	shalt  }
0x4c: {  	_ =	shalt  }
0x4d: {  	_ =	shalt  }
0x4e: {  	_ =	shalt  }
0x4f: {  	_ =	shalt  }
0x50: {  	_ =	shalt  }
0x51: {  	_ =	shalt  }
0x52: {  	_ =	shalt  }
0x53: {  	_ =	shalt  }
0x54: {  	_ =	shalt  }
0x55: {  	_ =	shalt  }
0x56: {  	_ =	shalt  }
0x57: {  	_ =	shalt  }
0x58: {  	_ =	shalt  }
0x59: {  	_ =	shalt  }
0x5a: {  	_ =	shalt  }
0x5b: {  	_ =	shalt  }
0x5c: {  	_ =	shalt  }
0x5d: {  	_ =	shalt  }
0x5e: {  	_ =	shalt  }
0x5f: {  	_ =	shalt  }
0x60: {  	_ =	shalt  }
0x61: {  	_ =	shalt  }
0x62: {  	_ =	shalt  }
0x63: {  	_ =	shalt  }
0x64: {  	_ =	shalt  }
0x65: {  	_ =	shalt  }
0x66: {  	_ =	shalt  }
0x67: {  	_ =	shalt  }
0x68: {  	_ =	shalt  }
0x69: {  	_ =	shalt  }
0x6a: {  	_ =	shalt  }
0x6b: {  	_ =	shalt  }
0x6c: {  	_ =	shalt  }
0x6d: {  	_ =	shalt  }
0x6e: {  	_ =	shalt  }
0x6f: {  	_ =	shalt  }
0x70: {  	_ =	shalt  }
0x71: {  	_ =	shalt  }
0x72: {  	_ =	shalt  }
0x73: {  	_ =	shalt  }
0x74: {  	_ =	shalt  }
0x75: {  	_ =	shalt  }
0x76: {  	_ =	shalt  }
0x77: {  	_ =	shalt  }
0x78: {  	_ =	shalt  }
0x79: {  	_ =	shalt  }
0x7a: {  	_ =	shalt  }
0x7b: {  	_ =	shalt  }
0x7c: {  	_ =	shalt  }
0x7d: {  	_ =	shalt  }
0x7e: {  	_ =	shalt  }
0x7f: {  	_ =	shalt  }
0x80: {  	_ =	shalt  }
0x81: {  	_ =	shalt  }
0x82: {  	_ =	shalt  }
0x83: {  	_ =	shalt  }
0x84: {  	_ =	shalt  }
0x85: {  	_ =	shalt  }
0x86: {  	_ =	shalt  }
0x87: {  	_ =	shalt  }
.Lfunc_end0:
.L_simem_size_0:
called_computation.1_lowered:
.L_overlay_start_0:
0x88: {  	s2 =	sld [smem:$0x3FD9]  }
0x89: {  	s3 =	sld [smem:$0x3FFE];
	_ =	sdelay $0x1  }
0x8a: {  	s1 =	srdreg.scid  }
0x8b: {  	s0 =	sand.u32 $0x1, s1  }
0x8c: {  	s17 =	sshll.u32 s0, $0xA;
	s2 =	sadd.s32 s3, s2  }
0x8d: {  	s2 =	sadd.s32 s2, s17  }
0x8e: {  	[smem:$0x3FC4] =	sst s2  }
0x8f: {  	_ = 	snop  }
0x90: {  	s18 =	sld [smem:$0x3FC8];
	(tm) =	ssettm $0x1  }
0x91: {  	s19 =	sld [smem:$0x3FFB];
	_ =	sdelay $0x3  }
0x92: {  	_ =	strace s19  }
0x93: {  	s2 =	sld [smem:$0x3FFC];
	_ =	sdelay $0x3  }
0x94: {  	_ =	strace s2  }
0x95: {  	s2 =	sld [smem:$0x3FFD];
	_ =	sdelay $0x3  }
0x96: {  	_ =	strace s2  }
0x97: {  	_ =	strace $0x8FFFFFFF  }
0x98: {  	s20 =	sld [smem:$0x3FDB];
	_ =	sdelay $0x1  }
0x99: {  	s4 =	simm.s32 $_scs_section_size  }
0x9a: {  	s5 =	simm.s32 $_size__tile_overlayer_lowered;
	s6 =	simm.s32 $_tile_overlayer_lowered  }
0x9b: {  	s7 =	simm.s32 $0x1BFF;
	s21 =	sshll.u32 s6, $0x1;
	s4 =	sadd.s32 s4, s20  }
0x9c: {  	s22 =	simm.s32 $0x0;
	s5 =	sshll.u32 s5, $0x1;
	s6 =	sadd.s32 s21, s4  }
0x9d: {  	[timem:s22], [sflag:s7] =	dma.local [hbm:s6], s5  }
0x9e: {  	_ =	swait.ge [sflag:s7], s5  }
0x9f: {  	s5 =	ssub.s32 $0x0, s5;
	[sflag:s7] =	ssyncset.done $0x0  }
0xa0: {  	[sflag:s7] =	ssyncadd.s32 s5;
	_ =	sdelay $0x1  }
0xa1: {  	s23 =	simm.s32 $0x1B8B  }
0xa2: {  	_ =	swait.ge [sflag:s23], $0x1  }
0xa3: {  	[sflag:s23] =	ssyncset.done $0x0  }
0xa4: {  	[sflag:s23] =	ssyncadd.s32 $0xFFFFFFFF  }
0xa5: {  	s5 =	sld [smem:$0x0]  }
0xa6: {  	s6 =	sand.u32 $0xFFFFFFFE, s1  }
0xa7: {  	p0 =	sne.s32 s1, s6  }
0xa8: {  	s6 =	sshll.u32 @p0 s6, $0xE  }
0xa9: {  	s6 =	sadd.s32 @p0 $0x11B8D, s6;
	s7 =	sshll.u32 @p0 s5, $0x11  }
0xaa: {  	s6 =	sor.u32 @p0 s7, s6  }
0xab: {  	[sflag:s6] =	ssyncadd.remote.s32 @p0 $0x1;
	_ =	sdelay $0x1  }
0xac: {  	s6 =	simm.s32 @p0 $0x1B8D  }
0xad: {  	_ =	swait.eq @p0 [sflag:s6], $0x1  }
0xae: {  	[sflag:s6] =	ssyncadd.s32 @p0 $0xFFFFFFFF  }
0xaf: {  	s7 =	sshll.u32 @!p0 s1, $0xE  }
0xb0: {  	s7 =	sor.u32 @!p0 $0x4000, s7;
	s6 =	simm.s32 @!p0 $0x1B8D  }
0xb1: {  	s5 =	sshll.u32 @!p0 s5, $0x11;
	s7 =	sadd.s32 @!p0 $0x11B8D, s7;
	_ =	swait.eq @!p0 [sflag:s6], $0x1  }
0xb2: {  	s5 =	sor.u32 @!p0 s5, s7;
	[sflag:s6] =	ssyncadd.s32 @!p0 $0xFFFFFFFF  }
0xb3: {  	s25 =	simm.s32 $0x1B8E;
	s24 =	sld [smem:$0x3FFE];
	[sflag:s5] =	ssyncadd.remote.s32 @!p0 $0x1  }
0xb4: {  	s26 =	simm.s32 $execute0_lowered;
	[smem:$0x3FD2] =	sst s25  }
0xb5: {  	s6 =	sshll.u32 s26, $0x1;
	_ =	strace $0x80000049;
	[dreg:$0x1] =	wrdreg $0xFFFFFFFF  }
0xb6: {  	s28 =	simm.s32 $_size_execute0_lowered;
	s4 =	sadd.s32 s4, s6;
	[dreg:$0x0] =	wrdreg $0x0  }
0xb7: {  	s6 =	sshll.u32 s28, $0x1;
	[dreg:$0x2] =	wrdreg s4  }
0xb8: {  	[dreg:$0x3] =	wrdreg s6  }
0xb9: {  	[dreg:$0x4] =	wrdreg $0xC0  }
0xba: {  	_ =	task [dreg:s22], $0x5FFFF  }
0xbb: {  	[dreg:$0x1] =	wrdreg $0xFFFFFFFF  }
0xbc: {  	[dreg:$0x0] =	wrdreg $0x60  }
0xbd: {  	[dreg:$0x2] =	wrdreg s18  }
0xbe: {  	[dreg:$0x3] =	wrdreg s24  }
0xbf: {  	[dreg:$0x4] =	wrdreg $0xA  }
0xc0: {  	_ =	task.clear_ibuf [dreg:s22], $0x5FFFF;
	_ =	strace $0x90000049  }
0xc1: {  	s29 =	simm.s32 $0xA;
	_ =	strace $0x8000004B  }
0xc2: {  	_ =	swait.ge [sflag:s29], $0x1  }
0xc3: {  	[sflag:s29] =	ssyncadd.s32 $0xFFFFFFFF  }
0xc4: {  	_ =	strace $0x9000004B  }
0xc5: {  	_ =	sfence  }
0xc6: {  	s30 =	sld [smem:$0x0];
	_ =	sdelay $0x2  }
0xc7: {  	s31 =	sshll.u32 s1, $0xD;
	s1 =	sshrl.u32 s1, $0x2  }
0xc8: {  	s4 =	sand.u32 $0x4000, s31;
	s1 =	sadd.s32 s1, s30  }
0xc9: {  	s0 =	sor.u32 s4, s0;
	s1 =	sshll.u32 s1, $0x11  }
0xca: {  	s0 =	sor.u32 s1, s0  }
0xcb: {  	s0 =	sadd.s32 $0x8F2B, s0  }
0xcc: {  	[sflag:s0] =	ssyncadd.remote.s32 $0x1  }
0xcd: {  	_ =	sfence.sel $0xFFFF  }
0xce: {  	[dreg:$0x0] =	wrdreg $0xFFFFFFFF;
	(pc) =	sbr.abs _section_cstart, $3  }
0xcf: {  	[dreg:$0x1] =	wrdreg $0xFFFFFFFF  }
0xd0: {  	_ =	task.clear_ibuf [dreg:s22], $0x2FFFF;
	_ =	strace $0x9FFFFFFF  }
0xd1: {  	(tm) =	ssettm $0x7FFFFFFF  }
tec
execute0_lowered:
.L_overlay_start_1:
0x0: {  	(tag) =	ssettag $0x1  }
0x1: {  	s4 =	rddreg [dreg:$0x0]  }
0x2: {  	s5 =	rddreg [dreg:$0x1];
	s3 =	srdreg.scid  }
0x3: {  	s2 =	simm.s32 $0x0;
	s0 =	stileid.u32;
	s3 =	sand.u32 $0x1, s3  }
0x4: {  	[smem:$0x7FF] =	sst s2;
	s6 =	sshll.u32 s0, $0x8;
	s7 =	sshll.u32 s3, $0x7  }
0x5: {  	_ =	strace $0x8000004A;
	s31 =	ssub.s32 $0x2, s3;
	s6 =	sor.u32 s7, s6  }
0x6: {  	s3 =	sadd.s32 $0x199200, s5;
	s9 =	sshrl.u32 s31, $0x1;
	s8 =	sshll.u32 s6, $0x4  }
0x7: {  	s7 =	ssub.s32 s31, s9;
	s6 =	sshrl.u32 s6, $0x3;
	s9 =	simm.s32 $0x0  }
0x8: {  	s5 =	sadd.s32 s8, s5;
	s4 =	sadd.s32 s4, s6;
	s6 =	smax.u32 s7, $0x1  }
0x9: {  	s7 =	simm.s32 $0x2;
	s8 =	simm.s32 $0x1;
	s5 =	sadd.s32 $0x31FC00, s5  }
.LBB2_1:
0xa: {  	s10 =	simm.s32 $0x4000  }
0xb: {  	[tilespmem:s10], [sflag:$0x2] =	stream.linear.gather [hbm4b:s4+s2], $0x80, $0x38;
	[tilespmem:$0x4080] =	vst v63  }
0xc: {  	_ =	swait.ge [sflag:s7], $0x80  }
0xd: {  	[sflag:s7] =	ssyncset.done $0x0  }
0xe: {  	[sflag:s7] =	ssyncadd.s32 $0xFFFFFF80  }
0xf: {  	v0 =	vld [tilespmem:s10+$0x0];
	_ =	sdelay $0x4  }
0x10: {  	v0 =	vshll.u32 v0, $0x4  }
0x11: {  	(v2sf) =	vpush v0, $0x2  }
0x12: {  	(v2sf) =	vpush v0, $0x0  }
0x13: {  	(v2sf) =	vpush v0, $0x1  }
0x14: {  	(v2sf) =	vpush v0, $0x3;
	_ =	sdelay $0x1  }
0x15: {  	(v2sf) =	vpush v0, $0x4  }
0x16: {  	(v2sf) =	vpush v0, $0x5;
	_ =	sdelay $0x1  }
0x17: {  	(v2sf) =	vpush v0, $0x6;
	_ =	sdelay $0x1  }
0x18: {  	p0 =	por $0x1, $0x1;
	(v2sf) =	vpush v0, $0x7  }
0x19: {  	s16 =	simm.s32 $0x0;
	s11 =	simm.s32 $0x4000;
	s17 =	simm.s32 $0x180  }
0x1a: {  	s12 =	simm.s32 $0x780;
	s18 =	simm.s32 $0x300;
	s15 =	simm.s32 $0x480  }
0x1b: {  	s19 =	simm.s32 $0x80;
	s13 =	simm.s32 $0x500;
	p6 =	por $0x0, $0x0  }
0x1c: {  	s14 =	simm.s32 $0x580;
	s20 =	simm.s32 $0x100;
	s22 =	simm.s32 $0x200;
	(v2sf) =	vpush v0, $0x8  }
0x1d: {  	s23 =	simm.s32 $0x380;
	s25 =	simm.s32 $0x280;
	s21 =	spop (v2sf)  }
0x1e: {  	p1 =	por p0, p0;
	p0 =	por p6, p6;
	(v2sf) =	vpush v0, $0x9;
	s24 =	spop (v2sf)  }
0x1f: {  	p1 =	por p1, p1;
	s24 =	sand.u32 $0x1FFFFFF0, s24;
	s26 =	spop (v2sf)  }
0x20: {  	s10 =	simm.s32 $0x600;
	s24 =	sadd.s32 s3, s24;
	s29 =	spop (v2sf)  }
0x21: {  	[tilespmem:s16], [sflag:$0x1] =	stream.linear.gather [hbm4b:s24+s2], $0x80, $0x38;
	[tilespmem:$0x4080] =	vst v63  }
0x22: {  	s21 =	sand.u32 $0x1FFFFFF0, s21;
	(v2sf) =	vpush v0, $0xA;
	s26 =	sand.u32 $0x1FFFFFF0, s26;
	s31 =	spop (v2sf)  }
0x23: {  	s21 =	sadd.s32 s3, s21;
	s26 =	sadd.s32 s3, s26;
	s1 =	spop (v2sf)  }
0x24: {  	(v2sf) =	vpush v0, $0xB;
	[tilespmem:s19], [sflag:$0x1] =	stream.linear.gather [hbm4b:s26+s2], $0x80, $0x38;
	[tilespmem:$0x4080] =	vst v63  }
0x25: {  	s16 =	simm.s32 $0x400;
	s30 =	sand.u32 $0x1FFFFFF0, s29;
	s24 =	spop (v2sf)  }
0x26: {  	(v2sf) =	vpush v0, $0xC;
	[tilespmem:s20], [sflag:$0x1] =	stream.linear.gather [hbm4b:s21+s2], $0x80, $0x38;
	[tilespmem:$0x4080] =	vst v63  }
0x27: {  	s0 =	sand.u32 $0x1FFFFFF0, s31;
	s19 =	sadd.s32 s3, s30;
	s26 =	spop (v2sf)  }
0x28: {  	(v2sf) =	vpush v0, $0xD;
	[tilespmem:s17], [sflag:$0x1] =	stream.linear.gather [hbm4b:s19+s2], $0x80, $0x38;
	[tilespmem:$0x4080] =	vst v63  }
0x29: {  	s21 =	sand.u32 $0x1FFFFFF0, s1;
	s20 =	sadd.s32 s3, s0;
	s28 =	sand.u32 $0x1FFFFFF0, s26  }
0x2a: {  	(v2sf) =	vpush v0, $0xE;
	[tilespmem:s22], [sflag:$0x1] =	stream.linear.gather [hbm4b:s20+s2], $0x80, $0x38;
	[tilespmem:$0x4080] =	vst v63  }
0x2b: {  	s29 =	spop (v2sf);
	s19 =	sand.u32 $0x1FFFFFF0, s24;
	s17 =	sadd.s32 s3, s21  }
0x2c: {  	(v2sf) =	vpush v0, $0xF;
	[tilespmem:s25], [sflag:$0x1] =	stream.linear.gather [hbm4b:s17+s2], $0x80, $0x38;
	[tilespmem:$0x4080] =	vst v63  }
0x2d: {  	s30 =	sand.u32 $0x1FFFFFF0, s29;
	s19 =	sadd.s32 s3, s19;
	s31 =	spop (v2sf)  }
0x2e: {  	[tilespmem:s18], [sflag:$0x1] =	stream.linear.gather [hbm4b:s19+s2], $0x80, $0x38;
	[tilespmem:$0x4080] =	vst v63  }
0x2f: {  	s29 =	simm.s32 $0x680;
	s17 =	sadd.s32 s3, s28;
	s0 =	sand.u32 $0x1FFFFFF0, s31  }
0x30: {  	[tilespmem:s23], [sflag:$0x1] =	stream.linear.gather [hbm4b:s17+s2], $0x80, $0x38;
	[tilespmem:$0x4080] =	vst v63  }
0x31: {  	s1 =	spop (v2sf);
	s18 =	sadd.s32 s3, s30;
	s30 =	simm.s32 $0x700  }
0x32: {  	[tilespmem:s16], [sflag:$0x1] =	stream.linear.gather [hbm4b:s18+s2], $0x80, $0x38;
	[tilespmem:$0x4080] =	vst v63  }
0x33: {  	s19 =	sand.u32 $0x1FFFFFF0, s1;
	s20 =	spop (v2sf);
	s17 =	sadd.s32 s3, s0  }
0x34: {  	[tilespmem:s15], [sflag:$0x1] =	stream.linear.gather [hbm4b:s17+s2], $0x80, $0x38;
	[tilespmem:$0x4080] =	vst v63  }
0x35: {  	s21 =	sand.u32 $0x1FFFFFF0, s20;
	s22 =	spop (v2sf);
	s16 =	sadd.s32 s3, s19  }
0x36: {  	[tilespmem:s13], [sflag:$0x1] =	stream.linear.gather [hbm4b:s16+s2], $0x80, $0x38;
	[tilespmem:$0x4080] =	vst v63  }
0x37: {  	s23 =	sand.u32 $0x1FFFFFF0, s22;
	s24 =	spop (v2sf);
	s15 =	sadd.s32 s3, s21  }
0x38: {  	[tilespmem:s14], [sflag:$0x1] =	stream.linear.gather [hbm4b:s15+s2], $0x80, $0x38;
	[tilespmem:$0x4080] =	vst v63  }
0x39: {  	s25 =	sand.u32 $0x1FFFFFF0, s24;
	s26 =	spop (v2sf);
	s13 =	sadd.s32 s3, s23  }
0x3a: {  	[tilespmem:s10], [sflag:$0x1] =	stream.linear.gather [hbm4b:s13+s2], $0x80, $0x38;
	[tilespmem:$0x4080] =	vst v63  }
0x3b: {  	s28 =	sand.u32 $0x1FFFFFF0, s26;
	s31 =	spop (v2sf);
	s14 =	sadd.s32 s3, s25  }
0x3c: {  	[tilespmem:s29], [sflag:$0x1] =	stream.linear.gather [hbm4b:s14+s2], $0x80, $0x38;
	[tilespmem:$0x4080] =	vst v63  }
0x3d: {  	s16 =	simm.s32 @!p1 $0x1;
	s10 =	sadd.s32 s3, s28;
	s14 =	sand.u32 $0x1FFFFFF0, s31  }
0x3e: {  	[tilespmem:s30], [sflag:$0x1] =	stream.linear.gather [hbm4b:s10+s2], $0x80, $0x38;
	[tilespmem:$0x4080] =	vst v63  }
0x3f: {  	s13 =	simm.s32 $0x4010;
	s15 =	sadd.s32 s3, s14;
	s10 =	simm.s32 $0x800  }
.LBB2_2:
0x40: {  	s22 =	sadd.s32 $0x180, s10  }
0x41: {  	s21 =	sadd.s32 $0x780, s10;
	s14 =	smov.u32 s11;
	s11 =	sadd.s32 $0x2000, s11  }
0x42: {  	[tilespmem:s12], [sflag:$0x1] =	stream.linear.gather [hbm4b:s15+s2], $0x80, $0x38;
	[tilespmem:$0x4080] =	vst v63  }
0x43: {  	s20 =	sadd.s32 $0x300, s10;
	s18 =	sadd.s32 $0x480, s10;
	_ =	swait.ge @!p1 [sflag:s16], $0x800  }
0x44: {  	s24 =	sadd.s32 $0x80, s10;
	s17 =	sadd.s32 $0x500, s10;
	[sflag:s16] =	ssyncset.done @!p1 $0x0  }
0x45: {  	p3 =	seq.s32 s14, $0x0;
	s15 =	sadd.s32 $0x600, s10;
	[sflag:s16] =	ssyncadd.s32 @!p1 $0xFFFFF800  }
0x46: {  	s19 =	sadd.s32 $0x580, s10;
	p2 =	sne.s32 s11, $0x10000;
	s12 =	smov.u32 s21;
	v0 =	vld [tilespmem:s13+$0x0]  }
0x47: {  	s26 =	sadd.s32 $0x100, s10;
	p1 =	por p0, p0;
	p0 =	por p3, p3  }
0x48: {  	_ =	sdelay $0x1  }
0x49: {  	s23 =	sadd.s32 $0x200, s10  }
0x4a: {  	v0 =	vshll.u32 v0, $0x4  }
0x4b: {  	(v2sf) =	vpush v0, $0x2  }
0x4c: {  	(v2sf) =	vpush v0, $0x0  }
0x4d: {  	(v2sf) =	vpush v0, $0x1  }
0x4e: {  	(v2sf) =	vpush v0, $0x3;
	_ =	sdelay $0x1  }
0x4f: {  	(v2sf) =	vpush v0, $0x4;
	_ =	sdelay $0x1  }
0x50: {  	(v2sf) =	vpush v0, $0x5;
	_ =	sdelay $0x1  }
0x51: {  	(v2sf) =	vpush v0, $0x6;
	_ =	sdelay $0x1  }
0x52: {  	(v2sf) =	vpush v0, $0x7;
	_ =	sdelay $0x1  }
0x53: {  	s25 =	sadd.s32 $0x380, s10;
	(v2sf) =	vpush v0, $0x8  }
0x54: {  	s28 =	sadd.s32 $0x280, s10  }
0x55: {  	s16 =	simm.s32 @!p1 $0x1;
	s13 =	sadd.s32 $0x10, s13;
	s21 =	spop (v2sf);
	(v2sf) =	vpush v0, $0x9  }
0x56: {  	s29 =	sand.u32 $0x1FFFFFF0, s21;
	s21 =	sadd.s32 $0x700, s10;
	s30 =	spop (v2sf)  }
0x57: {  	s31 =	sadd.s32 $0x400, s10;
	s30 =	sand.u32 $0x1FFFFFF0, s30;
	s0 =	spop (v2sf);
	(v2sf) =	vpush v0, $0xA  }
0x58: {  	s30 =	sadd.s32 s3, s30;
	s0 =	sand.u32 $0x1FFFFFF0, s0;
	s1 =	spop (v2sf)  }
0x59: {  	[tilespmem:s10], [sflag:$0x1] =	stream.linear.gather [hbm4b:s30+s2], $0x80, $0x38;
	(v2sf) =	vpush v0, $0xB;
	[tilespmem:$0x4080] =	vst v63  }
0x5a: {  	s0 =	sadd.s32 s3, s0;
	s1 =	sand.u32 $0x1FFFFFF0, s1;
	s30 =	spop (v2sf)  }
0x5b: {  	[tilespmem:s24], [sflag:$0x1] =	stream.linear.gather [hbm4b:s0+s2], $0x80, $0x38;
	(v2sf) =	vpush v0, $0xC;
	[tilespmem:$0x4080] =	vst v63  }
0x5c: {  	s0 =	sadd.s32 s3, s29;
	s24 =	sand.u32 $0x1FFFFFF0, s30;
	s29 =	spop (v2sf)  }
0x5d: {  	[tilespmem:s26], [sflag:$0x1] =	stream.linear.gather [hbm4b:s0+s2], $0x80, $0x38;
	(v2sf) =	vpush v0, $0xD;
	[tilespmem:$0x4080] =	vst v63  }
0x5e: {  	s0 =	sadd.s32 s3, s1;
	s1 =	sand.u32 $0x1FFFFFF0, s29;
	s26 =	spop (v2sf)  }
0x5f: {  	[tilespmem:s22], [sflag:$0x1] =	stream.linear.gather [hbm4b:s0+s2], $0x80, $0x38;
	(v2sf) =	vpush v0, $0xE;
	[tilespmem:$0x4080] =	vst v63  }
0x60: {  	s0 =	sadd.s32 s3, s24;
	s22 =	sand.u32 $0x1FFFFFF0, s26;
	s24 =	spop (v2sf)  }
0x61: {  	[tilespmem:s23], [sflag:$0x1] =	stream.linear.gather [hbm4b:s0+s2], $0x80, $0x38;
	(v2sf) =	vpush v0, $0xF;
	[tilespmem:$0x4080] =	vst v63  }
0x62: {  	s0 =	sadd.s32 s3, s1;
	s1 =	sand.u32 $0x1FFFFFF0, s24;
	s23 =	spop (v2sf)  }
0x63: {  	[tilespmem:s28], [sflag:$0x1] =	stream.linear.gather [hbm4b:s0+s2], $0x80, $0x38;
	[tilespmem:$0x4080] =	vst v63  }
0x64: {  	s0 =	sadd.s32 s3, s22;
	s22 =	sand.u32 $0x1FFFFFF0, s23;
	s23 =	spop (v2sf)  }
0x65: {  	[tilespmem:s20], [sflag:$0x1] =	stream.linear.gather [hbm4b:s0+s2], $0x80, $0x38;
	[tilespmem:$0x4080] =	vst v63  }
0x66: {  	s0 =	sadd.s32 s3, s1;
	s1 =	sand.u32 $0x1FFFFFF0, s23;
	s20 =	spop (v2sf)  }
0x67: {  	[tilespmem:s25], [sflag:$0x1] =	stream.linear.gather [hbm4b:s0+s2], $0x80, $0x38;
	[tilespmem:$0x4080] =	vst v63  }
0x68: {  	s0 =	sadd.s32 s3, s22;
	s20 =	sand.u32 $0x1FFFFFF0, s20;
	s22 =	spop (v2sf)  }
0x69: {  	[tilespmem:s31], [sflag:$0x1] =	stream.linear.gather [hbm4b:s0+s2], $0x80, $0x38;
	[tilespmem:$0x4080] =	vst v63  }
0x6a: {  	s0 =	sadd.s32 s3, s1;
	s1 =	sand.u32 $0x1FFFFFF0, s22;
	s22 =	spop (v2sf)  }
0x6b: {  	[tilespmem:s18], [sflag:$0x1] =	stream.linear.gather [hbm4b:s0+s2], $0x80, $0x38;
	[tilespmem:$0x4080] =	vst v63  }
0x6c: {  	s0 =	sadd.s32 s3, s20;
	s18 =	sand.u32 $0x1FFFFFF0, s22;
	s20 =	spop (v2sf)  }
0x6d: {  	[tilespmem:s17], [sflag:$0x1] =	stream.linear.gather [hbm4b:s0+s2], $0x80, $0x38;
	[tilespmem:$0x4080] =	vst v63  }
0x6e: {  	s0 =	sadd.s32 s3, s1;
	s1 =	sand.u32 $0x1FFFFFF0, s20;
	s17 =	spop (v2sf)  }
0x6f: {  	[tilespmem:s19], [sflag:$0x1] =	stream.linear.gather [hbm4b:s0+s2], $0x80, $0x38;
	[tilespmem:$0x4080] =	vst v63  }
0x70: {  	s0 =	sadd.s32 s3, s18;
	s17 =	sand.u32 $0x1FFFFFF0, s17;
	s18 =	spop (v2sf)  }
0x71: {  	[tilespmem:s15], [sflag:$0x1] =	stream.linear.gather [hbm4b:s0+s2], $0x80, $0x38;
	[tilespmem:$0x4080] =	vst v63  }
.Ltmp0:
0x72: {  	_ = 	snop;
	(pc) =	sbr.rel @p2 .LBB2_2-.Ltmp0, $4  }
0x73: {  	s1 =	sadd.s32 s3, s1;
	s0 =	sadd.s32 $0x680, s10;
	s15 =	sand.u32 $0x1FFFFFF0, s18  }
0x74: {  	[tilespmem:s0], [sflag:$0x1] =	stream.linear.gather [hbm4b:s1+s2], $0x80, $0x38;
	[tilespmem:$0x4080] =	vst v63  }
0x75: {  	s10 =	sshra.s32 s14, $0x2;
	s15 =	sadd.s32 s3, s15;
	s0 =	sadd.s32 s3, s17  }
0x76: {  	[tilespmem:s21], [sflag:$0x1] =	stream.linear.gather [hbm4b:s0+s2], $0x80, $0x38;
	[tilespmem:$0x4080] =	vst v63  }
0x77: {  	[tilespmem:s12], [sflag:$0x1] =	stream.linear.gather [hbm4b:s15+s2], $0x80, $0x38;
	[tilespmem:$0x4080] =	vst v63  }
0x78: {  	_ =	swait.ge @!p1 [sflag:s16], $0x800  }
0x79: {  	[sflag:s16] =	ssyncset.done @!p1 $0x0  }
0x7a: {  	[sflag:s16] =	ssyncadd.s32 @!p1 $0xFFFFF800  }
0x7b: {  	v0 =	vld [tilespmem:s13+$0x0];
	_ =	sdelay $0x4  }
0x7c: {  	v0 =	vshll.u32 v0, $0x4  }
0x7d: {  	(v2sf) =	vpush v0, $0x2;
	_ =	sdelay $0x1  }
0x7e: {  	(v2sf) =	vpush v0, $0x0;
	_ =	sdelay $0x1  }
0x7f: {  	(v2sf) =	vpush v0, $0x1;
	_ =	sdelay $0x3  }
0x80: {  	(v2sf) =	vpush v0, $0x3;
	_ =	sdelay $0x4  }
0x81: {  	(v2sf) =	vpush v0, $0x4;
	_ =	sdelay $0x1  }
0x82: {  	s0 =	spop (v2sf);
	(v2sf) =	vpush v0, $0x5;
	_ =	sdelay $0x1  }
0x83: {  	s1 =	spop (v2sf);
	(v2sf) =	vpush v0, $0x6;
	_ =	sdelay $0x1  }
0x84: {  	s11 =	spop (v2sf);
	(v2sf) =	vpush v0, $0x7  }
0x85: {  	s1 =	sand.u32 $0x1FFFFFF0, s1  }
0x86: {  	s23 =	sadd.s32 $0x80, s10;
	s1 =	sadd.s32 s3, s1;
	s11 =	sand.u32 $0x1FFFFFF0, s11  }
0x87: {  	[tilespmem:s10], [sflag:$0x1] =	stream.linear.gather [hbm4b:s1+s2], $0x80, $0x38;
	[tilespmem:$0x4080] =	vst v63  }
0x88: {  	s0 =	sand.u32 $0x1FFFFFF0, s0;
	s25 =	spop (v2sf);
	s11 =	sadd.s32 s3, s11  }
0x89: {  	(v2sf) =	vpush v0, $0x8;
	[tilespmem:s23], [sflag:$0x1] =	stream.linear.gather [hbm4b:s11+s2], $0x80, $0x38;
	[tilespmem:$0x4080] =	vst v63  }
0x8a: {  	s24 =	sadd.s32 $0x100, s10;
	s0 =	sadd.s32 s3, s0  }
0x8b: {  	[tilespmem:s24], [sflag:$0x1] =	stream.linear.gather [hbm4b:s0+s2], $0x80, $0x38;
	[tilespmem:$0x4080] =	vst v63  }
0x8c: {  	s0 =	sand.u32 $0x1FFFFFF0, s25  }
0x8d: {  	s26 =	sadd.s32 $0x180, s10;
	s28 =	spop (v2sf);
	s0 =	sadd.s32 s3, s0  }
0x8e: {  	[tilespmem:s26], [sflag:$0x1] =	stream.linear.gather [hbm4b:s0+s2], $0x80, $0x38;
	[tilespmem:$0x4080] =	vst v63  }
0x8f: {  	s30 =	spop (v2sf);
	(v2sf) =	vpush v0, $0x9  }
0x90: {  	s0 =	sand.u32 $0x1FFFFFF0, s28  }
0x91: {  	s29 =	sadd.s32 $0x200, s10;
	s0 =	sadd.s32 s3, s0;
	s11 =	spop (v2sf);
	(v2sf) =	vpush v0, $0xA  }
0x92: {  	[tilespmem:s29], [sflag:$0x1] =	stream.linear.gather [hbm4b:s0+s2], $0x80, $0x38;
	[tilespmem:$0x4080] =	vst v63  }
0x93: {  	s13 =	spop (v2sf);
	(v2sf) =	vpush v0, $0xB  }
0x94: {  	s0 =	sand.u32 $0x1FFFFFF0, s30  }
0x95: {  	s31 =	sadd.s32 $0x280, s10;
	s0 =	sadd.s32 s3, s0  }
0x96: {  	[tilespmem:s31], [sflag:$0x1] =	stream.linear.gather [hbm4b:s0+s2], $0x80, $0x38;
	[tilespmem:$0x4080] =	vst v63  }
0x97: {  	s0 =	sand.u32 $0x1FFFFFF0, s11  }
0x98: {  	s12 =	sadd.s32 $0x300, s10;
	s15 =	spop (v2sf);
	s0 =	sadd.s32 s3, s0  }
0x99: {  	(v2sf) =	vpush v0, $0xC;
	[tilespmem:s12], [sflag:$0x1] =	stream.linear.gather [hbm4b:s0+s2], $0x80, $0x38;
	[tilespmem:$0x4080] =	vst v63  }
0x9a: {  	s0 =	sand.u32 $0x1FFFFFF0, s13  }
0x9b: {  	s14 =	sadd.s32 $0x380, s10;
	s0 =	sadd.s32 s3, s0  }
0x9c: {  	[tilespmem:s14], [sflag:$0x1] =	stream.linear.gather [hbm4b:s0+s2], $0x80, $0x38;
	[tilespmem:$0x4080] =	vst v63  }
0x9d: {  	s0 =	sand.u32 $0x1FFFFFF0, s15  }
0x9e: {  	s16 =	sadd.s32 $0x400, s10;
	s0 =	sadd.s32 s3, s0;
	s17 =	spop (v2sf);
	(v2sf) =	vpush v0, $0xD  }
0x9f: {  	[tilespmem:s16], [sflag:$0x1] =	stream.linear.gather [hbm4b:s0+s2], $0x80, $0x38;
	[tilespmem:$0x4080] =	vst v63  }
0xa0: {  	s19 =	spop (v2sf);
	(v2sf) =	vpush v0, $0xE  }
0xa1: {  	s0 =	sand.u32 $0x1FFFFFF0, s17  }
0xa2: {  	s18 =	sadd.s32 $0x480, s10;
	s0 =	sadd.s32 s3, s0;
	s21 =	spop (v2sf)  }
0xa3: {  	(v2sf) =	vpush v0, $0xF;
	[tilespmem:s18], [sflag:$0x1] =	stream.linear.gather [hbm4b:s0+s2], $0x80, $0x38;
	[tilespmem:$0x4080] =	vst v63  }
0xa4: {  	s0 =	sand.u32 $0x1FFFFFF0, s19  }
0xa5: {  	s20 =	sadd.s32 $0x500, s10;
	s0 =	sadd.s32 s3, s0  }
0xa6: {  	[tilespmem:s20], [sflag:$0x1] =	stream.linear.gather [hbm4b:s0+s2], $0x80, $0x38;
	[tilespmem:$0x4080] =	vst v63  }
0xa7: {  	s0 =	sand.u32 $0x1FFFFFF0, s21  }
0xa8: {  	s22 =	sadd.s32 $0x580, s10;
	s23 =	spop (v2sf);
	s0 =	sadd.s32 s3, s0  }
0xa9: {  	[tilespmem:s22], [sflag:$0x1] =	stream.linear.gather [hbm4b:s0+s2], $0x80, $0x38;
	[tilespmem:$0x4080] =	vst v63  }
0xaa: {  	s0 =	sand.u32 $0x1FFFFFF0, s23  }
0xab: {  	s24 =	sadd.s32 $0x600, s10;
	s0 =	sadd.s32 s3, s0  }
0xac: {  	[tilespmem:s24], [sflag:$0x1] =	stream.linear.gather [hbm4b:s0+s2], $0x80, $0x38;
	[tilespmem:$0x4080] =	vst v63  }
0xad: {  	s25 =	spop (v2sf)  }
0xae: {  	s0 =	sand.u32 $0x1FFFFFF0, s25  }
0xaf: {  	s26 =	sadd.s32 $0x680, s10;
	s28 =	spop (v2sf);
	s0 =	sadd.s32 s3, s0  }
0xb0: {  	[tilespmem:s26], [sflag:$0x1] =	stream.linear.gather [hbm4b:s0+s2], $0x80, $0x38;
	[tilespmem:$0x4080] =	vst v63  }
0xb1: {  	s0 =	sand.u32 $0x1FFFFFF0, s28  }
0xb2: {  	s29 =	sadd.s32 $0x700, s10;
	s30 =	spop (v2sf);
	s0 =	sadd.s32 s3, s0  }
0xb3: {  	[tilespmem:s29], [sflag:$0x1] =	stream.linear.gather [hbm4b:s0+s2], $0x80, $0x38;
	[tilespmem:$0x4080] =	vst v63  }
0xb4: {  	s0 =	sand.u32 $0x1FFFFFF0, s30  }
0xb5: {  	p0 =	por p0, p0;
	s31 =	sadd.s32 $0x780, s10;
	s0 =	sadd.s32 s3, s0  }
0xb6: {  	[tilespmem:s31], [sflag:$0x1] =	stream.linear.gather [hbm4b:s0+s2], $0x80, $0x38;
	[tilespmem:$0x4080] =	vst v63  }
0xb7: {  	s0 =	simm.s32 @!p0 $0x1  }
0xb8: {  	_ =	swait.ge @!p0 [sflag:s0], $0x800  }
0xb9: {  	[sflag:s0] =	ssyncset.done @!p0 $0x0  }
0xba: {  	[sflag:s0] =	ssyncadd.s32 @!p0 $0xFFFFF800  }
0xbb: {  	s9 =	sadd.s32 $0x1, s9;
	_ =	swait.ge [sflag:s8], $0x800  }
0xbc: {  	p0 =	sne.s32 s9, s6;
	[sflag:s8] =	ssyncset.done $0x0  }
.Ltmp1:
0xbd: {  	[sflag:s8] =	ssyncadd.s32 $0xFFFFF800;
	(pc) =	sbr.rel @p0 .LBB2_1-.Ltmp1, $4  }
0xbe: {  	[hbm4b:s5+s2] =	stream.linear.scatter [tilespmem:s2], [sflag:$0x2], $0x4000, $0x38;
	[tilespmem:$0x4080] =	vst v63  }
0xbf: {  	_ =	swait.ge [sflag:s7], $0x4000  }
0xc0: {  	[sflag:s7] =	ssyncset.done $0x0  }
0xc1: {  	[sflag:s7] =	ssyncadd.s32 $0xFFFFC000  }
0xc2: {  	_ =	sfence.sel $0x180000  }
0xc3: {  	[bflag:$0x0] =	sbarrier.arrive $0xFFFF  }
0xc4: {  	_ =	strace $0x9000004A  }
0xc5: {  	s0 =	stileid.u32;
	[bflag:$0x2] =	sbarrier.arrive $0xFFFF  }
0xc6: {  	p0 =	sne.s32 s0, $0x0;
	s0 =	rddreg [dreg:$0x2]  }
0xc7: {  	s0 =	sadd.s32 @!p0 $0x100000, s0  }
0xc8: {  	[sflag:s0] =	ssyncadd.tile.s32 @!p0 $0x1;
	_ =	shalt  }
.Lfunc_end2:
_tile_overlayer_lowered:
.L_overlay_start_2:
0xc9: {  	(tag) =	ssettag $0x2  }
0xca: {  	s0 =	rddreg [dreg:$0x0];
	s2 =	stileid.u32  }
0xcb: {  	s1 =	rddreg [dreg:$0x1];
	p0 =	sne.s32 s2, $0x0  }
0xcc: {  	s3 =	rddreg [dreg:$0x2];
	[bflag:$0x3] =	sbarrier.arrive $0xFFFF;
	s2 =	simm.s32 @!p0 $0x1C02  }
0xcd: {  	[timem:s3], [sflag:s2] =	dma.local @!p0 [hbm:s0], s1  }
0xce: {  	s0 =	simm.s32 @!p0 $0x2  }
0xcf: {  	_ =	swait.ge @!p0 [sflag:s0], s1  }
0xd0: {  	s1 =	ssub.s32 @!p0 $0x0, s1;
	[sflag:s0] =	ssyncset.done @!p0 $0x0  }
0xd1: {  	[sflag:s0] =	ssyncadd.s32 @!p0 s1  }
0xd2: {  	[bflag:$0x3] =	sbarrier.arrive $0xFFFF  }
0xd3: {  	_ =	shalt  }

</sc_bundles>
